<compile_context>
chip_gen: v7x
topology: tpu7x:2x2x1
jax: 0.10.2.dev20260603
libtpu: 0.0.44.dev20260713+nightly
codegen_flags: <defaults>
</compile_context>

<pallas_src>
import functools

import jax
import jax.numpy as jnp
import numpy as np
from jax import lax
from jax.experimental import pallas as pl
from jax.experimental.pallas import tpu as pltpu
from jax.experimental.pallas import tpu_sc as plsc

N = 10000
D = 128
E = 320000

NC = 2
NS = 16
NW = NC * NS

CHUNK = 128
HALF = CHUNK // 2
DP = D // 2
NCH = 80
EPT = NCH * CHUNK
E_PAD = NW * EPT
N_PAD = 10240
ROWS_PT = N_PAD // NS

PERM = np.concatenate([np.arange(0, D, 2), np.arange(1, D, 2)])


def _sc_segment_sum_body(h_hbm, src_hbm, dst_hbm, out_hbm,
                         sidx, didx, p0, p1, f0, acc, semA, semB):
    cid = lax.axis_index("c")
    sid = lax.axis_index("s")
    wid = cid * NS + sid

    pltpu.sync_copy(src_hbm.at[wid], sidx)
    pltpu.async_copy(h_hbm.at[sidx.at[0]], p0, semA)
    pltpu.async_copy(h_hbm.at[sidx.at[1]], p1, semB)
    pltpu.sync_copy(dst_hbm.at[wid], didx)

    def _zrow(i, carry):
        f0[i // 8, pl.ds((i % 8) * 16, 16)] = jnp.zeros((16,), jnp.float32)
        return carry

    lax.fori_loop(0, HALF * 8, _zrow, 0)

    def _zcp(k, carry):
        pltpu.sync_copy(f0, acc.at[pl.ds(sid * ROWS_PT + k * HALF, HALF)])
        return carry

    lax.fori_loop(0, ROWS_PT // HALF, _zcp, 0)
    plsc.subcore_barrier()

    shift16 = jnp.full((16,), 16, jnp.int32)
    himask = jnp.full((16,), -65536, jnp.int32)

    def _convert(pbuf, fbuf, base):
        def _row(r, carry):
            for t in range(4):
                w = pbuf[base + r, pl.ds(16 * t, 16)]
                fbuf[r, pl.ds(16 * t, 16)] = plsc.bitcast(
                    lax.shift_left(w, shift16), jnp.float32)
                fbuf[r, pl.ds(64 + 16 * t, 16)] = plsc.bitcast(
                    lax.bitwise_and(w, himask), jnp.float32)
            return carry

        lax.fori_loop(0, HALF, _row, 0)

    def _one(j, pbuf, sem):
        pltpu.make_async_copy(h_hbm.at[sidx.at[j]], pbuf, sem).wait()
        _convert(pbuf, f0, 0)
        pltpu.sync_copy(f0, acc.at[didx.at[2 * j]], add=True)
        _convert(pbuf, f0, HALF)
        pltpu.sync_copy(f0, acc.at[didx.at[2 * j + 1]], add=True)

        @pl.when(j + 2 < NCH)
        def _():
            pltpu.async_copy(h_hbm.at[sidx.at[j + 2]], pbuf, sem)

    def _pair(s, carry):
        _one(2 * s, p0, semA)
        _one(2 * s + 1, p1, semB)
        return carry

    lax.fori_loop(0, NCH // 2, _pair, 0)
    plsc.subcore_barrier()

    pltpu.sync_copy(acc.at[pl.ds(sid * ROWS_PT, ROWS_PT)],
                    out_hbm.at[cid, pl.ds(sid * ROWS_PT, ROWS_PT)])


_sc_segment_sum = pl.kernel(
    _sc_segment_sum_body,
    out_type=jax.ShapeDtypeStruct((NC, N_PAD, D), jnp.float32),
    mesh=plsc.VectorSubcoreMesh(core_axis_name="c", subcore_axis_name="s",
                                num_cores=NC),
    compiler_params=pltpu.CompilerParams(use_tc_tiling_on_sc=False,
                                         needs_layout_passes=False),
    scratch_types=[
        pltpu.VMEM((NCH, CHUNK), jnp.int32),
        pltpu.VMEM((2 * NCH, HALF), jnp.int32),
        pltpu.VMEM((CHUNK, DP), jnp.int32),
        pltpu.VMEM((CHUNK, DP), jnp.int32),
        pltpu.VMEM((HALF, D), jnp.float32),
        pltpu.VMEM_SHARED((N_PAD, D), jnp.float32),
        pltpu.SemaphoreType.DMA,
        pltpu.SemaphoreType.DMA,
    ],
)


BN = 1024


def _pack_rows(o):
    lo = lax.bitcast_convert_type(o[:, :DP].astype(jnp.bfloat16), jnp.uint16)
    hi = lax.bitcast_convert_type(o[:, DP:].astype(jnp.bfloat16), jnp.uint16)
    return lo.astype(jnp.int32) | (hi.astype(jnp.int32) << 16)


def _prep_body(x_ref, pmat_ref, xp_ref, xpk_ref):
    xp = jnp.dot(x_ref[...], pmat_ref[...], preferred_element_type=jnp.float32,
                 precision=lax.Precision.HIGHEST)
    xp_ref[...] = xp
    xpk_ref[...] = _pack_rows(xp)


def _prep(x, pmat):
    row = pl.BlockSpec((BN, D), lambda i: (i, 0))
    return pl.pallas_call(
        _prep_body,
        grid=(N_PAD // BN,),
        in_specs=[row, pl.BlockSpec((D, D), lambda i: (0, 0))],
        out_specs=[row, pl.BlockSpec((BN, DP), lambda i: (i, 0))],
        out_shape=[jax.ShapeDtypeStruct((N_PAD, D), jnp.float32),
                   jax.ShapeDtypeStruct((N_PAD, DP), jnp.int32)],
    )(x, pmat)


def _mlp_body(last, h_ref, parts_ref, w1_ref, b1_ref, w2_ref, b2_ref,
              o_ref, opk_ref=None):
    m = h_ref[...] + parts_ref[0] + parts_ref[1]
    t = jnp.maximum(jnp.dot(m, w1_ref[...], preferred_element_type=jnp.float32,
                            precision=lax.Precision.HIGHEST) + b1_ref[...], 0.0)
    o = jnp.dot(t, w2_ref[...], preferred_element_type=jnp.float32,
                precision=lax.Precision.HIGHEST) + b2_ref[...]
    if last:
        nrm = jnp.sqrt(jnp.sum(o * o, axis=1, keepdims=True))
        o_ref[...] = o / jnp.maximum(nrm, 1e-12)
    else:
        o = jnp.maximum(o, 0.0)
        o_ref[...] = o
        opk_ref[...] = _pack_rows(o)


def _mlp(h, parts, w1, b1, w2, b2, last):
    row = pl.BlockSpec((BN, D), lambda i: (i, 0))
    prow = pl.BlockSpec((2, BN, D), lambda i: (0, i, 0))
    full = pl.BlockSpec((D, D), lambda i: (0, 0))
    bias = pl.BlockSpec((1, D), lambda i: (0, 0))
    if last:
        out_specs = row
        out_shape = jax.ShapeDtypeStruct((N, D), jnp.float32)
    else:
        out_specs = [row, pl.BlockSpec((BN, DP), lambda i: (i, 0))]
        out_shape = [jax.ShapeDtypeStruct((N_PAD, D), jnp.float32),
                     jax.ShapeDtypeStruct((N_PAD, DP), jnp.int32)]
    return pl.pallas_call(
        functools.partial(_mlp_body, last),
        grid=(N_PAD // BN,),
        in_specs=[row, prow, full, bias, full, bias],
        out_specs=out_specs,
        out_shape=out_shape,
    )(h, parts, w1, b1.reshape(1, D), w2, b2.reshape(1, D))


def kernel(x, edge_index, edge_weight, W1_0, b1_0, W2_0, b2_0,
           W1_1, b1_1, W2_1, b2_1):
    ei = jnp.pad(edge_index, ((0, 0), (0, E_PAD - E)), constant_values=N)
    src4 = ei[0].reshape(NW, NCH, CHUNK)
    dst4 = ei[1].reshape(NW, 2 * NCH, HALF)

    perm = jnp.asarray(PERM)
    pmat = jnp.zeros((D, D), jnp.float32).at[perm, jnp.arange(D)].set(1.0)
    W1_0p = W1_0[perm, :]
    W1_1p = W1_1[perm, :]
    W2_0p = W2_0[:, perm]
    b2_0p = b2_0[perm]

    x_perm, x_pack = _prep(x, pmat)
    parts = _sc_segment_sum(x_pack, src4, dst4)
    h1p, h1pk = _mlp(x_perm, parts, W1_0p, b1_0, W2_0p, b2_0p, last=False)
    parts = _sc_segment_sum(h1pk, src4, dst4)
    return _mlp(h1p, parts, W1_1p, b1_1, W2_1, b2_1, last=True)

# --- scband reference (transcript-rebuilt; emitter-appended) ---
"""Pipeline reference for scband-ginlift-network-14448269983750 (READ-ONLY COPY).

The authoritative reference and input builder live on the scoring server;
editing this copy changes nothing except your own understanding.
"""

import jax, jax.numpy as jnp
import numpy as np

N = 10000
E = 320000
D = 128
H = 128


def setup_inputs(seed: int = 0) -> dict:
    key = jax.random.key(seed)
    ks = jax.random.split(key, 12)
    x = jax.random.normal(ks[0], (N, D), dtype=jnp.float32)
    edge_index = jax.random.randint(ks[1], (2, E), 0, N, dtype=jnp.int32)
    edge_weight = jax.random.uniform(ks[2], (E,), dtype=jnp.float32)
    s1 = 1.0 / np.sqrt(D)
    s2 = 1.0 / np.sqrt(H)
    W1_0 = jax.random.uniform(ks[3], (D, H), jnp.float32, -s1, s1)
    b1_0 = jax.random.uniform(ks[4], (H,), jnp.float32, -s1, s1)
    W2_0 = jax.random.uniform(ks[5], (H, H), jnp.float32, -s2, s2)
    b2_0 = jax.random.uniform(ks[6], (H,), jnp.float32, -s2, s2)
    W1_1 = jax.random.uniform(ks[7], (H, H), jnp.float32, -s2, s2)
    b1_1 = jax.random.uniform(ks[8], (H,), jnp.float32, -s2, s2)
    W2_1 = jax.random.uniform(ks[9], (H, H), jnp.float32, -s2, s2)
    b2_1 = jax.random.uniform(ks[10], (H,), jnp.float32, -s2, s2)
    return {"x": x, "edge_index": edge_index, "edge_weight": edge_weight,
            "W1_0": W1_0, "b1_0": b1_0, "W2_0": W2_0, "b2_0": b2_0,
            "W1_1": W1_1, "b1_1": b1_1, "W2_1": W2_1, "b2_1": b2_1}


def reference(x, edge_index, edge_weight, W1_0, b1_0, W2_0, b2_0, W1_1, b1_1, W2_1, b2_1):
    # GINLiftNetwork.forward: GIN (2 layers, eps=0, relu act between layers,
    # no norm, dropout=0) followed by F.normalize(out, dim=1).
    src = edge_index[0]
    dst = edge_index[1]

    def gin_conv(h, W1, b1, W2, b2):
        # neighbor sum aggregation: sum_{j in N(i)} h_j
        agg = jax.ops.segment_sum(h[src], dst, num_segments=N)
        m = h + agg  # (1 + eps) * h + agg with eps = 0
        m = jnp.maximum(m @ W1 + b1, 0.0)  # MLP hidden layer (relu)
        return m @ W2 + b2

    h = gin_conv(x, W1_0, b1_0, W2_0, b2_0)
    h = jnp.maximum(h, 0.0)  # inter-layer activation (not applied after last layer)
    h = gin_conv(h, W1_1, b1_1, W2_1, b2_1)
    # F.normalize(h, dim=1)
    nrm = jnp.sqrt(jnp.sum(h * h, axis=1, keepdims=True))
    out = h / jnp.maximum(nrm, 1e-12)
    return out

if __name__ == "__main__":
    import jax
    _d = setup_inputs()
    print(jax.jit(kernel)(*tuple(_d.values())))

</pallas_src>

<mosaic_0001>
#map = affine_map<(d0, d1) -> (0, 0)>
#map1 = affine_map<(d0, d1) -> (0, 0, 0)>
module attributes {stable_mosaic.version = 14 : i64} {
  func.func @_sc_segment_sum_body(%arg0: i32, %arg1: i32, %arg2: memref<10240x64xi32, #tpu.memory_space<hbm>>, %arg3: memref<32x80x128xi32, #tpu.memory_space<hbm>>, %arg4: memref<32x160x64xi32, #tpu.memory_space<hbm>>, %arg5: memref<2x10240x128xf32, #tpu.memory_space<hbm>>, %arg6: memref<80x128xi32, #tpu.memory_space<vmem>>, %arg7: memref<160x64xi32, #tpu.memory_space<vmem>>, %arg8: memref<128x64xi32, #tpu.memory_space<vmem>>, %arg9: memref<128x64xi32, #tpu.memory_space<vmem>>, %arg10: memref<64x128xf32, #tpu.memory_space<vmem>>, %arg11: memref<10240x128xf32, #tpu.memory_space<vmem_shared>>, %arg12: memref<!tpu.dma_semaphore, #tpu.memory_space<semaphore_mem>>, %arg13: memref<!tpu.dma_semaphore, #tpu.memory_space<semaphore_mem>>) attributes {dimension_semantics = [#tpu.dimension_semantics<core_parallel>, #tpu.dimension_semantics<subcore_parallel>], iteration_bounds = array<i64: 2, 16>, scalar_prefetch = 0 : i64, scratch_operands = 8 : i64, tpu.core_type = #tpu.core_type<sc_vector_subcore>, window_params = [{transform_indices = #map}, {transform_indices = #map1}, {transform_indices = #map1}, {transform_indices = #map1}]} {
    %mul3A = arith.constant 16 : i32
    %mul3A_0 = arith.muli %arg0, %mul3A : i32
    %add3A = arith.addi %mul3A_0, %arg1 : i32
    "tpu.region"() ({
      %run_scoped3A = tpu.sem_alloc : memref<!tpu.dma_semaphore, #tpu.memory_space<semaphore_mem>>
      %dma_start3A_39 = arith.constant 0 : i32
      %dma_start3A_40 = arith.constant 0 : i32
      %dma_start3A_41 = tpu.memref_slice %arg3[%add3A, %dma_start3A_39, %dma_start3A_40] : memref<32x80x128xi32, #tpu.memory_space<hbm>> -> memref<1x80x128xi32, #tpu.memory_space<hbm>>
      %dma_start3A_42 = tpu.memref_squeeze %dma_start3A_41 : memref<1x80x128xi32, #tpu.memory_space<hbm>> -> memref<80x128xi32, #tpu.memory_space<hbm>>
      %dma_start3A_43 = arith.constant 0 : i32
      %dma_start3A_44 = arith.constant 0 : i32
      %dma_start3A_45 = tpu.memref_slice %arg3[%add3A, %dma_start3A_43, %dma_start3A_44] : memref<32x80x128xi32, #tpu.memory_space<hbm>> -> memref<1x80x128xi32, #tpu.memory_space<hbm>>
      %dma_start3A_46 = tpu.memref_squeeze %dma_start3A_45 : memref<1x80x128xi32, #tpu.memory_space<hbm>> -> memref<80x128xi32, #tpu.memory_space<hbm>>
      tpu.enqueue_dma source(%dma_start3A_46 : memref<80x128xi32, #tpu.memory_space<hbm>>) target(%arg6 : memref<80x128xi32, #tpu.memory_space<vmem>>) target_semaphore(%run_scoped3A : memref<!tpu.dma_semaphore, #tpu.memory_space<semaphore_mem>>)
      %dma_wait3A = arith.constant 0 : i32
      %dma_wait3A_47 = arith.constant 0 : i32
      %dma_wait3A_48 = tpu.memref_slice %arg3[%add3A, %dma_wait3A, %dma_wait3A_47] : memref<32x80x128xi32, #tpu.memory_space<hbm>> -> memref<1x80x128xi32, #tpu.memory_space<hbm>>
      %dma_wait3A_49 = tpu.memref_squeeze %dma_wait3A_48 : memref<1x80x128xi32, #tpu.memory_space<hbm>> -> memref<80x128xi32, #tpu.memory_space<hbm>>
      %dma_wait3A_50 = arith.constant 0 : i32
      %dma_wait3A_51 = arith.constant 0 : i32
      %dma_wait3A_52 = tpu.memref_slice %arg3[%add3A, %dma_wait3A_50, %dma_wait3A_51] : memref<32x80x128xi32, #tpu.memory_space<hbm>> -> memref<1x80x128xi32, #tpu.memory_space<hbm>>
      %dma_wait3A_53 = tpu.memref_squeeze %dma_wait3A_52 : memref<1x80x128xi32, #tpu.memory_space<hbm>> -> memref<80x128xi32, #tpu.memory_space<hbm>>
      tpu.wait_dma2 semaphore(%run_scoped3A : memref<!tpu.dma_semaphore, #tpu.memory_space<semaphore_mem>>) src(%dma_wait3A_53 : memref<80x128xi32, #tpu.memory_space<hbm>>) dst(%arg6 : memref<80x128xi32, #tpu.memory_space<vmem>>)
      tpu.yield
    }) : () -> ()
    %dma_start3A = arith.constant 0 : i32
    %dma_start3A_1 = arith.constant 0 : i32
    %dma_start3A_2 = tpu.memref_slice %arg6[%dma_start3A, %dma_start3A_1] : memref<80x128xi32, #tpu.memory_space<vmem>> -> memref<1x128xi32, #tpu.memory_space<vmem>>
    %dma_start3A_3 = tpu.memref_squeeze %dma_start3A_2 : memref<1x128xi32, #tpu.memory_space<vmem>> -> memref<128xi32, #tpu.memory_space<vmem>>
    %dma_start3A_4 = arith.constant 0 : i32
    %dma_start3A_5 = arith.constant 0 : i32
    %dma_start3A_6 = tpu.memref_slice %arg2[%dma_start3A_4, %dma_start3A_5] : memref<10240x64xi32, #tpu.memory_space<hbm>> -> memref<10240x64xi32, #tpu.memory_space<hbm>>
    tpu.enqueue_indirect_dma source(%dma_start3A_6 : memref<10240x64xi32, #tpu.memory_space<hbm>>) target(%arg8 : memref<128x64xi32, #tpu.memory_space<vmem>>) offsets(%dma_start3A_3 : memref<128xi32, #tpu.memory_space<vmem>>) semaphore(%arg12 : memref<!tpu.dma_semaphore, #tpu.memory_space<semaphore_mem>>)
    %dma_start3A_7 = arith.constant 1 : i32
    %dma_start3A_8 = arith.constant 0 : i32
    %dma_start3A_9 = tpu.memref_slice %arg6[%dma_start3A_7, %dma_start3A_8] : memref<80x128xi32, #tpu.memory_space<vmem>> -> memref<1x128xi32, #tpu.memory_space<vmem>>
    %dma_start3A_10 = tpu.memref_squeeze %dma_start3A_9 : memref<1x128xi32, #tpu.memory_space<vmem>> -> memref<128xi32, #tpu.memory_space<vmem>>
    %dma_start3A_11 = arith.constant 0 : i32
    %dma_start3A_12 = arith.constant 0 : i32
    %dma_start3A_13 = tpu.memref_slice %arg2[%dma_start3A_11, %dma_start3A_12] : memref<10240x64xi32, #tpu.memory_space<hbm>> -> memref<10240x64xi32, #tpu.memory_space<hbm>>
    tpu.enqueue_indirect_dma source(%dma_start3A_13 : memref<10240x64xi32, #tpu.memory_space<hbm>>) target(%arg9 : memref<128x64xi32, #tpu.memory_space<vmem>>) offsets(%dma_start3A_10 : memref<128xi32, #tpu.memory_space<vmem>>) semaphore(%arg13 : memref<!tpu.dma_semaphore, #tpu.memory_space<semaphore_mem>>)
    "tpu.region"() ({
      %run_scoped3A = tpu.sem_alloc : memref<!tpu.dma_semaphore, #tpu.memory_space<semaphore_mem>>
      %dma_start3A_39 = arith.constant 0 : i32
      %dma_start3A_40 = arith.constant 0 : i32
      %dma_start3A_41 = tpu.memref_slice %arg4[%add3A, %dma_start3A_39, %dma_start3A_40] : memref<32x160x64xi32, #tpu.memory_space<hbm>> -> memref<1x160x64xi32, #tpu.memory_space<hbm>>
      %dma_start3A_42 = tpu.memref_squeeze %dma_start3A_41 : memref<1x160x64xi32, #tpu.memory_space<hbm>> -> memref<160x64xi32, #tpu.memory_space<hbm>>
      %dma_start3A_43 = arith.constant 0 : i32
      %dma_start3A_44 = arith.constant 0 : i32
      %dma_start3A_45 = tpu.memref_slice %arg4[%add3A, %dma_start3A_43, %dma_start3A_44] : memref<32x160x64xi32, #tpu.memory_space<hbm>> -> memref<1x160x64xi32, #tpu.memory_space<hbm>>
      %dma_start3A_46 = tpu.memref_squeeze %dma_start3A_45 : memref<1x160x64xi32, #tpu.memory_space<hbm>> -> memref<160x64xi32, #tpu.memory_space<hbm>>
      tpu.enqueue_dma source(%dma_start3A_46 : memref<160x64xi32, #tpu.memory_space<hbm>>) target(%arg7 : memref<160x64xi32, #tpu.memory_space<vmem>>) target_semaphore(%run_scoped3A : memref<!tpu.dma_semaphore, #tpu.memory_space<semaphore_mem>>)
      %dma_wait3A = arith.constant 0 : i32
      %dma_wait3A_47 = arith.constant 0 : i32
      %dma_wait3A_48 = tpu.memref_slice %arg4[%add3A, %dma_wait3A, %dma_wait3A_47] : memref<32x160x64xi32, #tpu.memory_space<hbm>> -> memref<1x160x64xi32, #tpu.memory_space<hbm>>
      %dma_wait3A_49 = tpu.memref_squeeze %dma_wait3A_48 : memref<1x160x64xi32, #tpu.memory_space<hbm>> -> memref<160x64xi32, #tpu.memory_space<hbm>>
      %dma_wait3A_50 = arith.constant 0 : i32
      %dma_wait3A_51 = arith.constant 0 : i32
      %dma_wait3A_52 = tpu.memref_slice %arg4[%add3A, %dma_wait3A_50, %dma_wait3A_51] : memref<32x160x64xi32, #tpu.memory_space<hbm>> -> memref<1x160x64xi32, #tpu.memory_space<hbm>>
      %dma_wait3A_53 = tpu.memref_squeeze %dma_wait3A_52 : memref<1x160x64xi32, #tpu.memory_space<hbm>> -> memref<160x64xi32, #tpu.memory_space<hbm>>
      tpu.wait_dma2 semaphore(%run_scoped3A : memref<!tpu.dma_semaphore, #tpu.memory_space<semaphore_mem>>) src(%dma_wait3A_53 : memref<160x64xi32, #tpu.memory_space<hbm>>) dst(%arg7 : memref<160x64xi32, #tpu.memory_space<vmem>>)
      tpu.yield
    }) : () -> ()
    %scan3A = arith.constant 0 : i32
    %scan3A_14 = arith.constant 0 : i32
    %scan3A_15 = arith.constant 512 : i32
    %scan3A_16 = arith.addi %scan3A_14, %scan3A_15 : i32
    %scan3A_17 = arith.constant 1 : i32
    scf.for %scan3A_39 = %scan3A_14 to %scan3A_16 step %scan3A_17  : i32 {
      %broadcast_in_dim3A_40 = arith.constant 0.000000e+00 : f32
      %broadcast_in_dim3A_41 = vector.broadcast %broadcast_in_dim3A_40 : f32 to vector<16xf32>
      %jit3A = arith.constant 8 : i32
      %div3A = arith.divsi %scan3A_39, %jit3A : i32
      %sign3A = arith.constant 0 : i32
      %sign3A_42 = arith.cmpi sgt, %scan3A_39, %sign3A : i32
      %sign3A_43 = arith.extui %sign3A_42 : i1 to i32
      %sign3A_44 = arith.constant 0 : i32
      %sign3A_45 = arith.cmpi slt, %scan3A_39, %sign3A_44 : i32
      %sign3A_46 = arith.extui %sign3A_45 : i1 to i32
      %sign3A_47 = arith.subi %sign3A_43, %sign3A_46 : i32
      %sign3A_48 = arith.constant 0 : i32
      %sign3A_49 = arith.cmpi sgt, %jit3A, %sign3A_48 : i32
      %sign3A_50 = arith.extui %sign3A_49 : i1 to i32
      %sign3A_51 = arith.constant 0 : i32
      %sign3A_52 = arith.cmpi slt, %jit3A, %sign3A_51 : i32
      %sign3A_53 = arith.extui %sign3A_52 : i1 to i32
      %sign3A_54 = arith.subi %sign3A_50, %sign3A_53 : i32
      %ne3A = arith.cmpi ne, %sign3A_47, %sign3A_54 : i32
      %rem3A = arith.remsi %scan3A_39, %jit3A : i32
      %ne3A_55 = arith.constant 0 : i32
      %ne3A_56 = arith.cmpi ne, %rem3A, %ne3A_55 : i32
      %and3A = arith.andi %ne3A, %ne3A_56 : i1
      %sub3A = arith.constant 1 : i32
      %sub3A_57 = arith.subi %div3A, %sub3A : i32
      %select_n3A = arith.select %and3A, %sub3A_57, %div3A : i32
      %jit3A_58 = arith.constant 8 : i32
      %eq3A = arith.constant 0 : i32
      %eq3A_59 = arith.cmpi eq, %jit3A_58, %eq3A : i32
      %jit3A_60 = arith.constant 1 : i32
      %select_n3A_61 = arith.select %eq3A_59, %jit3A_60, %jit3A_58 : i32
      %rem3A_62 = arith.remsi %scan3A_39, %select_n3A_61 : i32
      %ne3A_63 = arith.constant 0 : i32
      %ne3A_64 = arith.cmpi ne, %rem3A_62, %ne3A_63 : i32
      %lt3A = arith.constant 0 : i32
      %lt3A_65 = arith.cmpi slt, %rem3A_62, %lt3A : i32
      %lt3A_66 = arith.constant 0 : i32
      %lt3A_67 = arith.cmpi slt, %select_n3A_61, %lt3A_66 : i32
      %ne3A_68 = arith.xori %lt3A_65, %lt3A_67 : i1
      %and3A_69 = arith.andi %ne3A_68, %ne3A_64 : i1
      %add3A_70 = arith.addi %rem3A_62, %select_n3A_61 : i32
      %select_n3A_71 = arith.select %and3A_69, %add3A_70, %rem3A_62 : i32
      %mul3A_72 = arith.constant 16 : i32
      %mul3A_73 = arith.muli %select_n3A_71, %mul3A_72 : i32
      %swap3A = arith.index_cast %select_n3A : i32 to index
      %swap3A_74 = arith.index_cast %mul3A_73 : i32 to index
      %swap3A_75 = tpu.vector_load %arg10[%swap3A, %swap3A_74] {strides = array<i32>} : memref<64x128xf32, #tpu.memory_space<vmem>>, vector<16xf32>,
      tpu.vector_store %arg10[%swap3A, %swap3A_74], %broadcast_in_dim3A_41 {strides = array<i32>} : memref<64x128xf32, #tpu.memory_space<vmem>>, vector<16xf32>,
    }
    %scan3A_18 = arith.constant 512 : i32
    %scan3A_19 = arith.constant 0 : i32
    %scan3A_20 = arith.constant 0 : i32
    %scan3A_21 = arith.constant 10 : i32
    %scan3A_22 = arith.addi %scan3A_20, %scan3A_21 : i32
    %scan3A_23 = arith.constant 1 : i32
    scf.for %scan3A_39 = %scan3A_20 to %scan3A_22 step %scan3A_23  : i32 {
      %mul3A_40 = arith.constant 640 : i32
      %mul3A_41 = arith.muli %arg1, %mul3A_40 : i32
      %mul3A_42 = arith.constant 64 : i32
      %mul3A_43 = arith.muli %scan3A_39, %mul3A_42 : i32
      %add3A_44 = arith.addi %mul3A_41, %mul3A_43 : i32
      "tpu.region"() ({
        %run_scoped3A = tpu.sem_alloc : memref<!tpu.dma_semaphore, #tpu.memory_space<semaphore_mem>>
        %dma_start3A_45 = arith.constant 0 : i32
        %dma_start3A_46 = tpu.memref_slice %arg11[%add3A_44, %dma_start3A_45] : memref<10240x128xf32, #tpu.memory_space<vmem_shared>> -> memref<64x128xf32, #tpu.memory_space<vmem_shared>>
        %dma_start3A_47 = arith.constant 0 : i32
        %dma_start3A_48 = tpu.memref_slice %arg11[%add3A_44, %dma_start3A_47] : memref<10240x128xf32, #tpu.memory_space<vmem_shared>> -> memref<64x128xf32, #tpu.memory_space<vmem_shared>>
        tpu.enqueue_dma source(%arg10 : memref<64x128xf32, #tpu.memory_space<vmem>>) target(%dma_start3A_48 : memref<64x128xf32, #tpu.memory_space<vmem_shared>>) target_semaphore(%run_scoped3A : memref<!tpu.dma_semaphore, #tpu.memory_space<semaphore_mem>>)
        %dma_wait3A = arith.constant 0 : i32
        %dma_wait3A_49 = tpu.memref_slice %arg11[%add3A_44, %dma_wait3A] : memref<10240x128xf32, #tpu.memory_space<vmem_shared>> -> memref<64x128xf32, #tpu.memory_space<vmem_shared>>
        %dma_wait3A_50 = arith.constant 0 : i32
        %dma_wait3A_51 = tpu.memref_slice %arg11[%add3A_44, %dma_wait3A_50] : memref<10240x128xf32, #tpu.memory_space<vmem_shared>> -> memref<64x128xf32, #tpu.memory_space<vmem_shared>>
        tpu.wait_dma2 semaphore(%run_scoped3A : memref<!tpu.dma_semaphore, #tpu.memory_space<semaphore_mem>>) src(%arg10 : memref<64x128xf32, #tpu.memory_space<vmem>>) dst(%dma_wait3A_51 : memref<64x128xf32, #tpu.memory_space<vmem_shared>>)
        tpu.yield
      }) : () -> ()
    }
    %scan3A_24 = arith.constant 10 : i32
    %barrier3A = arith.constant 0 : index
    tpu.barrier barrier_id(%barrier3A)
    %broadcast_in_dim3A = arith.constant 16 : i32
    %broadcast_in_dim3A_25 = vector.broadcast %broadcast_in_dim3A : i32 to vector<16xi32>
    %broadcast_in_dim3A_26 = arith.constant -65536 : i32
    %broadcast_in_dim3A_27 = vector.broadcast %broadcast_in_dim3A_26 : i32 to vector<16xi32>
    %scan3A_28 = arith.constant 0 : i32
    %scan3A_29 = arith.constant 0 : i32
    %scan3A_30 = arith.constant 40 : i32
    %scan3A_31 = arith.addi %scan3A_29, %scan3A_30 : i32
    %scan3A_32 = arith.constant 1 : i32
    scf.for %scan3A_39 = %scan3A_29 to %scan3A_31 step %scan3A_32  : i32 {
      %mul3A_40 = arith.constant 2 : i32
      %mul3A_41 = arith.muli %mul3A_40, %scan3A_39 : i32
      %dma_wait3A = arith.constant 0 : i32
      %dma_wait3A_42 = tpu.memref_slice %arg6[%mul3A_41, %dma_wait3A] : memref<80x128xi32, #tpu.memory_space<vmem>> -> memref<1x128xi32, #tpu.memory_space<vmem>>
      %dma_wait3A_43 = tpu.memref_squeeze %dma_wait3A_42 : memref<1x128xi32, #tpu.memory_space<vmem>> -> memref<128xi32, #tpu.memory_space<vmem>>
      %dma_wait3A_44 = arith.constant 0 : i32
      %dma_wait3A_45 = arith.constant 0 : i32
      %dma_wait3A_46 = tpu.memref_slice %arg2[%dma_wait3A_44, %dma_wait3A_45] : memref<10240x64xi32, #tpu.memory_space<hbm>> -> memref<10240x64xi32, #tpu.memory_space<hbm>>
      tpu.wait_indirect_dma semaphore(%arg12 : memref<!tpu.dma_semaphore, #tpu.memory_space<semaphore_mem>>) src(%dma_wait3A_46 : memref<10240x64xi32, #tpu.memory_space<hbm>>) dst(%arg8 : memref<128x64xi32, #tpu.memory_space<vmem>>)
      %scan3A_47 = arith.constant 0 : i32
      %scan3A_48 = arith.constant 0 : i32
      %scan3A_49 = arith.constant 64 : i32
      %scan3A_50 = arith.addi %scan3A_48, %scan3A_49 : i32
      %scan3A_51 = arith.constant 1 : i32
      scf.for %scan3A_104 = %scan3A_48 to %scan3A_50 step %scan3A_51  : i32 {
        %add3A_105 = arith.constant 0 : i32
        %add3A_106 = arith.addi %add3A_105, %scan3A_104 : i32
        %get3A = arith.index_cast %add3A_106 : i32 to index
        %get3A_107 = arith.constant 0 : index
        %get3A_108 = tpu.vector_load %arg8[%get3A, %get3A_107] {strides = array<i32>} : memref<128x64xi32, #tpu.memory_space<vmem>>, vector<16xi32>,
        %shift_left3A = arith.shli %get3A_108, %broadcast_in_dim3A_25 : vector<16xi32>
        %bitcast3A = vector.bitcast %shift_left3A : vector<16xi32> to vector<16xf32>
        %swap3A = arith.index_cast %scan3A_104 : i32 to index
        %swap3A_109 = arith.constant 0 : index
        %swap3A_110 = tpu.vector_load %arg10[%swap3A, %swap3A_109] {strides = array<i32>} : memref<64x128xf32, #tpu.memory_space<vmem>>, vector<16xf32>,
        tpu.vector_store %arg10[%swap3A, %swap3A_109], %bitcast3A {strides = array<i32>} : memref<64x128xf32, #tpu.memory_space<vmem>>, vector<16xf32>,
        %and3A = arith.andi %get3A_108, %broadcast_in_dim3A_27 : vector<16xi32>
        %bitcast3A_111 = vector.bitcast %and3A : vector<16xi32> to vector<16xf32>
        %swap3A_112 = arith.index_cast %scan3A_104 : i32 to index
        %swap3A_113 = arith.constant 64 : index
        %swap3A_114 = tpu.vector_load %arg10[%swap3A_112, %swap3A_113] {strides = array<i32>} : memref<64x128xf32, #tpu.memory_space<vmem>>, vector<16xf32>,
        tpu.vector_store %arg10[%swap3A_112, %swap3A_113], %bitcast3A_111 {strides = array<i32>} : memref<64x128xf32, #tpu.memory_space<vmem>>, vector<16xf32>,
        %add3A_115 = arith.constant 0 : i32
        %add3A_116 = arith.addi %add3A_115, %scan3A_104 : i32
        %get3A_117 = arith.index_cast %add3A_116 : i32 to index
        %get3A_118 = arith.constant 16 : index
        %get3A_119 = tpu.vector_load %arg8[%get3A_117, %get3A_118] {strides = array<i32>} : memref<128x64xi32, #tpu.memory_space<vmem>>, vector<16xi32>,
        %shift_left3A_120 = arith.shli %get3A_119, %broadcast_in_dim3A_25 : vector<16xi32>
        %bitcast3A_121 = vector.bitcast %shift_left3A_120 : vector<16xi32> to vector<16xf32>
        %swap3A_122 = arith.index_cast %scan3A_104 : i32 to index
        %swap3A_123 = arith.constant 16 : index
        %swap3A_124 = tpu.vector_load %arg10[%swap3A_122, %swap3A_123] {strides = array<i32>} : memref<64x128xf32, #tpu.memory_space<vmem>>, vector<16xf32>,
        tpu.vector_store %arg10[%swap3A_122, %swap3A_123], %bitcast3A_121 {strides = array<i32>} : memref<64x128xf32, #tpu.memory_space<vmem>>, vector<16xf32>,
        %and3A_125 = arith.andi %get3A_119, %broadcast_in_dim3A_27 : vector<16xi32>
        %bitcast3A_126 = vector.bitcast %and3A_125 : vector<16xi32> to vector<16xf32>
        %swap3A_127 = arith.index_cast %scan3A_104 : i32 to index
        %swap3A_128 = arith.constant 80 : index
        %swap3A_129 = tpu.vector_load %arg10[%swap3A_127, %swap3A_128] {strides = array<i32>} : memref<64x128xf32, #tpu.memory_space<vmem>>, vector<16xf32>,
        tpu.vector_store %arg10[%swap3A_127, %swap3A_128], %bitcast3A_126 {strides = array<i32>} : memref<64x128xf32, #tpu.memory_space<vmem>>, vector<16xf32>,
        %add3A_130 = arith.constant 0 : i32
        %add3A_131 = arith.addi %add3A_130, %scan3A_104 : i32
        %get3A_132 = arith.index_cast %add3A_131 : i32 to index
        %get3A_133 = arith.constant 32 : index
        %get3A_134 = tpu.vector_load %arg8[%get3A_132, %get3A_133] {strides = array<i32>} : memref<128x64xi32, #tpu.memory_space<vmem>>, vector<16xi32>,
        %shift_left3A_135 = arith.shli %get3A_134, %broadcast_in_dim3A_25 : vector<16xi32>
        %bitcast3A_136 = vector.bitcast %shift_left3A_135 : vector<16xi32> to vector<16xf32>
        %swap3A_137 = arith.index_cast %scan3A_104 : i32 to index
        %swap3A_138 = arith.constant 32 : index
        %swap3A_139 = tpu.vector_load %arg10[%swap3A_137, %swap3A_138] {strides = array<i32>} : memref<64x128xf32, #tpu.memory_space<vmem>>, vector<16xf32>,
        tpu.vector_store %arg10[%swap3A_137, %swap3A_138], %bitcast3A_136 {strides = array<i32>} : memref<64x128xf32, #tpu.memory_space<vmem>>, vector<16xf32>,
        %and3A_140 = arith.andi %get3A_134, %broadcast_in_dim3A_27 : vector<16xi32>
        %bitcast3A_141 = vector.bitcast %and3A_140 : vector<16xi32> to vector<16xf32>
        %swap3A_142 = arith.index_cast %scan3A_104 : i32 to index
        %swap3A_143 = arith.constant 96 : index
        %swap3A_144 = tpu.vector_load %arg10[%swap3A_142, %swap3A_143] {strides = array<i32>} : memref<64x128xf32, #tpu.memory_space<vmem>>, vector<16xf32>,
        tpu.vector_store %arg10[%swap3A_142, %swap3A_143], %bitcast3A_141 {strides = array<i32>} : memref<64x128xf32, #tpu.memory_space<vmem>>, vector<16xf32>,
        %add3A_145 = arith.constant 0 : i32
        %add3A_146 = arith.addi %add3A_145, %scan3A_104 : i32
        %get3A_147 = arith.index_cast %add3A_146 : i32 to index
        %get3A_148 = arith.constant 48 : index
        %get3A_149 = tpu.vector_load %arg8[%get3A_147, %get3A_148] {strides = array<i32>} : memref<128x64xi32, #tpu.memory_space<vmem>>, vector<16xi32>,
        %shift_left3A_150 = arith.shli %get3A_149, %broadcast_in_dim3A_25 : vector<16xi32>
        %bitcast3A_151 = vector.bitcast %shift_left3A_150 : vector<16xi32> to vector<16xf32>
        %swap3A_152 = arith.index_cast %scan3A_104 : i32 to index
        %swap3A_153 = arith.constant 48 : index
        %swap3A_154 = tpu.vector_load %arg10[%swap3A_152, %swap3A_153] {strides = array<i32>} : memref<64x128xf32, #tpu.memory_space<vmem>>, vector<16xf32>,
        tpu.vector_store %arg10[%swap3A_152, %swap3A_153], %bitcast3A_151 {strides = array<i32>} : memref<64x128xf32, #tpu.memory_space<vmem>>, vector<16xf32>,
        %and3A_155 = arith.andi %get3A_149, %broadcast_in_dim3A_27 : vector<16xi32>
        %bitcast3A_156 = vector.bitcast %and3A_155 : vector<16xi32> to vector<16xf32>
        %swap3A_157 = arith.index_cast %scan3A_104 : i32 to index
        %swap3A_158 = arith.constant 112 : index
        %swap3A_159 = tpu.vector_load %arg10[%swap3A_157, %swap3A_158] {strides = array<i32>} : memref<64x128xf32, #tpu.memory_space<vmem>>, vector<16xf32>,
        tpu.vector_store %arg10[%swap3A_157, %swap3A_158], %bitcast3A_156 {strides = array<i32>} : memref<64x128xf32, #tpu.memory_space<vmem>>, vector<16xf32>,
      }
      %scan3A_52 = arith.constant 64 : i32
      %mul3A_53 = arith.constant 2 : i32
      %mul3A_54 = arith.muli %mul3A_53, %mul3A_41 : i32
      "tpu.region"() ({
        %run_scoped3A = tpu.sem_alloc : memref<!tpu.dma_semaphore, #tpu.memory_space<semaphore_mem>>
        %dma_start3A_104 = arith.constant 0 : i32
        %dma_start3A_105 = tpu.memref_slice %arg7[%mul3A_54, %dma_start3A_104] : memref<160x64xi32, #tpu.memory_space<vmem>> -> memref<1x64xi32, #tpu.memory_space<vmem>>
        %dma_start3A_106 = tpu.memref_squeeze %dma_start3A_105 : memref<1x64xi32, #tpu.memory_space<vmem>> -> memref<64xi32, #tpu.memory_space<vmem>>
        %dma_start3A_107 = arith.constant 0 : i32
        %dma_start3A_108 = arith.constant 0 : i32
        %dma_start3A_109 = tpu.memref_slice %arg11[%dma_start3A_107, %dma_start3A_108] : memref<10240x128xf32, #tpu.memory_space<vmem_shared>> -> memref<10240x128xf32, #tpu.memory_space<vmem_shared>>
        tpu.enqueue_indirect_dma source(%arg10 : memref<64x128xf32, #tpu.memory_space<vmem>>) target(%dma_start3A_109 : memref<10240x128xf32, #tpu.memory_space<vmem_shared>>) offsets(%dma_start3A_106 : memref<64xi32, #tpu.memory_space<vmem>>) semaphore(%run_scoped3A : memref<!tpu.dma_semaphore, #tpu.memory_space<semaphore_mem>>) {add = true}
        %dma_wait3A_110 = arith.constant 0 : i32
        %dma_wait3A_111 = tpu.memref_slice %arg7[%mul3A_54, %dma_wait3A_110] : memref<160x64xi32, #tpu.memory_space<vmem>> -> memref<1x64xi32, #tpu.memory_space<vmem>>
        %dma_wait3A_112 = tpu.memref_squeeze %dma_wait3A_111 : memref<1x64xi32, #tpu.memory_space<vmem>> -> memref<64xi32, #tpu.memory_space<vmem>>
        %dma_wait3A_113 = arith.constant 0 : i32
        %dma_wait3A_114 = arith.constant 0 : i32
        %dma_wait3A_115 = tpu.memref_slice %arg11[%dma_wait3A_113, %dma_wait3A_114] : memref<10240x128xf32, #tpu.memory_space<vmem_shared>> -> memref<10240x128xf32, #tpu.memory_space<vmem_shared>>
        tpu.wait_indirect_dma semaphore(%run_scoped3A : memref<!tpu.dma_semaphore, #tpu.memory_space<semaphore_mem>>) src(%arg10 : memref<64x128xf32, #tpu.memory_space<vmem>>) dst(%dma_wait3A_115 : memref<10240x128xf32, #tpu.memory_space<vmem_shared>>)
        tpu.yield
      }) : () -> ()
      %scan3A_55 = arith.constant 0 : i32
      %scan3A_56 = arith.constant 0 : i32
      %scan3A_57 = arith.constant 64 : i32
      %scan3A_58 = arith.addi %scan3A_56, %scan3A_57 : i32
      %scan3A_59 = arith.constant 1 : i32
      scf.for %scan3A_104 = %scan3A_56 to %scan3A_58 step %scan3A_59  : i32 {
        %add3A_105 = arith.constant 64 : i32
        %add3A_106 = arith.addi %add3A_105, %scan3A_104 : i32
        %get3A = arith.index_cast %add3A_106 : i32 to index
        %get3A_107 = arith.constant 0 : index
        %get3A_108 = tpu.vector_load %arg8[%get3A, %get3A_107] {strides = array<i32>} : memref<128x64xi32, #tpu.memory_space<vmem>>, vector<16xi32>,
        %shift_left3A = arith.shli %get3A_108, %broadcast_in_dim3A_25 : vector<16xi32>
        %bitcast3A = vector.bitcast %shift_left3A : vector<16xi32> to vector<16xf32>
        %swap3A = arith.index_cast %scan3A_104 : i32 to index
        %swap3A_109 = arith.constant 0 : index
        %swap3A_110 = tpu.vector_load %arg10[%swap3A, %swap3A_109] {strides = array<i32>} : memref<64x128xf32, #tpu.memory_space<vmem>>, vector<16xf32>,
        tpu.vector_store %arg10[%swap3A, %swap3A_109], %bitcast3A {strides = array<i32>} : memref<64x128xf32, #tpu.memory_space<vmem>>, vector<16xf32>,
        %and3A = arith.andi %get3A_108, %broadcast_in_dim3A_27 : vector<16xi32>
        %bitcast3A_111 = vector.bitcast %and3A : vector<16xi32> to vector<16xf32>
        %swap3A_112 = arith.index_cast %scan3A_104 : i32 to index
        %swap3A_113 = arith.constant 64 : index
        %swap3A_114 = tpu.vector_load %arg10[%swap3A_112, %swap3A_113] {strides = array<i32>} : memref<64x128xf32, #tpu.memory_space<vmem>>, vector<16xf32>,
        tpu.vector_store %arg10[%swap3A_112, %swap3A_113], %bitcast3A_111 {strides = array<i32>} : memref<64x128xf32, #tpu.memory_space<vmem>>, vector<16xf32>,
        %add3A_115 = arith.constant 64 : i32
        %add3A_116 = arith.addi %add3A_115, %scan3A_104 : i32
        %get3A_117 = arith.index_cast %add3A_116 : i32 to index
        %get3A_118 = arith.constant 16 : index
        %get3A_119 = tpu.vector_load %arg8[%get3A_117, %get3A_118] {strides = array<i32>} : memref<128x64xi32, #tpu.memory_space<vmem>>, vector<16xi32>,
        %shift_left3A_120 = arith.shli %get3A_119, %broadcast_in_dim3A_25 : vector<16xi32>
        %bitcast3A_121 = vector.bitcast %shift_left3A_120 : vector<16xi32> to vector<16xf32>
        %swap3A_122 = arith.index_cast %scan3A_104 : i32 to index
        %swap3A_123 = arith.constant 16 : index
        %swap3A_124 = tpu.vector_load %arg10[%swap3A_122, %swap3A_123] {strides = array<i32>} : memref<64x128xf32, #tpu.memory_space<vmem>>, vector<16xf32>,
        tpu.vector_store %arg10[%swap3A_122, %swap3A_123], %bitcast3A_121 {strides = array<i32>} : memref<64x128xf32, #tpu.memory_space<vmem>>, vector<16xf32>,
        %and3A_125 = arith.andi %get3A_119, %broadcast_in_dim3A_27 : vector<16xi32>
        %bitcast3A_126 = vector.bitcast %and3A_125 : vector<16xi32> to vector<16xf32>
        %swap3A_127 = arith.index_cast %scan3A_104 : i32 to index
        %swap3A_128 = arith.constant 80 : index
        %swap3A_129 = tpu.vector_load %arg10[%swap3A_127, %swap3A_128] {strides = array<i32>} : memref<64x128xf32, #tpu.memory_space<vmem>>, vector<16xf32>,
        tpu.vector_store %arg10[%swap3A_127, %swap3A_128], %bitcast3A_126 {strides = array<i32>} : memref<64x128xf32, #tpu.memory_space<vmem>>, vector<16xf32>,
        %add3A_130 = arith.constant 64 : i32
        %add3A_131 = arith.addi %add3A_130, %scan3A_104 : i32
        %get3A_132 = arith.index_cast %add3A_131 : i32 to index
        %get3A_133 = arith.constant 32 : index
        %get3A_134 = tpu.vector_load %arg8[%get3A_132, %get3A_133] {strides = array<i32>} : memref<128x64xi32, #tpu.memory_space<vmem>>, vector<16xi32>,
        %shift_left3A_135 = arith.shli %get3A_134, %broadcast_in_dim3A_25 : vector<16xi32>
        %bitcast3A_136 = vector.bitcast %shift_left3A_135 : vector<16xi32> to vector<16xf32>
        %swap3A_137 = arith.index_cast %scan3A_104 : i32 to index
        %swap3A_138 = arith.constant 32 : index
        %swap3A_139 = tpu.vector_load %arg10[%swap3A_137, %swap3A_138] {strides = array<i32>} : memref<64x128xf32, #tpu.memory_space<vmem>>, vector<16xf32>,
        tpu.vector_store %arg10[%swap3A_137, %swap3A_138], %bitcast3A_136 {strides = array<i32>} : memref<64x128xf32, #tpu.memory_space<vmem>>, vector<16xf32>,
        %and3A_140 = arith.andi %get3A_134, %broadcast_in_dim3A_27 : vector<16xi32>
        %bitcast3A_141 = vector.bitcast %and3A_140 : vector<16xi32> to vector<16xf32>
        %swap3A_142 = arith.index_cast %scan3A_104 : i32 to index
        %swap3A_143 = arith.constant 96 : index
        %swap3A_144 = tpu.vector_load %arg10[%swap3A_142, %swap3A_143] {strides = array<i32>} : memref<64x128xf32, #tpu.memory_space<vmem>>, vector<16xf32>,
        tpu.vector_store %arg10[%swap3A_142, %swap3A_143], %bitcast3A_141 {strides = array<i32>} : memref<64x128xf32, #tpu.memory_space<vmem>>, vector<16xf32>,
        %add3A_145 = arith.constant 64 : i32
        %add3A_146 = arith.addi %add3A_145, %scan3A_104 : i32
        %get3A_147 = arith.index_cast %add3A_146 : i32 to index
        %get3A_148 = arith.constant 48 : index
        %get3A_149 = tpu.vector_load %arg8[%get3A_147, %get3A_148] {strides = array<i32>} : memref<128x64xi32, #tpu.memory_space<vmem>>, vector<16xi32>,
        %shift_left3A_150 = arith.shli %get3A_149, %broadcast_in_dim3A_25 : vector<16xi32>
        %bitcast3A_151 = vector.bitcast %shift_left3A_150 : vector<16xi32> to vector<16xf32>
        %swap3A_152 = arith.index_cast %scan3A_104 : i32 to index
        %swap3A_153 = arith.constant 48 : index
        %swap3A_154 = tpu.vector_load %arg10[%swap3A_152, %swap3A_153] {strides = array<i32>} : memref<64x128xf32, #tpu.memory_space<vmem>>, vector<16xf32>,
        tpu.vector_store %arg10[%swap3A_152, %swap3A_153], %bitcast3A_151 {strides = array<i32>} : memref<64x128xf32, #tpu.memory_space<vmem>>, vector<16xf32>,
        %and3A_155 = arith.andi %get3A_149, %broadcast_in_dim3A_27 : vector<16xi32>
        %bitcast3A_156 = vector.bitcast %and3A_155 : vector<16xi32> to vector<16xf32>
        %swap3A_157 = arith.index_cast %scan3A_104 : i32 to index
        %swap3A_158 = arith.constant 112 : index
        %swap3A_159 = tpu.vector_load %arg10[%swap3A_157, %swap3A_158] {strides = array<i32>} : memref<64x128xf32, #tpu.memory_space<vmem>>, vector<16xf32>,
        tpu.vector_store %arg10[%swap3A_157, %swap3A_158], %bitcast3A_156 {strides = array<i32>} : memref<64x128xf32, #tpu.memory_space<vmem>>, vector<16xf32>,
      }
      %scan3A_60 = arith.constant 64 : i32
      %mul3A_61 = arith.constant 2 : i32
      %mul3A_62 = arith.muli %mul3A_61, %mul3A_41 : i32
      %add3A_63 = arith.constant 1 : i32
      %add3A_64 = arith.addi %mul3A_62, %add3A_63 : i32
      "tpu.region"() ({
        %run_scoped3A = tpu.sem_alloc : memref<!tpu.dma_semaphore, #tpu.memory_space<semaphore_mem>>
        %dma_start3A_104 = arith.constant 0 : i32
        %dma_start3A_105 = tpu.memref_slice %arg7[%add3A_64, %dma_start3A_104] : memref<160x64xi32, #tpu.memory_space<vmem>> -> memref<1x64xi32, #tpu.memory_space<vmem>>
        %dma_start3A_106 = tpu.memref_squeeze %dma_start3A_105 : memref<1x64xi32, #tpu.memory_space<vmem>> -> memref<64xi32, #tpu.memory_space<vmem>>
        %dma_start3A_107 = arith.constant 0 : i32
        %dma_start3A_108 = arith.constant 0 : i32
        %dma_start3A_109 = tpu.memref_slice %arg11[%dma_start3A_107, %dma_start3A_108] : memref<10240x128xf32, #tpu.memory_space<vmem_shared>> -> memref<10240x128xf32, #tpu.memory_space<vmem_shared>>
        tpu.enqueue_indirect_dma source(%arg10 : memref<64x128xf32, #tpu.memory_space<vmem>>) target(%dma_start3A_109 : memref<10240x128xf32, #tpu.memory_space<vmem_shared>>) offsets(%dma_start3A_106 : memref<64xi32, #tpu.memory_space<vmem>>) semaphore(%run_scoped3A : memref<!tpu.dma_semaphore, #tpu.memory_space<semaphore_mem>>) {add = true}
        %dma_wait3A_110 = arith.constant 0 : i32
        %dma_wait3A_111 = tpu.memref_slice %arg7[%add3A_64, %dma_wait3A_110] : memref<160x64xi32, #tpu.memory_space<vmem>> -> memref<1x64xi32, #tpu.memory_space<vmem>>
        %dma_wait3A_112 = tpu.memref_squeeze %dma_wait3A_111 : memref<1x64xi32, #tpu.memory_space<vmem>> -> memref<64xi32, #tpu.memory_space<vmem>>
        %dma_wait3A_113 = arith.constant 0 : i32
        %dma_wait3A_114 = arith.constant 0 : i32
        %dma_wait3A_115 = tpu.memref_slice %arg11[%dma_wait3A_113, %dma_wait3A_114] : memref<10240x128xf32, #tpu.memory_space<vmem_shared>> -> memref<10240x128xf32, #tpu.memory_space<vmem_shared>>
        tpu.wait_indirect_dma semaphore(%run_scoped3A : memref<!tpu.dma_semaphore, #tpu.memory_space<semaphore_mem>>) src(%arg10 : memref<64x128xf32, #tpu.memory_space<vmem>>) dst(%dma_wait3A_115 : memref<10240x128xf32, #tpu.memory_space<vmem_shared>>)
        tpu.yield
      }) : () -> ()
      %add3A_65 = arith.constant 2 : i32
      %add3A_66 = arith.addi %mul3A_41, %add3A_65 : i32
      %lt3A = arith.constant 80 : i32
      %lt3A_67 = arith.cmpi slt, %add3A_66, %lt3A : i32
      %convert_element_type3A = arith.extui %lt3A_67 : i1 to i32
      %cond3A = arith.constant 0 : i32
      %cond3A_68 = arith.cmpi ne, %convert_element_type3A, %cond3A : i32
      scf.if %cond3A_68 {
        %add3A_104 = arith.constant 2 : i32
        %add3A_105 = arith.addi %mul3A_41, %add3A_104 : i32
        %dma_start3A_106 = arith.constant 0 : i32
        %dma_start3A_107 = tpu.memref_slice %arg6[%add3A_105, %dma_start3A_106] : memref<80x128xi32, #tpu.memory_space<vmem>> -> memref<1x128xi32, #tpu.memory_space<vmem>>
        %dma_start3A_108 = tpu.memref_squeeze %dma_start3A_107 : memref<1x128xi32, #tpu.memory_space<vmem>> -> memref<128xi32, #tpu.memory_space<vmem>>
        %dma_start3A_109 = arith.constant 0 : i32
        %dma_start3A_110 = arith.constant 0 : i32
        %dma_start3A_111 = tpu.memref_slice %arg2[%dma_start3A_109, %dma_start3A_110] : memref<10240x64xi32, #tpu.memory_space<hbm>> -> memref<10240x64xi32, #tpu.memory_space<hbm>>
        tpu.enqueue_indirect_dma source(%dma_start3A_111 : memref<10240x64xi32, #tpu.memory_space<hbm>>) target(%arg8 : memref<128x64xi32, #tpu.memory_space<vmem>>) offsets(%dma_start3A_108 : memref<128xi32, #tpu.memory_space<vmem>>) semaphore(%arg12 : memref<!tpu.dma_semaphore, #tpu.memory_space<semaphore_mem>>)
      } else {
      }
      %mul3A_69 = arith.constant 2 : i32
      %mul3A_70 = arith.muli %mul3A_69, %scan3A_39 : i32
      %add3A_71 = arith.constant 1 : i32
      %add3A_72 = arith.addi %mul3A_70, %add3A_71 : i32
      %dma_wait3A_73 = arith.constant 0 : i32
      %dma_wait3A_74 = tpu.memref_slice %arg6[%add3A_72, %dma_wait3A_73] : memref<80x128xi32, #tpu.memory_space<vmem>> -> memref<1x128xi32, #tpu.memory_space<vmem>>
      %dma_wait3A_75 = tpu.memref_squeeze %dma_wait3A_74 : memref<1x128xi32, #tpu.memory_space<vmem>> -> memref<128xi32, #tpu.memory_space<vmem>>
      %dma_wait3A_76 = arith.constant 0 : i32
      %dma_wait3A_77 = arith.constant 0 : i32
      %dma_wait3A_78 = tpu.memref_slice %arg2[%dma_wait3A_76, %dma_wait3A_77] : memref<10240x64xi32, #tpu.memory_space<hbm>> -> memref<10240x64xi32, #tpu.memory_space<hbm>>
      tpu.wait_indirect_dma semaphore(%arg13 : memref<!tpu.dma_semaphore, #tpu.memory_space<semaphore_mem>>) src(%dma_wait3A_78 : memref<10240x64xi32, #tpu.memory_space<hbm>>) dst(%arg9 : memref<128x64xi32, #tpu.memory_space<vmem>>)
      %scan3A_79 = arith.constant 0 : i32
      %scan3A_80 = arith.constant 0 : i32
      %scan3A_81 = arith.constant 64 : i32
      %scan3A_82 = arith.addi %scan3A_80, %scan3A_81 : i32
      %scan3A_83 = arith.constant 1 : i32
      scf.for %scan3A_104 = %scan3A_80 to %scan3A_82 step %scan3A_83  : i32 {
        %add3A_105 = arith.constant 0 : i32
        %add3A_106 = arith.addi %add3A_105, %scan3A_104 : i32
        %get3A = arith.index_cast %add3A_106 : i32 to index
        %get3A_107 = arith.constant 0 : index
        %get3A_108 = tpu.vector_load %arg9[%get3A, %get3A_107] {strides = array<i32>} : memref<128x64xi32, #tpu.memory_space<vmem>>, vector<16xi32>,
        %shift_left3A = arith.shli %get3A_108, %broadcast_in_dim3A_25 : vector<16xi32>
        %bitcast3A = vector.bitcast %shift_left3A : vector<16xi32> to vector<16xf32>
        %swap3A = arith.index_cast %scan3A_104 : i32 to index
        %swap3A_109 = arith.constant 0 : index
        %swap3A_110 = tpu.vector_load %arg10[%swap3A, %swap3A_109] {strides = array<i32>} : memref<64x128xf32, #tpu.memory_space<vmem>>, vector<16xf32>,
        tpu.vector_store %arg10[%swap3A, %swap3A_109], %bitcast3A {strides = array<i32>} : memref<64x128xf32, #tpu.memory_space<vmem>>, vector<16xf32>,
        %and3A = arith.andi %get3A_108, %broadcast_in_dim3A_27 : vector<16xi32>
        %bitcast3A_111 = vector.bitcast %and3A : vector<16xi32> to vector<16xf32>
        %swap3A_112 = arith.index_cast %scan3A_104 : i32 to index
        %swap3A_113 = arith.constant 64 : index
        %swap3A_114 = tpu.vector_load %arg10[%swap3A_112, %swap3A_113] {strides = array<i32>} : memref<64x128xf32, #tpu.memory_space<vmem>>, vector<16xf32>,
        tpu.vector_store %arg10[%swap3A_112, %swap3A_113], %bitcast3A_111 {strides = array<i32>} : memref<64x128xf32, #tpu.memory_space<vmem>>, vector<16xf32>,
        %add3A_115 = arith.constant 0 : i32
        %add3A_116 = arith.addi %add3A_115, %scan3A_104 : i32
        %get3A_117 = arith.index_cast %add3A_116 : i32 to index
        %get3A_118 = arith.constant 16 : index
        %get3A_119 = tpu.vector_load %arg9[%get3A_117, %get3A_118] {strides = array<i32>} : memref<128x64xi32, #tpu.memory_space<vmem>>, vector<16xi32>,
        %shift_left3A_120 = arith.shli %get3A_119, %broadcast_in_dim3A_25 : vector<16xi32>
        %bitcast3A_121 = vector.bitcast %shift_left3A_120 : vector<16xi32> to vector<16xf32>
        %swap3A_122 = arith.index_cast %scan3A_104 : i32 to index
        %swap3A_123 = arith.constant 16 : index
        %swap3A_124 = tpu.vector_load %arg10[%swap3A_122, %swap3A_123] {strides = array<i32>} : memref<64x128xf32, #tpu.memory_space<vmem>>, vector<16xf32>,
        tpu.vector_store %arg10[%swap3A_122, %swap3A_123], %bitcast3A_121 {strides = array<i32>} : memref<64x128xf32, #tpu.memory_space<vmem>>, vector<16xf32>,
        %and3A_125 = arith.andi %get3A_119, %broadcast_in_dim3A_27 : vector<16xi32>
        %bitcast3A_126 = vector.bitcast %and3A_125 : vector<16xi32> to vector<16xf32>
        %swap3A_127 = arith.index_cast %scan3A_104 : i32 to index
        %swap3A_128 = arith.constant 80 : index
        %swap3A_129 = tpu.vector_load %arg10[%swap3A_127, %swap3A_128] {strides = array<i32>} : memref<64x128xf32, #tpu.memory_space<vmem>>, vector<16xf32>,
        tpu.vector_store %arg10[%swap3A_127, %swap3A_128], %bitcast3A_126 {strides = array<i32>} : memref<64x128xf32, #tpu.memory_space<vmem>>, vector<16xf32>,
        %add3A_130 = arith.constant 0 : i32
        %add3A_131 = arith.addi %add3A_130, %scan3A_104 : i32
        %get3A_132 = arith.index_cast %add3A_131 : i32 to index
        %get3A_133 = arith.constant 32 : index
        %get3A_134 = tpu.vector_load %arg9[%get3A_132, %get3A_133] {strides = array<i32>} : memref<128x64xi32, #tpu.memory_space<vmem>>, vector<16xi32>,
        %shift_left3A_135 = arith.shli %get3A_134, %broadcast_in_dim3A_25 : vector<16xi32>
        %bitcast3A_136 = vector.bitcast %shift_left3A_135 : vector<16xi32> to vector<16xf32>
        %swap3A_137 = arith.index_cast %scan3A_104 : i32 to index
        %swap3A_138 = arith.constant 32 : index
        %swap3A_139 = tpu.vector_load %arg10[%swap3A_137, %swap3A_138] {strides = array<i32>} : memref<64x128xf32, #tpu.memory_space<vmem>>, vector<16xf32>,
        tpu.vector_store %arg10[%swap3A_137, %swap3A_138], %bitcast3A_136 {strides = array<i32>} : memref<64x128xf32, #tpu.memory_space<vmem>>, vector<16xf32>,
        %and3A_140 = arith.andi %get3A_134, %broadcast_in_dim3A_27 : vector<16xi32>
        %bitcast3A_141 = vector.bitcast %and3A_140 : vector<16xi32> to vector<16xf32>
        %swap3A_142 = arith.index_cast %scan3A_104 : i32 to index
        %swap3A_143 = arith.constant 96 : index
        %swap3A_144 = tpu.vector_load %arg10[%swap3A_142, %swap3A_143] {strides = array<i32>} : memref<64x128xf32, #tpu.memory_space<vmem>>, vector<16xf32>,
        tpu.vector_store %arg10[%swap3A_142, %swap3A_143], %bitcast3A_141 {strides = array<i32>} : memref<64x128xf32, #tpu.memory_space<vmem>>, vector<16xf32>,
        %add3A_145 = arith.constant 0 : i32
        %add3A_146 = arith.addi %add3A_145, %scan3A_104 : i32
        %get3A_147 = arith.index_cast %add3A_146 : i32 to index
        %get3A_148 = arith.constant 48 : index
        %get3A_149 = tpu.vector_load %arg9[%get3A_147, %get3A_148] {strides = array<i32>} : memref<128x64xi32, #tpu.memory_space<vmem>>, vector<16xi32>,
        %shift_left3A_150 = arith.shli %get3A_149, %broadcast_in_dim3A_25 : vector<16xi32>
        %bitcast3A_151 = vector.bitcast %shift_left3A_150 : vector<16xi32> to vector<16xf32>
        %swap3A_152 = arith.index_cast %scan3A_104 : i32 to index
        %swap3A_153 = arith.constant 48 : index
        %swap3A_154 = tpu.vector_load %arg10[%swap3A_152, %swap3A_153] {strides = array<i32>} : memref<64x128xf32, #tpu.memory_space<vmem>>, vector<16xf32>,
        tpu.vector_store %arg10[%swap3A_152, %swap3A_153], %bitcast3A_151 {strides = array<i32>} : memref<64x128xf32, #tpu.memory_space<vmem>>, vector<16xf32>,
        %and3A_155 = arith.andi %get3A_149, %broadcast_in_dim3A_27 : vector<16xi32>
        %bitcast3A_156 = vector.bitcast %and3A_155 : vector<16xi32> to vector<16xf32>
        %swap3A_157 = arith.index_cast %scan3A_104 : i32 to index
        %swap3A_158 = arith.constant 112 : index
        %swap3A_159 = tpu.vector_load %arg10[%swap3A_157, %swap3A_158] {strides = array<i32>} : memref<64x128xf32, #tpu.memory_space<vmem>>, vector<16xf32>,
        tpu.vector_store %arg10[%swap3A_157, %swap3A_158], %bitcast3A_156 {strides = array<i32>} : memref<64x128xf32, #tpu.memory_space<vmem>>, vector<16xf32>,
      }
      %scan3A_84 = arith.constant 64 : i32
      %mul3A_85 = arith.constant 2 : i32
      %mul3A_86 = arith.muli %mul3A_85, %add3A_72 : i32
      "tpu.region"() ({
        %run_scoped3A = tpu.sem_alloc : memref<!tpu.dma_semaphore, #tpu.memory_space<semaphore_mem>>
        %dma_start3A_104 = arith.constant 0 : i32
        %dma_start3A_105 = tpu.memref_slice %arg7[%mul3A_86, %dma_start3A_104] : memref<160x64xi32, #tpu.memory_space<vmem>> -> memref<1x64xi32, #tpu.memory_space<vmem>>
        %dma_start3A_106 = tpu.memref_squeeze %dma_start3A_105 : memref<1x64xi32, #tpu.memory_space<vmem>> -> memref<64xi32, #tpu.memory_space<vmem>>
        %dma_start3A_107 = arith.constant 0 : i32
        %dma_start3A_108 = arith.constant 0 : i32
        %dma_start3A_109 = tpu.memref_slice %arg11[%dma_start3A_107, %dma_start3A_108] : memref<10240x128xf32, #tpu.memory_space<vmem_shared>> -> memref<10240x128xf32, #tpu.memory_space<vmem_shared>>
        tpu.enqueue_indirect_dma source(%arg10 : memref<64x128xf32, #tpu.memory_space<vmem>>) target(%dma_start3A_109 : memref<10240x128xf32, #tpu.memory_space<vmem_shared>>) offsets(%dma_start3A_106 : memref<64xi32, #tpu.memory_space<vmem>>) semaphore(%run_scoped3A : memref<!tpu.dma_semaphore, #tpu.memory_space<semaphore_mem>>) {add = true}
        %dma_wait3A_110 = arith.constant 0 : i32
        %dma_wait3A_111 = tpu.memref_slice %arg7[%mul3A_86, %dma_wait3A_110] : memref<160x64xi32, #tpu.memory_space<vmem>> -> memref<1x64xi32, #tpu.memory_space<vmem>>
        %dma_wait3A_112 = tpu.memref_squeeze %dma_wait3A_111 : memref<1x64xi32, #tpu.memory_space<vmem>> -> memref<64xi32, #tpu.memory_space<vmem>>
        %dma_wait3A_113 = arith.constant 0 : i32
        %dma_wait3A_114 = arith.constant 0 : i32
        %dma_wait3A_115 = tpu.memref_slice %arg11[%dma_wait3A_113, %dma_wait3A_114] : memref<10240x128xf32, #tpu.memory_space<vmem_shared>> -> memref<10240x128xf32, #tpu.memory_space<vmem_shared>>
        tpu.wait_indirect_dma semaphore(%run_scoped3A : memref<!tpu.dma_semaphore, #tpu.memory_space<semaphore_mem>>) src(%arg10 : memref<64x128xf32, #tpu.memory_space<vmem>>) dst(%dma_wait3A_115 : memref<10240x128xf32, #tpu.memory_space<vmem_shared>>)
        tpu.yield
      }) : () -> ()
      %scan3A_87 = arith.constant 0 : i32
      %scan3A_88 = arith.constant 0 : i32
      %scan3A_89 = arith.constant 64 : i32
      %scan3A_90 = arith.addi %scan3A_88, %scan3A_89 : i32
      %scan3A_91 = arith.constant 1 : i32
      scf.for %scan3A_104 = %scan3A_88 to %scan3A_90 step %scan3A_91  : i32 {
        %add3A_105 = arith.constant 64 : i32
        %add3A_106 = arith.addi %add3A_105, %scan3A_104 : i32
        %get3A = arith.index_cast %add3A_106 : i32 to index
        %get3A_107 = arith.constant 0 : index
        %get3A_108 = tpu.vector_load %arg9[%get3A, %get3A_107] {strides = array<i32>} : memref<128x64xi32, #tpu.memory_space<vmem>>, vector<16xi32>,
        %shift_left3A = arith.shli %get3A_108, %broadcast_in_dim3A_25 : vector<16xi32>
        %bitcast3A = vector.bitcast %shift_left3A : vector<16xi32> to vector<16xf32>
        %swap3A = arith.index_cast %scan3A_104 : i32 to index
        %swap3A_109 = arith.constant 0 : index
        %swap3A_110 = tpu.vector_load %arg10[%swap3A, %swap3A_109] {strides = array<i32>} : memref<64x128xf32, #tpu.memory_space<vmem>>, vector<16xf32>,
        tpu.vector_store %arg10[%swap3A, %swap3A_109], %bitcast3A {strides = array<i32>} : memref<64x128xf32, #tpu.memory_space<vmem>>, vector<16xf32>,
        %and3A = arith.andi %get3A_108, %broadcast_in_dim3A_27 : vector<16xi32>
        %bitcast3A_111 = vector.bitcast %and3A : vector<16xi32> to vector<16xf32>
        %swap3A_112 = arith.index_cast %scan3A_104 : i32 to index
        %swap3A_113 = arith.constant 64 : index
        %swap3A_114 = tpu.vector_load %arg10[%swap3A_112, %swap3A_113] {strides = array<i32>} : memref<64x128xf32, #tpu.memory_space<vmem>>, vector<16xf32>,
        tpu.vector_store %arg10[%swap3A_112, %swap3A_113], %bitcast3A_111 {strides = array<i32>} : memref<64x128xf32, #tpu.memory_space<vmem>>, vector<16xf32>,
        %add3A_115 = arith.constant 64 : i32
        %add3A_116 = arith.addi %add3A_115, %scan3A_104 : i32
        %get3A_117 = arith.index_cast %add3A_116 : i32 to index
        %get3A_118 = arith.constant 16 : index
        %get3A_119 = tpu.vector_load %arg9[%get3A_117, %get3A_118] {strides = array<i32>} : memref<128x64xi32, #tpu.memory_space<vmem>>, vector<16xi32>,
        %shift_left3A_120 = arith.shli %get3A_119, %broadcast_in_dim3A_25 : vector<16xi32>
        %bitcast3A_121 = vector.bitcast %shift_left3A_120 : vector<16xi32> to vector<16xf32>
        %swap3A_122 = arith.index_cast %scan3A_104 : i32 to index
        %swap3A_123 = arith.constant 16 : index
        %swap3A_124 = tpu.vector_load %arg10[%swap3A_122, %swap3A_123] {strides = array<i32>} : memref<64x128xf32, #tpu.memory_space<vmem>>, vector<16xf32>,
        tpu.vector_store %arg10[%swap3A_122, %swap3A_123], %bitcast3A_121 {strides = array<i32>} : memref<64x128xf32, #tpu.memory_space<vmem>>, vector<16xf32>,
        %and3A_125 = arith.andi %get3A_119, %broadcast_in_dim3A_27 : vector<16xi32>
        %bitcast3A_126 = vector.bitcast %and3A_125 : vector<16xi32> to vector<16xf32>
        %swap3A_127 = arith.index_cast %scan3A_104 : i32 to index
        %swap3A_128 = arith.constant 80 : index
        %swap3A_129 = tpu.vector_load %arg10[%swap3A_127, %swap3A_128] {strides = array<i32>} : memref<64x128xf32, #tpu.memory_space<vmem>>, vector<16xf32>,
        tpu.vector_store %arg10[%swap3A_127, %swap3A_128], %bitcast3A_126 {strides = array<i32>} : memref<64x128xf32, #tpu.memory_space<vmem>>, vector<16xf32>,
        %add3A_130 = arith.constant 64 : i32
        %add3A_131 = arith.addi %add3A_130, %scan3A_104 : i32
        %get3A_132 = arith.index_cast %add3A_131 : i32 to index
        %get3A_133 = arith.constant 32 : index
        %get3A_134 = tpu.vector_load %arg9[%get3A_132, %get3A_133] {strides = array<i32>} : memref<128x64xi32, #tpu.memory_space<vmem>>, vector<16xi32>,
        %shift_left3A_135 = arith.shli %get3A_134, %broadcast_in_dim3A_25 : vector<16xi32>
        %bitcast3A_136 = vector.bitcast %shift_left3A_135 : vector<16xi32> to vector<16xf32>
        %swap3A_137 = arith.index_cast %scan3A_104 : i32 to index
        %swap3A_138 = arith.constant 32 : index
        %swap3A_139 = tpu.vector_load %arg10[%swap3A_137, %swap3A_138] {strides = array<i32>} : memref<64x128xf32, #tpu.memory_space<vmem>>, vector<16xf32>,
        tpu.vector_store %arg10[%swap3A_137, %swap3A_138], %bitcast3A_136 {strides = array<i32>} : memref<64x128xf32, #tpu.memory_space<vmem>>, vector<16xf32>,
        %and3A_140 = arith.andi %get3A_134, %broadcast_in_dim3A_27 : vector<16xi32>
        %bitcast3A_141 = vector.bitcast %and3A_140 : vector<16xi32> to vector<16xf32>
        %swap3A_142 = arith.index_cast %scan3A_104 : i32 to index
        %swap3A_143 = arith.constant 96 : index
        %swap3A_144 = tpu.vector_load %arg10[%swap3A_142, %swap3A_143] {strides = array<i32>} : memref<64x128xf32, #tpu.memory_space<vmem>>, vector<16xf32>,
        tpu.vector_store %arg10[%swap3A_142, %swap3A_143], %bitcast3A_141 {strides = array<i32>} : memref<64x128xf32, #tpu.memory_space<vmem>>, vector<16xf32>,
        %add3A_145 = arith.constant 64 : i32
        %add3A_146 = arith.addi %add3A_145, %scan3A_104 : i32
        %get3A_147 = arith.index_cast %add3A_146 : i32 to index
        %get3A_148 = arith.constant 48 : index
        %get3A_149 = tpu.vector_load %arg9[%get3A_147, %get3A_148] {strides = array<i32>} : memref<128x64xi32, #tpu.memory_space<vmem>>, vector<16xi32>,
        %shift_left3A_150 = arith.shli %get3A_149, %broadcast_in_dim3A_25 : vector<16xi32>
        %bitcast3A_151 = vector.bitcast %shift_left3A_150 : vector<16xi32> to vector<16xf32>
        %swap3A_152 = arith.index_cast %scan3A_104 : i32 to index
        %swap3A_153 = arith.constant 48 : index
        %swap3A_154 = tpu.vector_load %arg10[%swap3A_152, %swap3A_153] {strides = array<i32>} : memref<64x128xf32, #tpu.memory_space<vmem>>, vector<16xf32>,
        tpu.vector_store %arg10[%swap3A_152, %swap3A_153], %bitcast3A_151 {strides = array<i32>} : memref<64x128xf32, #tpu.memory_space<vmem>>, vector<16xf32>,
        %and3A_155 = arith.andi %get3A_149, %broadcast_in_dim3A_27 : vector<16xi32>
        %bitcast3A_156 = vector.bitcast %and3A_155 : vector<16xi32> to vector<16xf32>
        %swap3A_157 = arith.index_cast %scan3A_104 : i32 to index
        %swap3A_158 = arith.constant 112 : index
        %swap3A_159 = tpu.vector_load %arg10[%swap3A_157, %swap3A_158] {strides = array<i32>} : memref<64x128xf32, #tpu.memory_space<vmem>>, vector<16xf32>,
        tpu.vector_store %arg10[%swap3A_157, %swap3A_158], %bitcast3A_156 {strides = array<i32>} : memref<64x128xf32, #tpu.memory_space<vmem>>, vector<16xf32>,
      }
      %scan3A_92 = arith.constant 64 : i32
      %mul3A_93 = arith.constant 2 : i32
      %mul3A_94 = arith.muli %mul3A_93, %add3A_72 : i32
      %add3A_95 = arith.constant 1 : i32
      %add3A_96 = arith.addi %mul3A_94, %add3A_95 : i32
      "tpu.region"() ({
        %run_scoped3A = tpu.sem_alloc : memref<!tpu.dma_semaphore, #tpu.memory_space<semaphore_mem>>
        %dma_start3A_104 = arith.constant 0 : i32
        %dma_start3A_105 = tpu.memref_slice %arg7[%add3A_96, %dma_start3A_104] : memref<160x64xi32, #tpu.memory_space<vmem>> -> memref<1x64xi32, #tpu.memory_space<vmem>>
        %dma_start3A_106 = tpu.memref_squeeze %dma_start3A_105 : memref<1x64xi32, #tpu.memory_space<vmem>> -> memref<64xi32, #tpu.memory_space<vmem>>
        %dma_start3A_107 = arith.constant 0 : i32
        %dma_start3A_108 = arith.constant 0 : i32
        %dma_start3A_109 = tpu.memref_slice %arg11[%dma_start3A_107, %dma_start3A_108] : memref<10240x128xf32, #tpu.memory_space<vmem_shared>> -> memref<10240x128xf32, #tpu.memory_space<vmem_shared>>
        tpu.enqueue_indirect_dma source(%arg10 : memref<64x128xf32, #tpu.memory_space<vmem>>) target(%dma_start3A_109 : memref<10240x128xf32, #tpu.memory_space<vmem_shared>>) offsets(%dma_start3A_106 : memref<64xi32, #tpu.memory_space<vmem>>) semaphore(%run_scoped3A : memref<!tpu.dma_semaphore, #tpu.memory_space<semaphore_mem>>) {add = true}
        %dma_wait3A_110 = arith.constant 0 : i32
        %dma_wait3A_111 = tpu.memref_slice %arg7[%add3A_96, %dma_wait3A_110] : memref<160x64xi32, #tpu.memory_space<vmem>> -> memref<1x64xi32, #tpu.memory_space<vmem>>
        %dma_wait3A_112 = tpu.memref_squeeze %dma_wait3A_111 : memref<1x64xi32, #tpu.memory_space<vmem>> -> memref<64xi32, #tpu.memory_space<vmem>>
        %dma_wait3A_113 = arith.constant 0 : i32
        %dma_wait3A_114 = arith.constant 0 : i32
        %dma_wait3A_115 = tpu.memref_slice %arg11[%dma_wait3A_113, %dma_wait3A_114] : memref<10240x128xf32, #tpu.memory_space<vmem_shared>> -> memref<10240x128xf32, #tpu.memory_space<vmem_shared>>
        tpu.wait_indirect_dma semaphore(%run_scoped3A : memref<!tpu.dma_semaphore, #tpu.memory_space<semaphore_mem>>) src(%arg10 : memref<64x128xf32, #tpu.memory_space<vmem>>) dst(%dma_wait3A_115 : memref<10240x128xf32, #tpu.memory_space<vmem_shared>>)
        tpu.yield
      }) : () -> ()
      %add3A_97 = arith.constant 2 : i32
      %add3A_98 = arith.addi %add3A_72, %add3A_97 : i32
      %lt3A_99 = arith.constant 80 : i32
      %lt3A_100 = arith.cmpi slt, %add3A_98, %lt3A_99 : i32
      %convert_element_type3A_101 = arith.extui %lt3A_100 : i1 to i32
      %cond3A_102 = arith.constant 0 : i32
      %cond3A_103 = arith.cmpi ne, %convert_element_type3A_101, %cond3A_102 : i32
      scf.if %cond3A_103 {
        %add3A_104 = arith.constant 2 : i32
        %add3A_105 = arith.addi %add3A_72, %add3A_104 : i32
        %dma_start3A_106 = arith.constant 0 : i32
        %dma_start3A_107 = tpu.memref_slice %arg6[%add3A_105, %dma_start3A_106] : memref<80x128xi32, #tpu.memory_space<vmem>> -> memref<1x128xi32, #tpu.memory_space<vmem>>
        %dma_start3A_108 = tpu.memref_squeeze %dma_start3A_107 : memref<1x128xi32, #tpu.memory_space<vmem>> -> memref<128xi32, #tpu.memory_space<vmem>>
        %dma_start3A_109 = arith.constant 0 : i32
        %dma_start3A_110 = arith.constant 0 : i32
        %dma_start3A_111 = tpu.memref_slice %arg2[%dma_start3A_109, %dma_start3A_110] : memref<10240x64xi32, #tpu.memory_space<hbm>> -> memref<10240x64xi32, #tpu.memory_space<hbm>>
        tpu.enqueue_indirect_dma source(%dma_start3A_111 : memref<10240x64xi32, #tpu.memory_space<hbm>>) target(%arg9 : memref<128x64xi32, #tpu.memory_space<vmem>>) offsets(%dma_start3A_108 : memref<128xi32, #tpu.memory_space<vmem>>) semaphore(%arg13 : memref<!tpu.dma_semaphore, #tpu.memory_space<semaphore_mem>>)
      } else {
      }
    }
    %scan3A_33 = arith.constant 40 : i32
    %barrier3A_34 = arith.constant 0 : index
    tpu.barrier barrier_id(%barrier3A_34)
    %mul3A_35 = arith.constant 640 : i32
    %mul3A_36 = arith.muli %arg1, %mul3A_35 : i32
    %mul3A_37 = arith.constant 640 : i32
    %mul3A_38 = arith.muli %arg1, %mul3A_37 : i32
    "tpu.region"() ({
      %run_scoped3A = tpu.sem_alloc : memref<!tpu.dma_semaphore, #tpu.memory_space<semaphore_mem>>
      %dma_start3A_39 = arith.constant 0 : i32
      %dma_start3A_40 = tpu.memref_slice %arg5[%arg0, %mul3A_38, %dma_start3A_39] : memref<2x10240x128xf32, #tpu.memory_space<hbm>> -> memref<1x640x128xf32, #tpu.memory_space<hbm>>
      %dma_start3A_41 = tpu.memref_squeeze %dma_start3A_40 : memref<1x640x128xf32, #tpu.memory_space<hbm>> -> memref<640x128xf32, #tpu.memory_space<hbm>>
      %dma_start3A_42 = arith.constant 0 : i32
      %dma_start3A_43 = tpu.memref_slice %arg11[%mul3A_36, %dma_start3A_42] : memref<10240x128xf32, #tpu.memory_space<vmem_shared>> -> memref<640x128xf32, #tpu.memory_space<vmem_shared>>
      tpu.enqueue_dma source(%dma_start3A_43 : memref<640x128xf32, #tpu.memory_space<vmem_shared>>) target(%dma_start3A_41 : memref<640x128xf32, #tpu.memory_space<hbm>>) target_semaphore(%run_scoped3A : memref<!tpu.dma_semaphore, #tpu.memory_space<semaphore_mem>>)
      %dma_wait3A = arith.constant 0 : i32
      %dma_wait3A_44 = tpu.memref_slice %arg5[%arg0, %mul3A_38, %dma_wait3A] : memref<2x10240x128xf32, #tpu.memory_space<hbm>> -> memref<1x640x128xf32, #tpu.memory_space<hbm>>
      %dma_wait3A_45 = tpu.memref_squeeze %dma_wait3A_44 : memref<1x640x128xf32, #tpu.memory_space<hbm>> -> memref<640x128xf32, #tpu.memory_space<hbm>>
      %dma_wait3A_46 = arith.constant 0 : i32
      %dma_wait3A_47 = tpu.memref_slice %arg11[%mul3A_36, %dma_wait3A_46] : memref<10240x128xf32, #tpu.memory_space<vmem_shared>> -> memref<640x128xf32, #tpu.memory_space<vmem_shared>>
      tpu.wait_dma2 semaphore(%run_scoped3A : memref<!tpu.dma_semaphore, #tpu.memory_space<semaphore_mem>>) src(%dma_wait3A_47 : memref<640x128xf32, #tpu.memory_space<vmem_shared>>) dst(%dma_wait3A_45 : memref<640x128xf32, #tpu.memory_space<hbm>>)
      tpu.yield
    }) : () -> ()
    return
  }
}

#map = affine_map<(d0, d1) -> (0, 0)>
#map1 = affine_map<(d0, d1) -> (0, 0, 0)>
module attributes {stable_mosaic.version = 14 : i64} {
  func.func @_sc_segment_sum_body(%arg0: i32, %arg1: i32, %arg2: memref<10240x64xi32, #tpu.memory_space<hbm>>, %arg3: memref<32x80x128xi32, #tpu.memory_space<hbm>>, %arg4: memref<32x160x64xi32, #tpu.memory_space<hbm>>, %arg5: memref<2x10240x128xf32, #tpu.memory_space<hbm>>, %arg6: memref<80x128xi32, #tpu.memory_space<vmem>>, %arg7: memref<160x64xi32, #tpu.memory_space<vmem>>, %arg8: memref<128x64xi32, #tpu.memory_space<vmem>>, %arg9: memref<128x64xi32, #tpu.memory_space<vmem>>, %arg10: memref<64x128xf32, #tpu.memory_space<vmem>>, %arg11: memref<10240x128xf32, #tpu.memory_space<vmem_shared>>, %arg12: memref<!tpu.dma_semaphore, #tpu.memory_space<semaphore_mem>>, %arg13: memref<!tpu.dma_semaphore, #tpu.memory_space<semaphore_mem>>) attributes {dimension_semantics = [#tpu.dimension_semantics<core_parallel>, #tpu.dimension_semantics<subcore_parallel>], iteration_bounds = array<i64: 2, 16>, scalar_prefetch = 0 : i64, scratch_operands = 8 : i64, tpu.core_type = #tpu.core_type<sc_vector_subcore>, window_params = [{transform_indices = #map}, {transform_indices = #map1}, {transform_indices = #map1}, {transform_indices = #map1}]} {
    %mul3A = arith.constant 16 : i32
    %mul3A_0 = arith.muli %arg0, %mul3A : i32
    %add3A = arith.addi %mul3A_0, %arg1 : i32
    "tpu.region"() ({
      %run_scoped3A = tpu.sem_alloc : memref<!tpu.dma_semaphore, #tpu.memory_space<semaphore_mem>>
      %dma_start3A_39 = arith.constant 0 : i32
      %dma_start3A_40 = arith.constant 0 : i32
      %dma_start3A_41 = tpu.memref_slice %arg3[%add3A, %dma_start3A_39, %dma_start3A_40] : memref<32x80x128xi32, #tpu.memory_space<hbm>> -> memref<1x80x128xi32, #tpu.memory_space<hbm>>
      %dma_start3A_42 = tpu.memref_squeeze %dma_start3A_41 : memref<1x80x128xi32, #tpu.memory_space<hbm>> -> memref<80x128xi32, #tpu.memory_space<hbm>>
      %dma_start3A_43 = arith.constant 0 : i32
      %dma_start3A_44 = arith.constant 0 : i32
      %dma_start3A_45 = tpu.memref_slice %arg3[%add3A, %dma_start3A_43, %dma_start3A_44] : memref<32x80x128xi32, #tpu.memory_space<hbm>> -> memref<1x80x128xi32, #tpu.memory_space<hbm>>
      %dma_start3A_46 = tpu.memref_squeeze %dma_start3A_45 : memref<1x80x128xi32, #tpu.memory_space<hbm>> -> memref<80x128xi32, #tpu.memory_space<hbm>>
      tpu.enqueue_dma source(%dma_start3A_46 : memref<80x128xi32, #tpu.memory_space<hbm>>) target(%arg6 : memref<80x128xi32, #tpu.memory_space<vmem>>) target_semaphore(%run_scoped3A : memref<!tpu.dma_semaphore, #tpu.memory_space<semaphore_mem>>)
      %dma_wait3A = arith.constant 0 : i32
      %dma_wait3A_47 = arith.constant 0 : i32
      %dma_wait3A_48 = tpu.memref_slice %arg3[%add3A, %dma_wait3A, %dma_wait3A_47] : memref<32x80x128xi32, #tpu.memory_space<hbm>> -> memref<1x80x128xi32, #tpu.memory_space<hbm>>
      %dma_wait3A_49 = tpu.memref_squeeze %dma_wait3A_48 : memref<1x80x128xi32, #tpu.memory_space<hbm>> -> memref<80x128xi32, #tpu.memory_space<hbm>>
      %dma_wait3A_50 = arith.constant 0 : i32
      %dma_wait3A_51 = arith.constant 0 : i32
      %dma_wait3A_52 = tpu.memref_slice %arg3[%add3A, %dma_wait3A_50, %dma_wait3A_51] : memref<32x80x128xi32, #tpu.memory_space<hbm>> -> memref<1x80x128xi32, #tpu.memory_space<hbm>>
      %dma_wait3A_53 = tpu.memref_squeeze %dma_wait3A_52 : memref<1x80x128xi32, #tpu.memory_space<hbm>> -> memref<80x128xi32, #tpu.memory_space<hbm>>
      tpu.wait_dma2 semaphore(%run_scoped3A : memref<!tpu.dma_semaphore, #tpu.memory_space<semaphore_mem>>) src(%dma_wait3A_53 : memref<80x128xi32, #tpu.memory_space<hbm>>) dst(%arg6 : memref<80x128xi32, #tpu.memory_space<vmem>>)
      tpu.yield
    }) : () -> ()
    %dma_start3A = arith.constant 0 : i32
    %dma_start3A_1 = arith.constant 0 : i32
    %dma_start3A_2 = tpu.memref_slice %arg6[%dma_start3A, %dma_start3A_1] : memref<80x128xi32, #tpu.memory_space<vmem>> -> memref<1x128xi32, #tpu.memory_space<vmem>>
    %dma_start3A_3 = tpu.memref_squeeze %dma_start3A_2 : memref<1x128xi32, #tpu.memory_space<vmem>> -> memref<128xi32, #tpu.memory_space<vmem>>
    %dma_start3A_4 = arith.constant 0 : i32
    %dma_start3A_5 = arith.constant 0 : i32
    %dma_start3A_6 = tpu.memref_slice %arg2[%dma_start3A_4, %dma_start3A_5] : memref<10240x64xi32, #tpu.memory_space<hbm>> -> memref<10240x64xi32, #tpu.memory_space<hbm>>
    tpu.enqueue_indirect_dma source(%dma_start3A_6 : memref<10240x64xi32, #tpu.memory_space<hbm>>) target(%arg8 : memref<128x64xi32, #tpu.memory_space<vmem>>) offsets(%dma_start3A_3 : memref<128xi32, #tpu.memory_space<vmem>>) semaphore(%arg12 : memref<!tpu.dma_semaphore, #tpu.memory_space<semaphore_mem>>)
    %dma_start3A_7 = arith.constant 1 : i32
    %dma_start3A_8 = arith.constant 0 : i32
    %dma_start3A_9 = tpu.memref_slice %arg6[%dma_start3A_7, %dma_start3A_8] : memref<80x128xi32, #tpu.memory_space<vmem>> -> memref<1x128xi32, #tpu.memory_space<vmem>>
    %dma_start3A_10 = tpu.memref_squeeze %dma_start3A_9 : memref<1x128xi32, #tpu.memory_space<vmem>> -> memref<128xi32, #tpu.memory_space<vmem>>
    %dma_start3A_11 = arith.constant 0 : i32
    %dma_start3A_12 = arith.constant 0 : i32
    %dma_start3A_13 = tpu.memref_slice %arg2[%dma_start3A_11, %dma_start3A_12] : memref<10240x64xi32, #tpu.memory_space<hbm>> -> memref<10240x64xi32, #tpu.memory_space<hbm>>
    tpu.enqueue_indirect_dma source(%dma_start3A_13 : memref<10240x64xi32, #tpu.memory_space<hbm>>) target(%arg9 : memref<128x64xi32, #tpu.memory_space<vmem>>) offsets(%dma_start3A_10 : memref<128xi32, #tpu.memory_space<vmem>>) semaphore(%arg13 : memref<!tpu.dma_semaphore, #tpu.memory_space<semaphore_mem>>)
    "tpu.region"() ({
      %run_scoped3A = tpu.sem_alloc : memref<!tpu.dma_semaphore, #tpu.memory_space<semaphore_mem>>
      %dma_start3A_39 = arith.constant 0 : i32
      %dma_start3A_40 = arith.constant 0 : i32
      %dma_start3A_41 = tpu.memref_slice %arg4[%add3A, %dma_start3A_39, %dma_start3A_40] : memref<32x160x64xi32, #tpu.memory_space<hbm>> -> memref<1x160x64xi32, #tpu.memory_space<hbm>>
      %dma_start3A_42 = tpu.memref_squeeze %dma_start3A_41 : memref<1x160x64xi32, #tpu.memory_space<hbm>> -> memref<160x64xi32, #tpu.memory_space<hbm>>
      %dma_start3A_43 = arith.constant 0 : i32
      %dma_start3A_44 = arith.constant 0 : i32
      %dma_start3A_45 = tpu.memref_slice %arg4[%add3A, %dma_start3A_43, %dma_start3A_44] : memref<32x160x64xi32, #tpu.memory_space<hbm>> -> memref<1x160x64xi32, #tpu.memory_space<hbm>>
      %dma_start3A_46 = tpu.memref_squeeze %dma_start3A_45 : memref<1x160x64xi32, #tpu.memory_space<hbm>> -> memref<160x64xi32, #tpu.memory_space<hbm>>
      tpu.enqueue_dma source(%dma_start3A_46 : memref<160x64xi32, #tpu.memory_space<hbm>>) target(%arg7 : memref<160x64xi32, #tpu.memory_space<vmem>>) target_semaphore(%run_scoped3A : memref<!tpu.dma_semaphore, #tpu.memory_space<semaphore_mem>>)
      %dma_wait3A = arith.constant 0 : i32
      %dma_wait3A_47 = arith.constant 0 : i32
      %dma_wait3A_48 = tpu.memref_slice %arg4[%add3A, %dma_wait3A, %dma_wait3A_47] : memref<32x160x64xi32, #tpu.memory_space<hbm>> -> memref<1x160x64xi32, #tpu.memory_space<hbm>>
      %dma_wait3A_49 = tpu.memref_squeeze %dma_wait3A_48 : memref<1x160x64xi32, #tpu.memory_space<hbm>> -> memref<160x64xi32, #tpu.memory_space<hbm>>
      %dma_wait3A_50 = arith.constant 0 : i32
      %dma_wait3A_51 = arith.constant 0 : i32
      %dma_wait3A_52 = tpu.memref_slice %arg4[%add3A, %dma_wait3A_50, %dma_wait3A_51] : memref<32x160x64xi32, #tpu.memory_space<hbm>> -> memref<1x160x64xi32, #tpu.memory_space<hbm>>
      %dma_wait3A_53 = tpu.memref_squeeze %dma_wait3A_52 : memref<1x160x64xi32, #tpu.memory_space<hbm>> -> memref<160x64xi32, #tpu.memory_space<hbm>>
      tpu.wait_dma2 semaphore(%run_scoped3A : memref<!tpu.dma_semaphore, #tpu.memory_space<semaphore_mem>>) src(%dma_wait3A_53 : memref<160x64xi32, #tpu.memory_space<hbm>>) dst(%arg7 : memref<160x64xi32, #tpu.memory_space<vmem>>)
      tpu.yield
    }) : () -> ()
    %scan3A = arith.constant 0 : i32
    %scan3A_14 = arith.constant 0 : i32
    %scan3A_15 = arith.constant 512 : i32
    %scan3A_16 = arith.addi %scan3A_14, %scan3A_15 : i32
    %scan3A_17 = arith.constant 1 : i32
    scf.for %scan3A_39 = %scan3A_14 to %scan3A_16 step %scan3A_17  : i32 {
      %broadcast_in_dim3A_40 = arith.constant 0.000000e+00 : f32
      %broadcast_in_dim3A_41 = vector.broadcast %broadcast_in_dim3A_40 : f32 to vector<16xf32>
      %jit3A = arith.constant 8 : i32
      %div3A = arith.divsi %scan3A_39, %jit3A : i32
      %sign3A = arith.constant 0 : i32
      %sign3A_42 = arith.cmpi sgt, %scan3A_39, %sign3A : i32
      %sign3A_43 = arith.extui %sign3A_42 : i1 to i32
      %sign3A_44 = arith.constant 0 : i32
      %sign3A_45 = arith.cmpi slt, %scan3A_39, %sign3A_44 : i32
      %sign3A_46 = arith.extui %sign3A_45 : i1 to i32
      %sign3A_47 = arith.subi %sign3A_43, %sign3A_46 : i32
      %sign3A_48 = arith.constant 0 : i32
      %sign3A_49 = arith.cmpi sgt, %jit3A, %sign3A_48 : i32
      %sign3A_50 = arith.extui %sign3A_49 : i1 to i32
      %sign3A_51 = arith.constant 0 : i32
      %sign3A_52 = arith.cmpi slt, %jit3A, %sign3A_51 : i32
      %sign3A_53 = arith.extui %sign3A_52 : i1 to i32
      %sign3A_54 = arith.subi %sign3A_50, %sign3A_53 : i32
      %ne3A = arith.cmpi ne, %sign3A_47, %sign3A_54 : i32
      %rem3A = arith.remsi %scan3A_39, %jit3A : i32
      %ne3A_55 = arith.constant 0 : i32
      %ne3A_56 = arith.cmpi ne, %rem3A, %ne3A_55 : i32
      %and3A = arith.andi %ne3A, %ne3A_56 : i1
      %sub3A = arith.constant 1 : i32
      %sub3A_57 = arith.subi %div3A, %sub3A : i32
      %select_n3A = arith.select %and3A, %sub3A_57, %div3A : i32
      %jit3A_58 = arith.constant 8 : i32
      %eq3A = arith.constant 0 : i32
      %eq3A_59 = arith.cmpi eq, %jit3A_58, %eq3A : i32
      %jit3A_60 = arith.constant 1 : i32
      %select_n3A_61 = arith.select %eq3A_59, %jit3A_60, %jit3A_58 : i32
      %rem3A_62 = arith.remsi %scan3A_39, %select_n3A_61 : i32
      %ne3A_63 = arith.constant 0 : i32
      %ne3A_64 = arith.cmpi ne, %rem3A_62, %ne3A_63 : i32
      %lt3A = arith.constant 0 : i32
      %lt3A_65 = arith.cmpi slt, %rem3A_62, %lt3A : i32
      %lt3A_66 = arith.constant 0 : i32
      %lt3A_67 = arith.cmpi slt, %select_n3A_61, %lt3A_66 : i32
      %ne3A_68 = arith.xori %lt3A_65, %lt3A_67 : i1
      %and3A_69 = arith.andi %ne3A_68, %ne3A_64 : i1
      %add3A_70 = arith.addi %rem3A_62, %select_n3A_61 : i32
      %select_n3A_71 = arith.select %and3A_69, %add3A_70, %rem3A_62 : i32
      %mul3A_72 = arith.constant 16 : i32
      %mul3A_73 = arith.muli %select_n3A_71, %mul3A_72 : i32
      %swap3A = arith.index_cast %select_n3A : i32 to index
      %swap3A_74 = arith.index_cast %mul3A_73 : i32 to index
      %swap3A_75 = tpu.vector_load %arg10[%swap3A, %swap3A_74] {strides = array<i32>} : memref<64x128xf32, #tpu.memory_space<vmem>>, vector<16xf32>,
      tpu.vector_store %arg10[%swap3A, %swap3A_74], %broadcast_in_dim3A_41 {strides = array<i32>} : memref<64x128xf32, #tpu.memory_space<vmem>>, vector<16xf32>,
    }
    %scan3A_18 = arith.constant 512 : i32
    %scan3A_19 = arith.constant 0 : i32
    %scan3A_20 = arith.constant 0 : i32
    %scan3A_21 = arith.constant 10 : i32
    %scan3A_22 = arith.addi %scan3A_20, %scan3A_21 : i32
    %scan3A_23 = arith.constant 1 : i32
    scf.for %scan3A_39 = %scan3A_20 to %scan3A_22 step %scan3A_23  : i32 {
      %mul3A_40 = arith.constant 640 : i32
      %mul3A_41 = arith.muli %arg1, %mul3A_40 : i32
      %mul3A_42 = arith.constant 64 : i32
      %mul3A_43 = arith.muli %scan3A_39, %mul3A_42 : i32
      %add3A_44 = arith.addi %mul3A_41, %mul3A_43 : i32
      "tpu.region"() ({
        %run_scoped3A = tpu.sem_alloc : memref<!tpu.dma_semaphore, #tpu.memory_space<semaphore_mem>>
        %dma_start3A_45 = arith.constant 0 : i32
        %dma_start3A_46 = tpu.memref_slice %arg11[%add3A_44, %dma_start3A_45] : memref<10240x128xf32, #tpu.memory_space<vmem_shared>> -> memref<64x128xf32, #tpu.memory_space<vmem_shared>>
        %dma_start3A_47 = arith.constant 0 : i32
        %dma_start3A_48 = tpu.memref_slice %arg11[%add3A_44, %dma_start3A_47] : memref<10240x128xf32, #tpu.memory_space<vmem_shared>> -> memref<64x128xf32, #tpu.memory_space<vmem_shared>>
        tpu.enqueue_dma source(%arg10 : memref<64x128xf32, #tpu.memory_space<vmem>>) target(%dma_start3A_48 : memref<64x128xf32, #tpu.memory_space<vmem_shared>>) target_semaphore(%run_scoped3A : memref<!tpu.dma_semaphore, #tpu.memory_space<semaphore_mem>>)
        %dma_wait3A = arith.constant 0 : i32
        %dma_wait3A_49 = tpu.memref_slice %arg11[%add3A_44, %dma_wait3A] : memref<10240x128xf32, #tpu.memory_space<vmem_shared>> -> memref<64x128xf32, #tpu.memory_space<vmem_shared>>
        %dma_wait3A_50 = arith.constant 0 : i32
        %dma_wait3A_51 = tpu.memref_slice %arg11[%add3A_44, %dma_wait3A_50] : memref<10240x128xf32, #tpu.memory_space<vmem_shared>> -> memref<64x128xf32, #tpu.memory_space<vmem_shared>>
        tpu.wait_dma2 semaphore(%run_scoped3A : memref<!tpu.dma_semaphore, #tpu.memory_space<semaphore_mem>>) src(%arg10 : memref<64x128xf32, #tpu.memory_space<vmem>>) dst(%dma_wait3A_51 : memref<64x128xf32, #tpu.memory_space<vmem_shared>>)
        tpu.yield
      }) : () -> ()
    }
    %scan3A_24 = arith.constant 10 : i32
    %barrier3A = arith.constant 0 : index
    tpu.barrier barrier_id(%barrier3A)
    %broadcast_in_dim3A = arith.constant 16 : i32
    %broadcast_in_dim3A_25 = vector.broadcast %broadcast_in_dim3A : i32 to vector<16xi32>
    %broadcast_in_dim3A_26 = arith.constant -65536 : i32
    %broadcast_in_dim3A_27 = vector.broadcast %broadcast_in_dim3A_26 : i32 to vector<16xi32>
    %scan3A_28 = arith.constant 0 : i32
    %scan3A_29 = arith.constant 0 : i32
    %scan3A_30 = arith.constant 40 : i32
    %scan3A_31 = arith.addi %scan3A_29, %scan3A_30 : i32
    %scan3A_32 = arith.constant 1 : i32
    scf.for %scan3A_39 = %scan3A_29 to %scan3A_31 step %scan3A_32  : i32 {
      %mul3A_40 = arith.constant 2 : i32
      %mul3A_41 = arith.muli %mul3A_40, %scan3A_39 : i32
      %dma_wait3A = arith.constant 0 : i32
      %dma_wait3A_42 = tpu.memref_slice %arg6[%mul3A_41, %dma_wait3A] : memref<80x128xi32, #tpu.memory_space<vmem>> -> memref<1x128xi32, #tpu.memory_space<vmem>>
      %dma_wait3A_43 = tpu.memref_squeeze %dma_wait3A_42 : memref<1x128xi32, #tpu.memory_space<vmem>> -> memref<128xi32, #tpu.memory_space<vmem>>
      %dma_wait3A_44 = arith.constant 0 : i32
      %dma_wait3A_45 = arith.constant 0 : i32
      %dma_wait3A_46 = tpu.memref_slice %arg2[%dma_wait3A_44, %dma_wait3A_45] : memref<10240x64xi32, #tpu.memory_space<hbm>> -> memref<10240x64xi32, #tpu.memory_space<hbm>>
      tpu.wait_indirect_dma semaphore(%arg12 : memref<!tpu.dma_semaphore, #tpu.memory_space<semaphore_mem>>) src(%dma_wait3A_46 : memref<10240x64xi32, #tpu.memory_space<hbm>>) dst(%arg8 : memref<128x64xi32, #tpu.memory_space<vmem>>)
      %scan3A_47 = arith.constant 0 : i32
      %scan3A_48 = arith.constant 0 : i32
      %scan3A_49 = arith.constant 64 : i32
      %scan3A_50 = arith.addi %scan3A_48, %scan3A_49 : i32
      %scan3A_51 = arith.constant 1 : i32
      scf.for %scan3A_104 = %scan3A_48 to %scan3A_50 step %scan3A_51  : i32 {
        %add3A_105 = arith.constant 0 : i32
        %add3A_106 = arith.addi %add3A_105, %scan3A_104 : i32
        %get3A = arith.index_cast %add3A_106 : i32 to index
        %get3A_107 = arith.constant 0 : index
        %get3A_108 = tpu.vector_load %arg8[%get3A, %get3A_107] {strides = array<i32>} : memref<128x64xi32, #tpu.memory_space<vmem>>, vector<16xi32>,
        %shift_left3A = arith.shli %get3A_108, %broadcast_in_dim3A_25 : vector<16xi32>
        %bitcast3A = vector.bitcast %shift_left3A : vector<16xi32> to vector<16xf32>
        %swap3A = arith.index_cast %scan3A_104 : i32 to index
        %swap3A_109 = arith.constant 0 : index
        %swap3A_110 = tpu.vector_load %arg10[%swap3A, %swap3A_109] {strides = array<i32>} : memref<64x128xf32, #tpu.memory_space<vmem>>, vector<16xf32>,
        tpu.vector_store %arg10[%swap3A, %swap3A_109], %bitcast3A {strides = array<i32>} : memref<64x128xf32, #tpu.memory_space<vmem>>, vector<16xf32>,
        %and3A = arith.andi %get3A_108, %broadcast_in_dim3A_27 : vector<16xi32>
        %bitcast3A_111 = vector.bitcast %and3A : vector<16xi32> to vector<16xf32>
        %swap3A_112 = arith.index_cast %scan3A_104 : i32 to index
        %swap3A_113 = arith.constant 64 : index
        %swap3A_114 = tpu.vector_load %arg10[%swap3A_112, %swap3A_113] {strides = array<i32>} : memref<64x128xf32, #tpu.memory_space<vmem>>, vector<16xf32>,
        tpu.vector_store %arg10[%swap3A_112, %swap3A_113], %bitcast3A_111 {strides = array<i32>} : memref<64x128xf32, #tpu.memory_space<vmem>>, vector<16xf32>,
        %add3A_115 = arith.constant 0 : i32
        %add3A_116 = arith.addi %add3A_115, %scan3A_104 : i32
        %get3A_117 = arith.index_cast %add3A_116 : i32 to index
        %get3A_118 = arith.constant 16 : index
        %get3A_119 = tpu.vector_load %arg8[%get3A_117, %get3A_118] {strides = array<i32>} : memref<128x64xi32, #tpu.memory_space<vmem>>, vector<16xi32>,
        %shift_left3A_120 = arith.shli %get3A_119, %broadcast_in_dim3A_25 : vector<16xi32>
        %bitcast3A_121 = vector.bitcast %shift_left3A_120 : vector<16xi32> to vector<16xf32>
        %swap3A_122 = arith.index_cast %scan3A_104 : i32 to index
        %swap3A_123 = arith.constant 16 : index
        %swap3A_124 = tpu.vector_load %arg10[%swap3A_122, %swap3A_123] {strides = array<i32>} : memref<64x128xf32, #tpu.memory_space<vmem>>, vector<16xf32>,
        tpu.vector_store %arg10[%swap3A_122, %swap3A_123], %bitcast3A_121 {strides = array<i32>} : memref<64x128xf32, #tpu.memory_space<vmem>>, vector<16xf32>,
        %and3A_125 = arith.andi %get3A_119, %broadcast_in_dim3A_27 : vector<16xi32>
        %bitcast3A_126 = vector.bitcast %and3A_125 : vector<16xi32> to vector<16xf32>
        %swap3A_127 = arith.index_cast %scan3A_104 : i32 to index
        %swap3A_128 = arith.constant 80 : index
        %swap3A_129 = tpu.vector_load %arg10[%swap3A_127, %swap3A_128] {strides = array<i32>} : memref<64x128xf32, #tpu.memory_space<vmem>>, vector<16xf32>,
        tpu.vector_store %arg10[%swap3A_127, %swap3A_128], %bitcast3A_126 {strides = array<i32>} : memref<64x128xf32, #tpu.memory_space<vmem>>, vector<16xf32>,
        %add3A_130 = arith.constant 0 : i32
        %add3A_131 = arith.addi %add3A_130, %scan3A_104 : i32
        %get3A_132 = arith.index_cast %add3A_131 : i32 to index
        %get3A_133 = arith.constant 32 : index
        %get3A_134 = tpu.vector_load %arg8[%get3A_132, %get3A_133] {strides = array<i32>} : memref<128x64xi32, #tpu.memory_space<vmem>>, vector<16xi32>,
        %shift_left3A_135 = arith.shli %get3A_134, %broadcast_in_dim3A_25 : vector<16xi32>
        %bitcast3A_136 = vector.bitcast %shift_left3A_135 : vector<16xi32> to vector<16xf32>
        %swap3A_137 = arith.index_cast %scan3A_104 : i32 to index
        %swap3A_138 = arith.constant 32 : index
        %swap3A_139 = tpu.vector_load %arg10[%swap3A_137, %swap3A_138] {strides = array<i32>} : memref<64x128xf32, #tpu.memory_space<vmem>>, vector<16xf32>,
        tpu.vector_store %arg10[%swap3A_137, %swap3A_138], %bitcast3A_136 {strides = array<i32>} : memref<64x128xf32, #tpu.memory_space<vmem>>, vector<16xf32>,
        %and3A_140 = arith.andi %get3A_134, %broadcast_in_dim3A_27 : vector<16xi32>
        %bitcast3A_141 = vector.bitcast %and3A_140 : vector<16xi32> to vector<16xf32>
        %swap3A_142 = arith.index_cast %scan3A_104 : i32 to index
        %swap3A_143 = arith.constant 96 : index
        %swap3A_144 = tpu.vector_load %arg10[%swap3A_142, %swap3A_143] {strides = array<i32>} : memref<64x128xf32, #tpu.memory_space<vmem>>, vector<16xf32>,
        tpu.vector_store %arg10[%swap3A_142, %swap3A_143], %bitcast3A_141 {strides = array<i32>} : memref<64x128xf32, #tpu.memory_space<vmem>>, vector<16xf32>,
        %add3A_145 = arith.constant 0 : i32
        %add3A_146 = arith.addi %add3A_145, %scan3A_104 : i32
        %get3A_147 = arith.index_cast %add3A_146 : i32 to index
        %get3A_148 = arith.constant 48 : index
        %get3A_149 = tpu.vector_load %arg8[%get3A_147, %get3A_148] {strides = array<i32>} : memref<128x64xi32, #tpu.memory_space<vmem>>, vector<16xi32>,
        %shift_left3A_150 = arith.shli %get3A_149, %broadcast_in_dim3A_25 : vector<16xi32>
        %bitcast3A_151 = vector.bitcast %shift_left3A_150 : vector<16xi32> to vector<16xf32>
        %swap3A_152 = arith.index_cast %scan3A_104 : i32 to index
        %swap3A_153 = arith.constant 48 : index
        %swap3A_154 = tpu.vector_load %arg10[%swap3A_152, %swap3A_153] {strides = array<i32>} : memref<64x128xf32, #tpu.memory_space<vmem>>, vector<16xf32>,
        tpu.vector_store %arg10[%swap3A_152, %swap3A_153], %bitcast3A_151 {strides = array<i32>} : memref<64x128xf32, #tpu.memory_space<vmem>>, vector<16xf32>,
        %and3A_155 = arith.andi %get3A_149, %broadcast_in_dim3A_27 : vector<16xi32>
        %bitcast3A_156 = vector.bitcast %and3A_155 : vector<16xi32> to vector<16xf32>
        %swap3A_157 = arith.index_cast %scan3A_104 : i32 to index
        %swap3A_158 = arith.constant 112 : index
        %swap3A_159 = tpu.vector_load %arg10[%swap3A_157, %swap3A_158] {strides = array<i32>} : memref<64x128xf32, #tpu.memory_space<vmem>>, vector<16xf32>,
        tpu.vector_store %arg10[%swap3A_157, %swap3A_158], %bitcast3A_156 {strides = array<i32>} : memref<64x128xf32, #tpu.memory_space<vmem>>, vector<16xf32>,
      }
      %scan3A_52 = arith.constant 64 : i32
      %mul3A_53 = arith.constant 2 : i32
      %mul3A_54 = arith.muli %mul3A_53, %mul3A_41 : i32
      "tpu.region"() ({
        %run_scoped3A = tpu.sem_alloc : memref<!tpu.dma_semaphore, #tpu.memory_space<semaphore_mem>>
        %dma_start3A_104 = arith.constant 0 : i32
        %dma_start3A_105 = tpu.memref_slice %arg7[%mul3A_54, %dma_start3A_104] : memref<160x64xi32, #tpu.memory_space<vmem>> -> memref<1x64xi32, #tpu.memory_space<vmem>>
        %dma_start3A_106 = tpu.memref_squeeze %dma_start3A_105 : memref<1x64xi32, #tpu.memory_space<vmem>> -> memref<64xi32, #tpu.memory_space<vmem>>
        %dma_start3A_107 = arith.constant 0 : i32
        %dma_start3A_108 = arith.constant 0 : i32
        %dma_start3A_109 = tpu.memref_slice %arg11[%dma_start3A_107, %dma_start3A_108] : memref<10240x128xf32, #tpu.memory_space<vmem_shared>> -> memref<10240x128xf32, #tpu.memory_space<vmem_shared>>
        tpu.enqueue_indirect_dma source(%arg10 : memref<64x128xf32, #tpu.memory_space<vmem>>) target(%dma_start3A_109 : memref<10240x128xf32, #tpu.memory_space<vmem_shared>>) offsets(%dma_start3A_106 : memref<64xi32, #tpu.memory_space<vmem>>) semaphore(%run_scoped3A : memref<!tpu.dma_semaphore, #tpu.memory_space<semaphore_mem>>) {add = true}
        %dma_wait3A_110 = arith.constant 0 : i32
        %dma_wait3A_111 = tpu.memref_slice %arg7[%mul3A_54, %dma_wait3A_110] : memref<160x64xi32, #tpu.memory_space<vmem>> -> memref<1x64xi32, #tpu.memory_space<vmem>>
        %dma_wait3A_112 = tpu.memref_squeeze %dma_wait3A_111 : memref<1x64xi32, #tpu.memory_space<vmem>> -> memref<64xi32, #tpu.memory_space<vmem>>
        %dma_wait3A_113 = arith.constant 0 : i32
        %dma_wait3A_114 = arith.constant 0 : i32
        %dma_wait3A_115 = tpu.memref_slice %arg11[%dma_wait3A_113, %dma_wait3A_114] : memref<10240x128xf32, #tpu.memory_space<vmem_shared>> -> memref<10240x128xf32, #tpu.memory_space<vmem_shared>>
        tpu.wait_indirect_dma semaphore(%run_scoped3A : memref<!tpu.dma_semaphore, #tpu.memory_space<semaphore_mem>>) src(%arg10 : memref<64x128xf32, #tpu.memory_space<vmem>>) dst(%dma_wait3A_115 : memref<10240x128xf32, #tpu.memory_space<vmem_shared>>)
        tpu.yield
      }) : () -> ()
      %scan3A_55 = arith.constant 0 : i32
      %scan3A_56 = arith.constant 0 : i32
      %scan3A_57 = arith.constant 64 : i32
      %scan3A_58 = arith.addi %scan3A_56, %scan3A_57 : i32
      %scan3A_59 = arith.constant 1 : i32
      scf.for %scan3A_104 = %scan3A_56 to %scan3A_58 step %scan3A_59  : i32 {
        %add3A_105 = arith.constant 64 : i32
        %add3A_106 = arith.addi %add3A_105, %scan3A_104 : i32
        %get3A = arith.index_cast %add3A_106 : i32 to index
        %get3A_107 = arith.constant 0 : index
        %get3A_108 = tpu.vector_load %arg8[%get3A, %get3A_107] {strides = array<i32>} : memref<128x64xi32, #tpu.memory_space<vmem>>, vector<16xi32>,
        %shift_left3A = arith.shli %get3A_108, %broadcast_in_dim3A_25 : vector<16xi32>
        %bitcast3A = vector.bitcast %shift_left3A : vector<16xi32> to vector<16xf32>
        %swap3A = arith.index_cast %scan3A_104 : i32 to index
        %swap3A_109 = arith.constant 0 : index
        %swap3A_110 = tpu.vector_load %arg10[%swap3A, %swap3A_109] {strides = array<i32>} : memref<64x128xf32, #tpu.memory_space<vmem>>, vector<16xf32>,
        tpu.vector_store %arg10[%swap3A, %swap3A_109], %bitcast3A {strides = array<i32>} : memref<64x128xf32, #tpu.memory_space<vmem>>, vector<16xf32>,
        %and3A = arith.andi %get3A_108, %broadcast_in_dim3A_27 : vector<16xi32>
        %bitcast3A_111 = vector.bitcast %and3A : vector<16xi32> to vector<16xf32>
        %swap3A_112 = arith.index_cast %scan3A_104 : i32 to index
        %swap3A_113 = arith.constant 64 : index
        %swap3A_114 = tpu.vector_load %arg10[%swap3A_112, %swap3A_113] {strides = array<i32>} : memref<64x128xf32, #tpu.memory_space<vmem>>, vector<16xf32>,
        tpu.vector_store %arg10[%swap3A_112, %swap3A_113], %bitcast3A_111 {strides = array<i32>} : memref<64x128xf32, #tpu.memory_space<vmem>>, vector<16xf32>,
        %add3A_115 = arith.constant 64 : i32
        %add3A_116 = arith.addi %add3A_115, %scan3A_104 : i32
        %get3A_117 = arith.index_cast %add3A_116 : i32 to index
        %get3A_118 = arith.constant 16 : index
        %get3A_119 = tpu.vector_load %arg8[%get3A_117, %get3A_118] {strides = array<i32>} : memref<128x64xi32, #tpu.memory_space<vmem>>, vector<16xi32>,
        %shift_left3A_120 = arith.shli %get3A_119, %broadcast_in_dim3A_25 : vector<16xi32>
        %bitcast3A_121 = vector.bitcast %shift_left3A_120 : vector<16xi32> to vector<16xf32>
        %swap3A_122 = arith.index_cast %scan3A_104 : i32 to index
        %swap3A_123 = arith.constant 16 : index
        %swap3A_124 = tpu.vector_load %arg10[%swap3A_122, %swap3A_123] {strides = array<i32>} : memref<64x128xf32, #tpu.memory_space<vmem>>, vector<16xf32>,
        tpu.vector_store %arg10[%swap3A_122, %swap3A_123], %bitcast3A_121 {strides = array<i32>} : memref<64x128xf32, #tpu.memory_space<vmem>>, vector<16xf32>,
        %and3A_125 = arith.andi %get3A_119, %broadcast_in_dim3A_27 : vector<16xi32>
        %bitcast3A_126 = vector.bitcast %and3A_125 : vector<16xi32> to vector<16xf32>
        %swap3A_127 = arith.index_cast %scan3A_104 : i32 to index
        %swap3A_128 = arith.constant 80 : index
        %swap3A_129 = tpu.vector_load %arg10[%swap3A_127, %swap3A_128] {strides = array<i32>} : memref<64x128xf32, #tpu.memory_space<vmem>>, vector<16xf32>,
        tpu.vector_store %arg10[%swap3A_127, %swap3A_128], %bitcast3A_126 {strides = array<i32>} : memref<64x128xf32, #tpu.memory_space<vmem>>, vector<16xf32>,
        %add3A_130 = arith.constant 64 : i32
        %add3A_131 = arith.addi %add3A_130, %scan3A_104 : i32
        %get3A_132 = arith.index_cast %add3A_131 : i32 to index
        %get3A_133 = arith.constant 32 : index
        %get3A_134 = tpu.vector_load %arg8[%get3A_132, %get3A_133] {strides = array<i32>} : memref<128x64xi32, #tpu.memory_space<vmem>>, vector<16xi32>,
        %shift_left3A_135 = arith.shli %get3A_134, %broadcast_in_dim3A_25 : vector<16xi32>
        %bitcast3A_136 = vector.bitcast %shift_left3A_135 : vector<16xi32> to vector<16xf32>
        %swap3A_137 = arith.index_cast %scan3A_104 : i32 to index
        %swap3A_138 = arith.constant 32 : index
        %swap3A_139 = tpu.vector_load %arg10[%swap3A_137, %swap3A_138] {strides = array<i32>} : memref<64x128xf32, #tpu.memory_space<vmem>>, vector<16xf32>,
        tpu.vector_store %arg10[%swap3A_137, %swap3A_138], %bitcast3A_136 {strides = array<i32>} : memref<64x128xf32, #tpu.memory_space<vmem>>, vector<16xf32>,
        %and3A_140 = arith.andi %get3A_134, %broadcast_in_dim3A_27 : vector<16xi32>
        %bitcast3A_141 = vector.bitcast %and3A_140 : vector<16xi32> to vector<16xf32>
        %swap3A_142 = arith.index_cast %scan3A_104 : i32 to index
        %swap3A_143 = arith.constant 96 : index
        %swap3A_144 = tpu.vector_load %arg10[%swap3A_142, %swap3A_143] {strides = array<i32>} : memref<64x128xf32, #tpu.memory_space<vmem>>, vector<16xf32>,
        tpu.vector_store %arg10[%swap3A_142, %swap3A_143], %bitcast3A_141 {strides = array<i32>} : memref<64x128xf32, #tpu.memory_space<vmem>>, vector<16xf32>,
        %add3A_145 = arith.constant 64 : i32
        %add3A_146 = arith.addi %add3A_145, %scan3A_104 : i32
        %get3A_147 = arith.index_cast %add3A_146 : i32 to index
        %get3A_148 = arith.constant 48 : index
        %get3A_149 = tpu.vector_load %arg8[%get3A_147, %get3A_148] {strides = array<i32>} : memref<128x64xi32, #tpu.memory_space<vmem>>, vector<16xi32>,
        %shift_left3A_150 = arith.shli %get3A_149, %broadcast_in_dim3A_25 : vector<16xi32>
        %bitcast3A_151 = vector.bitcast %shift_left3A_150 : vector<16xi32> to vector<16xf32>
        %swap3A_152 = arith.index_cast %scan3A_104 : i32 to index
        %swap3A_153 = arith.constant 48 : index
        %swap3A_154 = tpu.vector_load %arg10[%swap3A_152, %swap3A_153] {strides = array<i32>} : memref<64x128xf32, #tpu.memory_space<vmem>>, vector<16xf32>,
        tpu.vector_store %arg10[%swap3A_152, %swap3A_153], %bitcast3A_151 {strides = array<i32>} : memref<64x128xf32, #tpu.memory_space<vmem>>, vector<16xf32>,
        %and3A_155 = arith.andi %get3A_149, %broadcast_in_dim3A_27 : vector<16xi32>
        %bitcast3A_156 = vector.bitcast %and3A_155 : vector<16xi32> to vector<16xf32>
        %swap3A_157 = arith.index_cast %scan3A_104 : i32 to index
        %swap3A_158 = arith.constant 112 : index
        %swap3A_159 = tpu.vector_load %arg10[%swap3A_157, %swap3A_158] {strides = array<i32>} : memref<64x128xf32, #tpu.memory_space<vmem>>, vector<16xf32>,
        tpu.vector_store %arg10[%swap3A_157, %swap3A_158], %bitcast3A_156 {strides = array<i32>} : memref<64x128xf32, #tpu.memory_space<vmem>>, vector<16xf32>,
      }
      %scan3A_60 = arith.constant 64 : i32
      %mul3A_61 = arith.constant 2 : i32
      %mul3A_62 = arith.muli %mul3A_61, %mul3A_41 : i32
      %add3A_63 = arith.constant 1 : i32
      %add3A_64 = arith.addi %mul3A_62, %add3A_63 : i32
      "tpu.region"() ({
        %run_scoped3A = tpu.sem_alloc : memref<!tpu.dma_semaphore, #tpu.memory_space<semaphore_mem>>
        %dma_start3A_104 = arith.constant 0 : i32
        %dma_start3A_105 = tpu.memref_slice %arg7[%add3A_64, %dma_start3A_104] : memref<160x64xi32, #tpu.memory_space<vmem>> -> memref<1x64xi32, #tpu.memory_space<vmem>>
        %dma_start3A_106 = tpu.memref_squeeze %dma_start3A_105 : memref<1x64xi32, #tpu.memory_space<vmem>> -> memref<64xi32, #tpu.memory_space<vmem>>
        %dma_start3A_107 = arith.constant 0 : i32
        %dma_start3A_108 = arith.constant 0 : i32
        %dma_start3A_109 = tpu.memref_slice %arg11[%dma_start3A_107, %dma_start3A_108] : memref<10240x128xf32, #tpu.memory_space<vmem_shared>> -> memref<10240x128xf32, #tpu.memory_space<vmem_shared>>
        tpu.enqueue_indirect_dma source(%arg10 : memref<64x128xf32, #tpu.memory_space<vmem>>) target(%dma_start3A_109 : memref<10240x128xf32, #tpu.memory_space<vmem_shared>>) offsets(%dma_start3A_106 : memref<64xi32, #tpu.memory_space<vmem>>) semaphore(%run_scoped3A : memref<!tpu.dma_semaphore, #tpu.memory_space<semaphore_mem>>) {add = true}
        %dma_wait3A_110 = arith.constant 0 : i32
        %dma_wait3A_111 = tpu.memref_slice %arg7[%add3A_64, %dma_wait3A_110] : memref<160x64xi32, #tpu.memory_space<vmem>> -> memref<1x64xi32, #tpu.memory_space<vmem>>
        %dma_wait3A_112 = tpu.memref_squeeze %dma_wait3A_111 : memref<1x64xi32, #tpu.memory_space<vmem>> -> memref<64xi32, #tpu.memory_space<vmem>>
        %dma_wait3A_113 = arith.constant 0 : i32
        %dma_wait3A_114 = arith.constant 0 : i32
        %dma_wait3A_115 = tpu.memref_slice %arg11[%dma_wait3A_113, %dma_wait3A_114] : memref<10240x128xf32, #tpu.memory_space<vmem_shared>> -> memref<10240x128xf32, #tpu.memory_space<vmem_shared>>
        tpu.wait_indirect_dma semaphore(%run_scoped3A : memref<!tpu.dma_semaphore, #tpu.memory_space<semaphore_mem>>) src(%arg10 : memref<64x128xf32, #tpu.memory_space<vmem>>) dst(%dma_wait3A_115 : memref<10240x128xf32, #tpu.memory_space<vmem_shared>>)
        tpu.yield
      }) : () -> ()
      %add3A_65 = arith.constant 2 : i32
      %add3A_66 = arith.addi %mul3A_41, %add3A_65 : i32
      %lt3A = arith.constant 80 : i32
      %lt3A_67 = arith.cmpi slt, %add3A_66, %lt3A : i32
      %convert_element_type3A = arith.extui %lt3A_67 : i1 to i32
      %cond3A = arith.constant 0 : i32
      %cond3A_68 = arith.cmpi ne, %convert_element_type3A, %cond3A : i32
      scf.if %cond3A_68 {
        %add3A_104 = arith.constant 2 : i32
        %add3A_105 = arith.addi %mul3A_41, %add3A_104 : i32
        %dma_start3A_106 = arith.constant 0 : i32
        %dma_start3A_107 = tpu.memref_slice %arg6[%add3A_105, %dma_start3A_106] : memref<80x128xi32, #tpu.memory_space<vmem>> -> memref<1x128xi32, #tpu.memory_space<vmem>>
        %dma_start3A_108 = tpu.memref_squeeze %dma_start3A_107 : memref<1x128xi32, #tpu.memory_space<vmem>> -> memref<128xi32, #tpu.memory_space<vmem>>
        %dma_start3A_109 = arith.constant 0 : i32
        %dma_start3A_110 = arith.constant 0 : i32
        %dma_start3A_111 = tpu.memref_slice %arg2[%dma_start3A_109, %dma_start3A_110] : memref<10240x64xi32, #tpu.memory_space<hbm>> -> memref<10240x64xi32, #tpu.memory_space<hbm>>
        tpu.enqueue_indirect_dma source(%dma_start3A_111 : memref<10240x64xi32, #tpu.memory_space<hbm>>) target(%arg8 : memref<128x64xi32, #tpu.memory_space<vmem>>) offsets(%dma_start3A_108 : memref<128xi32, #tpu.memory_space<vmem>>) semaphore(%arg12 : memref<!tpu.dma_semaphore, #tpu.memory_space<semaphore_mem>>)
      } else {
      }
      %mul3A_69 = arith.constant 2 : i32
      %mul3A_70 = arith.muli %mul3A_69, %scan3A_39 : i32
      %add3A_71 = arith.constant 1 : i32
      %add3A_72 = arith.addi %mul3A_70, %add3A_71 : i32
      %dma_wait3A_73 = arith.constant 0 : i32
      %dma_wait3A_74 = tpu.memref_slice %arg6[%add3A_72, %dma_wait3A_73] : memref<80x128xi32, #tpu.memory_space<vmem>> -> memref<1x128xi32, #tpu.memory_space<vmem>>
      %dma_wait3A_75 = tpu.memref_squeeze %dma_wait3A_74 : memref<1x128xi32, #tpu.memory_space<vmem>> -> memref<128xi32, #tpu.memory_space<vmem>>
      %dma_wait3A_76 = arith.constant 0 : i32
      %dma_wait3A_77 = arith.constant 0 : i32
      %dma_wait3A_78 = tpu.memref_slice %arg2[%dma_wait3A_76, %dma_wait3A_77] : memref<10240x64xi32, #tpu.memory_space<hbm>> -> memref<10240x64xi32, #tpu.memory_space<hbm>>
      tpu.wait_indirect_dma semaphore(%arg13 : memref<!tpu.dma_semaphore, #tpu.memory_space<semaphore_mem>>) src(%dma_wait3A_78 : memref<10240x64xi32, #tpu.memory_space<hbm>>) dst(%arg9 : memref<128x64xi32, #tpu.memory_space<vmem>>)
      %scan3A_79 = arith.constant 0 : i32
      %scan3A_80 = arith.constant 0 : i32
      %scan3A_81 = arith.constant 64 : i32
      %scan3A_82 = arith.addi %scan3A_80, %scan3A_81 : i32
      %scan3A_83 = arith.constant 1 : i32
      scf.for %scan3A_104 = %scan3A_80 to %scan3A_82 step %scan3A_83  : i32 {
        %add3A_105 = arith.constant 0 : i32
        %add3A_106 = arith.addi %add3A_105, %scan3A_104 : i32
        %get3A = arith.index_cast %add3A_106 : i32 to index
        %get3A_107 = arith.constant 0 : index
        %get3A_108 = tpu.vector_load %arg9[%get3A, %get3A_107] {strides = array<i32>} : memref<128x64xi32, #tpu.memory_space<vmem>>, vector<16xi32>,
        %shift_left3A = arith.shli %get3A_108, %broadcast_in_dim3A_25 : vector<16xi32>
        %bitcast3A = vector.bitcast %shift_left3A : vector<16xi32> to vector<16xf32>
        %swap3A = arith.index_cast %scan3A_104 : i32 to index
        %swap3A_109 = arith.constant 0 : index
        %swap3A_110 = tpu.vector_load %arg10[%swap3A, %swap3A_109] {strides = array<i32>} : memref<64x128xf32, #tpu.memory_space<vmem>>, vector<16xf32>,
        tpu.vector_store %arg10[%swap3A, %swap3A_109], %bitcast3A {strides = array<i32>} : memref<64x128xf32, #tpu.memory_space<vmem>>, vector<16xf32>,
        %and3A = arith.andi %get3A_108, %broadcast_in_dim3A_27 : vector<16xi32>
        %bitcast3A_111 = vector.bitcast %and3A : vector<16xi32> to vector<16xf32>
        %swap3A_112 = arith.index_cast %scan3A_104 : i32 to index
        %swap3A_113 = arith.constant 64 : index
        %swap3A_114 = tpu.vector_load %arg10[%swap3A_112, %swap3A_113] {strides = array<i32>} : memref<64x128xf32, #tpu.memory_space<vmem>>, vector<16xf32>,
        tpu.vector_store %arg10[%swap3A_112, %swap3A_113], %bitcast3A_111 {strides = array<i32>} : memref<64x128xf32, #tpu.memory_space<vmem>>, vector<16xf32>,
        %add3A_115 = arith.constant 0 : i32
        %add3A_116 = arith.addi %add3A_115, %scan3A_104 : i32
        %get3A_117 = arith.index_cast %add3A_116 : i32 to index
        %get3A_118 = arith.constant 16 : index
        %get3A_119 = tpu.vector_load %arg9[%get3A_117, %get3A_118] {strides = array<i32>} : memref<128x64xi32, #tpu.memory_space<vmem>>, vector<16xi32>,
        %shift_left3A_120 = arith.shli %get3A_119, %broadcast_in_dim3A_25 : vector<16xi32>
        %bitcast3A_121 = vector.bitcast %shift_left3A_120 : vector<16xi32> to vector<16xf32>
        %swap3A_122 = arith.index_cast %scan3A_104 : i32 to index
        %swap3A_123 = arith.constant 16 : index
        %swap3A_124 = tpu.vector_load %arg10[%swap3A_122, %swap3A_123] {strides = array<i32>} : memref<64x128xf32, #tpu.memory_space<vmem>>, vector<16xf32>,
        tpu.vector_store %arg10[%swap3A_122, %swap3A_123], %bitcast3A_121 {strides = array<i32>} : memref<64x128xf32, #tpu.memory_space<vmem>>, vector<16xf32>,
        %and3A_125 = arith.andi %get3A_119, %broadcast_in_dim3A_27 : vector<16xi32>
        %bitcast3A_126 = vector.bitcast %and3A_125 : vector<16xi32> to vector<16xf32>
        %swap3A_127 = arith.index_cast %scan3A_104 : i32 to index
        %swap3A_128 = arith.constant 80 : index
        %swap3A_129 = tpu.vector_load %arg10[%swap3A_127, %swap3A_128] {strides = array<i32>} : memref<64x128xf32, #tpu.memory_space<vmem>>, vector<16xf32>,
        tpu.vector_store %arg10[%swap3A_127, %swap3A_128], %bitcast3A_126 {strides = array<i32>} : memref<64x128xf32, #tpu.memory_space<vmem>>, vector<16xf32>,
        %add3A_130 = arith.constant 0 : i32
        %add3A_131 = arith.addi %add3A_130, %scan3A_104 : i32
        %get3A_132 = arith.index_cast %add3A_131 : i32 to index
        %get3A_133 = arith.constant 32 : index
        %get3A_134 = tpu.vector_load %arg9[%get3A_132, %get3A_133] {strides = array<i32>} : memref<128x64xi32, #tpu.memory_space<vmem>>, vector<16xi32>,
        %shift_left3A_135 = arith.shli %get3A_134, %broadcast_in_dim3A_25 : vector<16xi32>
        %bitcast3A_136 = vector.bitcast %shift_left3A_135 : vector<16xi32> to vector<16xf32>
        %swap3A_137 = arith.index_cast %scan3A_104 : i32 to index
        %swap3A_138 = arith.constant 32 : index
        %swap3A_139 = tpu.vector_load %arg10[%swap3A_137, %swap3A_138] {strides = array<i32>} : memref<64x128xf32, #tpu.memory_space<vmem>>, vector<16xf32>,
        tpu.vector_store %arg10[%swap3A_137, %swap3A_138], %bitcast3A_136 {strides = array<i32>} : memref<64x128xf32, #tpu.memory_space<vmem>>, vector<16xf32>,
        %and3A_140 = arith.andi %get3A_134, %broadcast_in_dim3A_27 : vector<16xi32>
        %bitcast3A_141 = vector.bitcast %and3A_140 : vector<16xi32> to vector<16xf32>
        %swap3A_142 = arith.index_cast %scan3A_104 : i32 to index
        %swap3A_143 = arith.constant 96 : index
        %swap3A_144 = tpu.vector_load %arg10[%swap3A_142, %swap3A_143] {strides = array<i32>} : memref<64x128xf32, #tpu.memory_space<vmem>>, vector<16xf32>,
        tpu.vector_store %arg10[%swap3A_142, %swap3A_143], %bitcast3A_141 {strides = array<i32>} : memref<64x128xf32, #tpu.memory_space<vmem>>, vector<16xf32>,
        %add3A_145 = arith.constant 0 : i32
        %add3A_146 = arith.addi %add3A_145, %scan3A_104 : i32
        %get3A_147 = arith.index_cast %add3A_146 : i32 to index
        %get3A_148 = arith.constant 48 : index
        %get3A_149 = tpu.vector_load %arg9[%get3A_147, %get3A_148] {strides = array<i32>} : memref<128x64xi32, #tpu.memory_space<vmem>>, vector<16xi32>,
        %shift_left3A_150 = arith.shli %get3A_149, %broadcast_in_dim3A_25 : vector<16xi32>
        %bitcast3A_151 = vector.bitcast %shift_left3A_150 : vector<16xi32> to vector<16xf32>
        %swap3A_152 = arith.index_cast %scan3A_104 : i32 to index
        %swap3A_153 = arith.constant 48 : index
        %swap3A_154 = tpu.vector_load %arg10[%swap3A_152, %swap3A_153] {strides = array<i32>} : memref<64x128xf32, #tpu.memory_space<vmem>>, vector<16xf32>,
        tpu.vector_store %arg10[%swap3A_152, %swap3A_153], %bitcast3A_151 {strides = array<i32>} : memref<64x128xf32, #tpu.memory_space<vmem>>, vector<16xf32>,
        %and3A_155 = arith.andi %get3A_149, %broadcast_in_dim3A_27 : vector<16xi32>
        %bitcast3A_156 = vector.bitcast %and3A_155 : vector<16xi32> to vector<16xf32>
        %swap3A_157 = arith.index_cast %scan3A_104 : i32 to index
        %swap3A_158 = arith.constant 112 : index
        %swap3A_159 = tpu.vector_load %arg10[%swap3A_157, %swap3A_158] {strides = array<i32>} : memref<64x128xf32, #tpu.memory_space<vmem>>, vector<16xf32>,
        tpu.vector_store %arg10[%swap3A_157, %swap3A_158], %bitcast3A_156 {strides = array<i32>} : memref<64x128xf32, #tpu.memory_space<vmem>>, vector<16xf32>,
      }
      %scan3A_84 = arith.constant 64 : i32
      %mul3A_85 = arith.constant 2 : i32
      %mul3A_86 = arith.muli %mul3A_85, %add3A_72 : i32
      "tpu.region"() ({
        %run_scoped3A = tpu.sem_alloc : memref<!tpu.dma_semaphore, #tpu.memory_space<semaphore_mem>>
        %dma_start3A_104 = arith.constant 0 : i32
        %dma_start3A_105 = tpu.memref_slice %arg7[%mul3A_86, %dma_start3A_104] : memref<160x64xi32, #tpu.memory_space<vmem>> -> memref<1x64xi32, #tpu.memory_space<vmem>>
        %dma_start3A_106 = tpu.memref_squeeze %dma_start3A_105 : memref<1x64xi32, #tpu.memory_space<vmem>> -> memref<64xi32, #tpu.memory_space<vmem>>
        %dma_start3A_107 = arith.constant 0 : i32
        %dma_start3A_108 = arith.constant 0 : i32
        %dma_start3A_109 = tpu.memref_slice %arg11[%dma_start3A_107, %dma_start3A_108] : memref<10240x128xf32, #tpu.memory_space<vmem_shared>> -> memref<10240x128xf32, #tpu.memory_space<vmem_shared>>
        tpu.enqueue_indirect_dma source(%arg10 : memref<64x128xf32, #tpu.memory_space<vmem>>) target(%dma_start3A_109 : memref<10240x128xf32, #tpu.memory_space<vmem_shared>>) offsets(%dma_start3A_106 : memref<64xi32, #tpu.memory_space<vmem>>) semaphore(%run_scoped3A : memref<!tpu.dma_semaphore, #tpu.memory_space<semaphore_mem>>) {add = true}
        %dma_wait3A_110 = arith.constant 0 : i32
        %dma_wait3A_111 = tpu.memref_slice %arg7[%mul3A_86, %dma_wait3A_110] : memref<160x64xi32, #tpu.memory_space<vmem>> -> memref<1x64xi32, #tpu.memory_space<vmem>>
        %dma_wait3A_112 = tpu.memref_squeeze %dma_wait3A_111 : memref<1x64xi32, #tpu.memory_space<vmem>> -> memref<64xi32, #tpu.memory_space<vmem>>
        %dma_wait3A_113 = arith.constant 0 : i32
        %dma_wait3A_114 = arith.constant 0 : i32
        %dma_wait3A_115 = tpu.memref_slice %arg11[%dma_wait3A_113, %dma_wait3A_114] : memref<10240x128xf32, #tpu.memory_space<vmem_shared>> -> memref<10240x128xf32, #tpu.memory_space<vmem_shared>>
        tpu.wait_indirect_dma semaphore(%run_scoped3A : memref<!tpu.dma_semaphore, #tpu.memory_space<semaphore_mem>>) src(%arg10 : memref<64x128xf32, #tpu.memory_space<vmem>>) dst(%dma_wait3A_115 : memref<10240x128xf32, #tpu.memory_space<vmem_shared>>)
        tpu.yield
      }) : () -> ()
      %scan3A_87 = arith.constant 0 : i32
      %scan3A_88 = arith.constant 0 : i32
      %scan3A_89 = arith.constant 64 : i32
      %scan3A_90 = arith.addi %scan3A_88, %scan3A_89 : i32
      %scan3A_91 = arith.constant 1 : i32
      scf.for %scan3A_104 = %scan3A_88 to %scan3A_90 step %scan3A_91  : i32 {
        %add3A_105 = arith.constant 64 : i32
        %add3A_106 = arith.addi %add3A_105, %scan3A_104 : i32
        %get3A = arith.index_cast %add3A_106 : i32 to index
        %get3A_107 = arith.constant 0 : index
        %get3A_108 = tpu.vector_load %arg9[%get3A, %get3A_107] {strides = array<i32>} : memref<128x64xi32, #tpu.memory_space<vmem>>, vector<16xi32>,
        %shift_left3A = arith.shli %get3A_108, %broadcast_in_dim3A_25 : vector<16xi32>
        %bitcast3A = vector.bitcast %shift_left3A : vector<16xi32> to vector<16xf32>
        %swap3A = arith.index_cast %scan3A_104 : i32 to index
        %swap3A_109 = arith.constant 0 : index
        %swap3A_110 = tpu.vector_load %arg10[%swap3A, %swap3A_109] {strides = array<i32>} : memref<64x128xf32, #tpu.memory_space<vmem>>, vector<16xf32>,
        tpu.vector_store %arg10[%swap3A, %swap3A_109], %bitcast3A {strides = array<i32>} : memref<64x128xf32, #tpu.memory_space<vmem>>, vector<16xf32>,
        %and3A = arith.andi %get3A_108, %broadcast_in_dim3A_27 : vector<16xi32>
        %bitcast3A_111 = vector.bitcast %and3A : vector<16xi32> to vector<16xf32>
        %swap3A_112 = arith.index_cast %scan3A_104 : i32 to index
        %swap3A_113 = arith.constant 64 : index
        %swap3A_114 = tpu.vector_load %arg10[%swap3A_112, %swap3A_113] {strides = array<i32>} : memref<64x128xf32, #tpu.memory_space<vmem>>, vector<16xf32>,
        tpu.vector_store %arg10[%swap3A_112, %swap3A_113], %bitcast3A_111 {strides = array<i32>} : memref<64x128xf32, #tpu.memory_space<vmem>>, vector<16xf32>,
        %add3A_115 = arith.constant 64 : i32
        %add3A_116 = arith.addi %add3A_115, %scan3A_104 : i32
        %get3A_117 = arith.index_cast %add3A_116 : i32 to index
        %get3A_118 = arith.constant 16 : index
        %get3A_119 = tpu.vector_load %arg9[%get3A_117, %get3A_118] {strides = array<i32>} : memref<128x64xi32, #tpu.memory_space<vmem>>, vector<16xi32>,
        %shift_left3A_120 = arith.shli %get3A_119, %broadcast_in_dim3A_25 : vector<16xi32>
        %bitcast3A_121 = vector.bitcast %shift_left3A_120 : vector<16xi32> to vector<16xf32>
        %swap3A_122 = arith.index_cast %scan3A_104 : i32 to index
        %swap3A_123 = arith.constant 16 : index
        %swap3A_124 = tpu.vector_load %arg10[%swap3A_122, %swap3A_123] {strides = array<i32>} : memref<64x128xf32, #tpu.memory_space<vmem>>, vector<16xf32>,
        tpu.vector_store %arg10[%swap3A_122, %swap3A_123], %bitcast3A_121 {strides = array<i32>} : memref<64x128xf32, #tpu.memory_space<vmem>>, vector<16xf32>,
        %and3A_125 = arith.andi %get3A_119, %broadcast_in_dim3A_27 : vector<16xi32>
        %bitcast3A_126 = vector.bitcast %and3A_125 : vector<16xi32> to vector<16xf32>
        %swap3A_127 = arith.index_cast %scan3A_104 : i32 to index
        %swap3A_128 = arith.constant 80 : index
        %swap3A_129 = tpu.vector_load %arg10[%swap3A_127, %swap3A_128] {strides = array<i32>} : memref<64x128xf32, #tpu.memory_space<vmem>>, vector<16xf32>,
        tpu.vector_store %arg10[%swap3A_127, %swap3A_128], %bitcast3A_126 {strides = array<i32>} : memref<64x128xf32, #tpu.memory_space<vmem>>, vector<16xf32>,
        %add3A_130 = arith.constant 64 : i32
        %add3A_131 = arith.addi %add3A_130, %scan3A_104 : i32
        %get3A_132 = arith.index_cast %add3A_131 : i32 to index
        %get3A_133 = arith.constant 32 : index
        %get3A_134 = tpu.vector_load %arg9[%get3A_132, %get3A_133] {strides = array<i32>} : memref<128x64xi32, #tpu.memory_space<vmem>>, vector<16xi32>,
        %shift_left3A_135 = arith.shli %get3A_134, %broadcast_in_dim3A_25 : vector<16xi32>
        %bitcast3A_136 = vector.bitcast %shift_left3A_135 : vector<16xi32> to vector<16xf32>
        %swap3A_137 = arith.index_cast %scan3A_104 : i32 to index
        %swap3A_138 = arith.constant 32 : index
        %swap3A_139 = tpu.vector_load %arg10[%swap3A_137, %swap3A_138] {strides = array<i32>} : memref<64x128xf32, #tpu.memory_space<vmem>>, vector<16xf32>,
        tpu.vector_store %arg10[%swap3A_137, %swap3A_138], %bitcast3A_136 {strides = array<i32>} : memref<64x128xf32, #tpu.memory_space<vmem>>, vector<16xf32>,
        %and3A_140 = arith.andi %get3A_134, %broadcast_in_dim3A_27 : vector<16xi32>
        %bitcast3A_141 = vector.bitcast %and3A_140 : vector<16xi32> to vector<16xf32>
        %swap3A_142 = arith.index_cast %scan3A_104 : i32 to index
        %swap3A_143 = arith.constant 96 : index
        %swap3A_144 = tpu.vector_load %arg10[%swap3A_142, %swap3A_143] {strides = array<i32>} : memref<64x128xf32, #tpu.memory_space<vmem>>, vector<16xf32>,
        tpu.vector_store %arg10[%swap3A_142, %swap3A_143], %bitcast3A_141 {strides = array<i32>} : memref<64x128xf32, #tpu.memory_space<vmem>>, vector<16xf32>,
        %add3A_145 = arith.constant 64 : i32
        %add3A_146 = arith.addi %add3A_145, %scan3A_104 : i32
        %get3A_147 = arith.index_cast %add3A_146 : i32 to index
        %get3A_148 = arith.constant 48 : index
        %get3A_149 = tpu.vector_load %arg9[%get3A_147, %get3A_148] {strides = array<i32>} : memref<128x64xi32, #tpu.memory_space<vmem>>, vector<16xi32>,
        %shift_left3A_150 = arith.shli %get3A_149, %broadcast_in_dim3A_25 : vector<16xi32>
        %bitcast3A_151 = vector.bitcast %shift_left3A_150 : vector<16xi32> to vector<16xf32>
        %swap3A_152 = arith.index_cast %scan3A_104 : i32 to index
        %swap3A_153 = arith.constant 48 : index
        %swap3A_154 = tpu.vector_load %arg10[%swap3A_152, %swap3A_153] {strides = array<i32>} : memref<64x128xf32, #tpu.memory_space<vmem>>, vector<16xf32>,
        tpu.vector_store %arg10[%swap3A_152, %swap3A_153], %bitcast3A_151 {strides = array<i32>} : memref<64x128xf32, #tpu.memory_space<vmem>>, vector<16xf32>,
        %and3A_155 = arith.andi %get3A_149, %broadcast_in_dim3A_27 : vector<16xi32>
        %bitcast3A_156 = vector.bitcast %and3A_155 : vector<16xi32> to vector<16xf32>
        %swap3A_157 = arith.index_cast %scan3A_104 : i32 to index
        %swap3A_158 = arith.constant 112 : index
        %swap3A_159 = tpu.vector_load %arg10[%swap3A_157, %swap3A_158] {strides = array<i32>} : memref<64x128xf32, #tpu.memory_space<vmem>>, vector<16xf32>,
        tpu.vector_store %arg10[%swap3A_157, %swap3A_158], %bitcast3A_156 {strides = array<i32>} : memref<64x128xf32, #tpu.memory_space<vmem>>, vector<16xf32>,
      }
      %scan3A_92 = arith.constant 64 : i32
      %mul3A_93 = arith.constant 2 : i32
      %mul3A_94 = arith.muli %mul3A_93, %add3A_72 : i32
      %add3A_95 = arith.constant 1 : i32
      %add3A_96 = arith.addi %mul3A_94, %add3A_95 : i32
      "tpu.region"() ({
        %run_scoped3A = tpu.sem_alloc : memref<!tpu.dma_semaphore, #tpu.memory_space<semaphore_mem>>
        %dma_start3A_104 = arith.constant 0 : i32
        %dma_start3A_105 = tpu.memref_slice %arg7[%add3A_96, %dma_start3A_104] : memref<160x64xi32, #tpu.memory_space<vmem>> -> memref<1x64xi32, #tpu.memory_space<vmem>>
        %dma_start3A_106 = tpu.memref_squeeze %dma_start3A_105 : memref<1x64xi32, #tpu.memory_space<vmem>> -> memref<64xi32, #tpu.memory_space<vmem>>
        %dma_start3A_107 = arith.constant 0 : i32
        %dma_start3A_108 = arith.constant 0 : i32
        %dma_start3A_109 = tpu.memref_slice %arg11[%dma_start3A_107, %dma_start3A_108] : memref<10240x128xf32, #tpu.memory_space<vmem_shared>> -> memref<10240x128xf32, #tpu.memory_space<vmem_shared>>
        tpu.enqueue_indirect_dma source(%arg10 : memref<64x128xf32, #tpu.memory_space<vmem>>) target(%dma_start3A_109 : memref<10240x128xf32, #tpu.memory_space<vmem_shared>>) offsets(%dma_start3A_106 : memref<64xi32, #tpu.memory_space<vmem>>) semaphore(%run_scoped3A : memref<!tpu.dma_semaphore, #tpu.memory_space<semaphore_mem>>) {add = true}
        %dma_wait3A_110 = arith.constant 0 : i32
        %dma_wait3A_111 = tpu.memref_slice %arg7[%add3A_96, %dma_wait3A_110] : memref<160x64xi32, #tpu.memory_space<vmem>> -> memref<1x64xi32, #tpu.memory_space<vmem>>
        %dma_wait3A_112 = tpu.memref_squeeze %dma_wait3A_111 : memref<1x64xi32, #tpu.memory_space<vmem>> -> memref<64xi32, #tpu.memory_space<vmem>>
        %dma_wait3A_113 = arith.constant 0 : i32
        %dma_wait3A_114 = arith.constant 0 : i32
        %dma_wait3A_115 = tpu.memref_slice %arg11[%dma_wait3A_113, %dma_wait3A_114] : memref<10240x128xf32, #tpu.memory_space<vmem_shared>> -> memref<10240x128xf32, #tpu.memory_space<vmem_shared>>
        tpu.wait_indirect_dma semaphore(%run_scoped3A : memref<!tpu.dma_semaphore, #tpu.memory_space<semaphore_mem>>) src(%arg10 : memref<64x128xf32, #tpu.memory_space<vmem>>) dst(%dma_wait3A_115 : memref<10240x128xf32, #tpu.memory_space<vmem_shared>>)
        tpu.yield
      }) : () -> ()
      %add3A_97 = arith.constant 2 : i32
      %add3A_98 = arith.addi %add3A_72, %add3A_97 : i32
      %lt3A_99 = arith.constant 80 : i32
      %lt3A_100 = arith.cmpi slt, %add3A_98, %lt3A_99 : i32
      %convert_element_type3A_101 = arith.extui %lt3A_100 : i1 to i32
      %cond3A_102 = arith.constant 0 : i32
      %cond3A_103 = arith.cmpi ne, %convert_element_type3A_101, %cond3A_102 : i32
      scf.if %cond3A_103 {
        %add3A_104 = arith.constant 2 : i32
        %add3A_105 = arith.addi %add3A_72, %add3A_104 : i32
        %dma_start3A_106 = arith.constant 0 : i32
        %dma_start3A_107 = tpu.memref_slice %arg6[%add3A_105, %dma_start3A_106] : memref<80x128xi32, #tpu.memory_space<vmem>> -> memref<1x128xi32, #tpu.memory_space<vmem>>
        %dma_start3A_108 = tpu.memref_squeeze %dma_start3A_107 : memref<1x128xi32, #tpu.memory_space<vmem>> -> memref<128xi32, #tpu.memory_space<vmem>>
        %dma_start3A_109 = arith.constant 0 : i32
        %dma_start3A_110 = arith.constant 0 : i32
        %dma_start3A_111 = tpu.memref_slice %arg2[%dma_start3A_109, %dma_start3A_110] : memref<10240x64xi32, #tpu.memory_space<hbm>> -> memref<10240x64xi32, #tpu.memory_space<hbm>>
        tpu.enqueue_indirect_dma source(%dma_start3A_111 : memref<10240x64xi32, #tpu.memory_space<hbm>>) target(%arg9 : memref<128x64xi32, #tpu.memory_space<vmem>>) offsets(%dma_start3A_108 : memref<128xi32, #tpu.memory_space<vmem>>) semaphore(%arg13 : memref<!tpu.dma_semaphore, #tpu.memory_space<semaphore_mem>>)
      } else {
      }
    }
    %scan3A_33 = arith.constant 40 : i32
    %barrier3A_34 = arith.constant 0 : index
    tpu.barrier barrier_id(%barrier3A_34)
    %mul3A_35 = arith.constant 640 : i32
    %mul3A_36 = arith.muli %arg1, %mul3A_35 : i32
    %mul3A_37 = arith.constant 640 : i32
    %mul3A_38 = arith.muli %arg1, %mul3A_37 : i32
    "tpu.region"() ({
      %run_scoped3A = tpu.sem_alloc : memref<!tpu.dma_semaphore, #tpu.memory_space<semaphore_mem>>
      %dma_start3A_39 = arith.constant 0 : i32
      %dma_start3A_40 = tpu.memref_slice %arg5[%arg0, %mul3A_38, %dma_start3A_39] : memref<2x10240x128xf32, #tpu.memory_space<hbm>> -> memref<1x640x128xf32, #tpu.memory_space<hbm>>
      %dma_start3A_41 = tpu.memref_squeeze %dma_start3A_40 : memref<1x640x128xf32, #tpu.memory_space<hbm>> -> memref<640x128xf32, #tpu.memory_space<hbm>>
      %dma_start3A_42 = arith.constant 0 : i32
      %dma_start3A_43 = tpu.memref_slice %arg11[%mul3A_36, %dma_start3A_42] : memref<10240x128xf32, #tpu.memory_space<vmem_shared>> -> memref<640x128xf32, #tpu.memory_space<vmem_shared>>
      tpu.enqueue_dma source(%dma_start3A_43 : memref<640x128xf32, #tpu.memory_space<vmem_shared>>) target(%dma_start3A_41 : memref<640x128xf32, #tpu.memory_space<hbm>>) target_semaphore(%run_scoped3A : memref<!tpu.dma_semaphore, #tpu.memory_space<semaphore_mem>>)
      %dma_wait3A = arith.constant 0 : i32
      %dma_wait3A_44 = tpu.memref_slice %arg5[%arg0, %mul3A_38, %dma_wait3A] : memref<2x10240x128xf32, #tpu.memory_space<hbm>> -> memref<1x640x128xf32, #tpu.memory_space<hbm>>
      %dma_wait3A_45 = tpu.memref_squeeze %dma_wait3A_44 : memref<1x640x128xf32, #tpu.memory_space<hbm>> -> memref<640x128xf32, #tpu.memory_space<hbm>>
      %dma_wait3A_46 = arith.constant 0 : i32
      %dma_wait3A_47 = tpu.memref_slice %arg11[%mul3A_36, %dma_wait3A_46] : memref<10240x128xf32, #tpu.memory_space<vmem_shared>> -> memref<640x128xf32, #tpu.memory_space<vmem_shared>>
      tpu.wait_dma2 semaphore(%run_scoped3A : memref<!tpu.dma_semaphore, #tpu.memory_space<semaphore_mem>>) src(%dma_wait3A_47 : memref<640x128xf32, #tpu.memory_space<vmem_shared>>) dst(%dma_wait3A_45 : memref<640x128xf32, #tpu.memory_space<hbm>>)
      tpu.yield
    }) : () -> ()
    return
  }
}

module attributes {stable_mosaic.version = 14 : i64} {
  func.func @_prep_body(%arg0: i32, %arg1: memref<1024x128xf32, #tpu.memory_space<vmem>>, %arg2: memref<128x128xf32, #tpu.memory_space<vmem>>, %arg3: memref<1024x128xf32, #tpu.memory_space<vmem>>, %arg4: memref<1024x64xi32, #tpu.memory_space<vmem>>) attributes {dimension_semantics = [#tpu.dimension_semantics<arbitrary>], iteration_bounds = array<i64: 10>, scalar_prefetch = 0 : i64, scratch_operands = 0 : i64, tpu.core_type = #tpu.core_type<tc>, window_params = [{transform_indices = @transform_0, window_bounds = array<i64: 1024, 128>}, {pipeline_mode = #tpu.pipeline_mode<synchronous>, transform_indices = @transform_1, window_bounds = array<i64: 128, 128>}, {transform_indices = @transform_2, window_bounds = array<i64: 1024, 128>}, {transform_indices = @transform_3, window_bounds = array<i64: 1024, 64>}]} {
    %get3A = arith.constant 0 : index
    %get3A_0 = arith.constant 0 : index
    %get3A_1 = vector.load %arg1[%get3A, %get3A_0] : memref<1024x128xf32, #tpu.memory_space<vmem>>, vector<1024x128xf32>
    %get3A_2 = arith.constant 0 : index
    %get3A_3 = arith.constant 0 : index
    %get3A_4 = vector.load %arg2[%get3A_2, %get3A_3] : memref<128x128xf32, #tpu.memory_space<vmem>>, vector<128x128xf32>
    %dot_general3A = arith.constant dense<0.000000e+00> : vector<1024x128xf32>
    %dot_general3A_5 = tpu.matmul %get3A_1, %get3A_4, %dot_general3A {dimension_numbers = #tpu.dot_dimension_numbers<[1], [0], [0], [1], [0, 0, 1, 1], [], []>, precision = #tpu.contract_precision<fp32>, transpose_lhs_hint = false} : vector<1024x128xf32>, vector<128x128xf32>, vector<1024x128xf32> -> vector<1024x128xf32>
    %swap3A = arith.constant 0 : index
    %swap3A_6 = arith.constant 0 : index
    %swap3A_7 = vector.load %arg3[%swap3A, %swap3A_6] : memref<1024x128xf32, #tpu.memory_space<vmem>>, vector<1024x128xf32>
    tpu.vector_store %arg3[%swap3A, %swap3A_6], %dot_general3A_5 {strides = array<i32>} : memref<1024x128xf32, #tpu.memory_space<vmem>>, vector<1024x128xf32>,
    %slice3A = vector.extract_strided_slice %dot_general3A_5 {offsets = [0, 0], sizes = [1024, 64], strides = [1, 1]} : vector<1024x128xf32> to vector<1024x64xf32>
    %convert_element_type3A = arith.truncf %slice3A : vector<1024x64xf32> to vector<1024x64xbf16>
    %bitcast_convert_type3A = tpu.bitcast %convert_element_type3A : vector<1024x64xbf16> -> vector<1024x64xi16>
    %slice3A_8 = vector.extract_strided_slice %dot_general3A_5 {offsets = [0, 64], sizes = [1024, 64], strides = [1, 1]} : vector<1024x128xf32> to vector<1024x64xf32>
    %convert_element_type3A_9 = arith.truncf %slice3A_8 : vector<1024x64xf32> to vector<1024x64xbf16>
    %bitcast_convert_type3A_10 = tpu.bitcast %convert_element_type3A_9 : vector<1024x64xbf16> -> vector<1024x64xi16>
    %convert_element_type3A_11 = arith.extui %bitcast_convert_type3A : vector<1024x64xi16> to vector<1024x64xi32>
    %convert_element_type3A_12 = arith.extui %bitcast_convert_type3A_10 : vector<1024x64xi16> to vector<1024x64xi32>
    %shift_left3A = arith.constant 16 : i32
    %shift_left3A_13 = vector.broadcast %shift_left3A : i32 to vector<1024x64xi32>
    %shift_left3A_14 = arith.shli %convert_element_type3A_12, %shift_left3A_13 : vector<1024x64xi32>
    %or3A = arith.ori %convert_element_type3A_11, %shift_left3A_14 : vector<1024x64xi32>
    %swap3A_15 = arith.constant 0 : index
    %swap3A_16 = arith.constant 0 : index
    %swap3A_17 = vector.load %arg4[%swap3A_15, %swap3A_16] : memref<1024x64xi32, #tpu.memory_space<vmem>>, vector<1024x64xi32>
    tpu.vector_store %arg4[%swap3A_15, %swap3A_16], %or3A {strides = array<i32>} : memref<1024x64xi32, #tpu.memory_space<vmem>>, vector<1024x64xi32>,
    return
  }
  func.func @transform_0(%arg0: i32) -> (i32, i32) {
    %c0_i32 = arith.constant 0 : i32
    %c0_i32_0 = arith.constant 0 : i32
    return %arg0, %c0_i32 : i32, i32
  }
  func.func @transform_1(%arg0: i32) -> (i32, i32) {
    %c0_i32 = arith.constant 0 : i32
    %c0_i32_0 = arith.constant 0 : i32
    %c0_i32_1 = arith.constant 0 : i32
    return %c0_i32, %c0_i32_0 : i32, i32
  }
  func.func @transform_2(%arg0: i32) -> (i32, i32) {
    %c0_i32 = arith.constant 0 : i32
    %c0_i32_0 = arith.constant 0 : i32
    return %arg0, %c0_i32 : i32, i32
  }
  func.func @transform_3(%arg0: i32) -> (i32, i32) {
    %c0_i32 = arith.constant 0 : i32
    %c0_i32_0 = arith.constant 0 : i32
    return %arg0, %c0_i32 : i32, i32
  }
}

module attributes {stable_mosaic.version = 14 : i64} {
  func.func @_mlp_body(%arg0: i32, %arg1: memref<1024x128xf32, #tpu.memory_space<vmem>>, %arg2: memref<2x1024x128xf32, #tpu.memory_space<vmem>>, %arg3: memref<128x128xf32, #tpu.memory_space<vmem>>, %arg4: memref<1x128xf32, #tpu.memory_space<vmem>>, %arg5: memref<128x128xf32, #tpu.memory_space<vmem>>, %arg6: memref<1x128xf32, #tpu.memory_space<vmem>>, %arg7: memref<1024x128xf32, #tpu.memory_space<vmem>>, %arg8: memref<1024x64xi32, #tpu.memory_space<vmem>>) attributes {dimension_semantics = [#tpu.dimension_semantics<arbitrary>], iteration_bounds = array<i64: 10>, scalar_prefetch = 0 : i64, scratch_operands = 0 : i64, tpu.core_type = #tpu.core_type<tc>, window_params = [{transform_indices = @transform_0, window_bounds = array<i64: 1024, 128>}, {transform_indices = @transform_1, window_bounds = array<i64: 2, 1024, 128>}, {pipeline_mode = #tpu.pipeline_mode<synchronous>, transform_indices = @transform_2, window_bounds = array<i64: 128, 128>}, {pipeline_mode = #tpu.pipeline_mode<synchronous>, transform_indices = @transform_3, window_bounds = array<i64: 1, 128>}, {pipeline_mode = #tpu.pipeline_mode<synchronous>, transform_indices = @transform_4, window_bounds = array<i64: 128, 128>}, {pipeline_mode = #tpu.pipeline_mode<synchronous>, transform_indices = @transform_5, window_bounds = array<i64: 1, 128>}, {transform_indices = @transform_6, window_bounds = array<i64: 1024, 128>}, {transform_indices = @transform_7, window_bounds = array<i64: 1024, 64>}]} {
    %get3A = arith.constant 0 : index
    %get3A_0 = arith.constant 0 : index
    %get3A_1 = vector.load %arg1[%get3A, %get3A_0] : memref<1024x128xf32, #tpu.memory_space<vmem>>, vector<1024x128xf32>
    %get3A_2 = arith.constant 0 : index
    %get3A_3 = arith.constant 0 : index
    %get3A_4 = arith.constant 0 : index
    %get3A_5 = vector.load %arg2[%get3A_2, %get3A_3, %get3A_4] : memref<2x1024x128xf32, #tpu.memory_space<vmem>>, vector<1x1024x128xf32>
    %get3A_6 = vector.shape_cast %get3A_5 : vector<1x1024x128xf32> to vector<1024x128xf32>
    %add3A = arith.addf %get3A_1, %get3A_6 : vector<1024x128xf32>
    %get3A_7 = arith.constant 1 : index
    %get3A_8 = arith.constant 0 : index
    %get3A_9 = arith.constant 0 : index
    %get3A_10 = vector.load %arg2[%get3A_7, %get3A_8, %get3A_9] : memref<2x1024x128xf32, #tpu.memory_space<vmem>>, vector<1x1024x128xf32>
    %get3A_11 = vector.shape_cast %get3A_10 : vector<1x1024x128xf32> to vector<1024x128xf32>
    %add3A_12 = arith.addf %add3A, %get3A_11 : vector<1024x128xf32>
    %get3A_13 = arith.constant 0 : index
    %get3A_14 = arith.constant 0 : index
    %get3A_15 = vector.load %arg3[%get3A_13, %get3A_14] : memref<128x128xf32, #tpu.memory_space<vmem>>, vector<128x128xf32>
    %dot_general3A = arith.constant dense<0.000000e+00> : vector<1024x128xf32>
    %dot_general3A_16 = tpu.matmul %add3A_12, %get3A_15, %dot_general3A {dimension_numbers = #tpu.dot_dimension_numbers<[1], [0], [0], [1], [0, 0, 1, 1], [], []>, precision = #tpu.contract_precision<fp32>, transpose_lhs_hint = false} : vector<1024x128xf32>, vector<128x128xf32>, vector<1024x128xf32> -> vector<1024x128xf32>
    %get3A_17 = arith.constant 0 : index
    %get3A_18 = arith.constant 0 : index
    %get3A_19 = vector.load %arg4[%get3A_17, %get3A_18] : memref<1x128xf32, #tpu.memory_space<vmem>>, vector<1x128xf32>
    %add3A_20 = vector.broadcast %get3A_19 : vector<1x128xf32> to vector<1024x128xf32>
    %add3A_21 = arith.addf %dot_general3A_16, %add3A_20 : vector<1024x128xf32>
    %max3A = arith.constant 0.000000e+00 : f32
    %max3A_22 = vector.broadcast %max3A : f32 to vector<1024x128xf32>
    %max3A_23 = arith.maximumf %add3A_21, %max3A_22 : vector<1024x128xf32>
    %get3A_24 = arith.constant 0 : index
    %get3A_25 = arith.constant 0 : index
    %get3A_26 = vector.load %arg5[%get3A_24, %get3A_25] : memref<128x128xf32, #tpu.memory_space<vmem>>, vector<128x128xf32>
    %dot_general3A_27 = arith.constant dense<0.000000e+00> : vector<1024x128xf32>
    %dot_general3A_28 = tpu.matmul %max3A_23, %get3A_26, %dot_general3A_27 {dimension_numbers = #tpu.dot_dimension_numbers<[1], [0], [0], [1], [0, 0, 1, 1], [], []>, precision = #tpu.contract_precision<fp32>, transpose_lhs_hint = false} : vector<1024x128xf32>, vector<128x128xf32>, vector<1024x128xf32> -> vector<1024x128xf32>
    %get3A_29 = arith.constant 0 : index
    %get3A_30 = arith.constant 0 : index
    %get3A_31 = vector.load %arg6[%get3A_29, %get3A_30] : memref<1x128xf32, #tpu.memory_space<vmem>>, vector<1x128xf32>
    %add3A_32 = vector.broadcast %get3A_31 : vector<1x128xf32> to vector<1024x128xf32>
    %add3A_33 = arith.addf %dot_general3A_28, %add3A_32 : vector<1024x128xf32>
    %max3A_34 = arith.constant 0.000000e+00 : f32
    %max3A_35 = vector.broadcast %max3A_34 : f32 to vector<1024x128xf32>
    %max3A_36 = arith.maximumf %add3A_33, %max3A_35 : vector<1024x128xf32>
    %swap3A = arith.constant 0 : index
    %swap3A_37 = arith.constant 0 : index
    %swap3A_38 = vector.load %arg7[%swap3A, %swap3A_37] : memref<1024x128xf32, #tpu.memory_space<vmem>>, vector<1024x128xf32>
    tpu.vector_store %arg7[%swap3A, %swap3A_37], %max3A_36 {strides = array<i32>} : memref<1024x128xf32, #tpu.memory_space<vmem>>, vector<1024x128xf32>,
    %slice3A = vector.extract_strided_slice %max3A_36 {offsets = [0, 0], sizes = [1024, 64], strides = [1, 1]} : vector<1024x128xf32> to vector<1024x64xf32>
    %convert_element_type3A = arith.truncf %slice3A : vector<1024x64xf32> to vector<1024x64xbf16>
    %bitcast_convert_type3A = tpu.bitcast %convert_element_type3A : vector<1024x64xbf16> -> vector<1024x64xi16>
    %slice3A_39 = vector.extract_strided_slice %max3A_36 {offsets = [0, 64], sizes = [1024, 64], strides = [1, 1]} : vector<1024x128xf32> to vector<1024x64xf32>
    %convert_element_type3A_40 = arith.truncf %slice3A_39 : vector<1024x64xf32> to vector<1024x64xbf16>
    %bitcast_convert_type3A_41 = tpu.bitcast %convert_element_type3A_40 : vector<1024x64xbf16> -> vector<1024x64xi16>
    %convert_element_type3A_42 = arith.extui %bitcast_convert_type3A : vector<1024x64xi16> to vector<1024x64xi32>
    %convert_element_type3A_43 = arith.extui %bitcast_convert_type3A_41 : vector<1024x64xi16> to vector<1024x64xi32>
    %shift_left3A = arith.constant 16 : i32
    %shift_left3A_44 = vector.broadcast %shift_left3A : i32 to vector<1024x64xi32>
    %shift_left3A_45 = arith.shli %convert_element_type3A_43, %shift_left3A_44 : vector<1024x64xi32>
    %or3A = arith.ori %convert_element_type3A_42, %shift_left3A_45 : vector<1024x64xi32>
    %swap3A_46 = arith.constant 0 : index
    %swap3A_47 = arith.constant 0 : index
    %swap3A_48 = vector.load %arg8[%swap3A_46, %swap3A_47] : memref<1024x64xi32, #tpu.memory_space<vmem>>, vector<1024x64xi32>
    tpu.vector_store %arg8[%swap3A_46, %swap3A_47], %or3A {strides = array<i32>} : memref<1024x64xi32, #tpu.memory_space<vmem>>, vector<1024x64xi32>,
    return
  }
  func.func @transform_0(%arg0: i32) -> (i32, i32) {
    %c0_i32 = arith.constant 0 : i32
    %c0_i32_0 = arith.constant 0 : i32
    return %arg0, %c0_i32 : i32, i32
  }
  func.func @transform_1(%arg0: i32) -> (i32, i32, i32) {
    %c0_i32 = arith.constant 0 : i32
    %c0_i32_0 = arith.constant 0 : i32
    %c0_i32_1 = arith.constant 0 : i32
    return %c0_i32, %arg0, %c0_i32_0 : i32, i32, i32
  }
  func.func @transform_2(%arg0: i32) -> (i32, i32) {
    %c0_i32 = arith.constant 0 : i32
    %c0_i32_0 = arith.constant 0 : i32
    %c0_i32_1 = arith.constant 0 : i32
    return %c0_i32, %c0_i32_0 : i32, i32
  }
  func.func @transform_3(%arg0: i32) -> (i32, i32) {
    %c0_i32 = arith.constant 0 : i32
    %c0_i32_0 = arith.constant 0 : i32
    %c0_i32_1 = arith.constant 0 : i32
    return %c0_i32, %c0_i32_0 : i32, i32
  }
  func.func @transform_4(%arg0: i32) -> (i32, i32) {
    %c0_i32 = arith.constant 0 : i32
    %c0_i32_0 = arith.constant 0 : i32
    %c0_i32_1 = arith.constant 0 : i32
    return %c0_i32, %c0_i32_0 : i32, i32
  }
  func.func @transform_5(%arg0: i32) -> (i32, i32) {
    %c0_i32 = arith.constant 0 : i32
    %c0_i32_0 = arith.constant 0 : i32
    %c0_i32_1 = arith.constant 0 : i32
    return %c0_i32, %c0_i32_0 : i32, i32
  }
  func.func @transform_6(%arg0: i32) -> (i32, i32) {
    %c0_i32 = arith.constant 0 : i32
    %c0_i32_0 = arith.constant 0 : i32
    return %arg0, %c0_i32 : i32, i32
  }
  func.func @transform_7(%arg0: i32) -> (i32, i32) {
    %c0_i32 = arith.constant 0 : i32
    %c0_i32_0 = arith.constant 0 : i32
    return %arg0, %c0_i32 : i32, i32
  }
}

module attributes {stable_mosaic.version = 14 : i64} {
  func.func @_mlp_body(%arg0: i32, %arg1: memref<1024x128xf32, #tpu.memory_space<vmem>>, %arg2: memref<2x1024x128xf32, #tpu.memory_space<vmem>>, %arg3: memref<128x128xf32, #tpu.memory_space<vmem>>, %arg4: memref<1x128xf32, #tpu.memory_space<vmem>>, %arg5: memref<128x128xf32, #tpu.memory_space<vmem>>, %arg6: memref<1x128xf32, #tpu.memory_space<vmem>>, %arg7: memref<1024x128xf32, #tpu.memory_space<vmem>>) attributes {dimension_semantics = [#tpu.dimension_semantics<arbitrary>], iteration_bounds = array<i64: 10>, scalar_prefetch = 0 : i64, scratch_operands = 0 : i64, tpu.core_type = #tpu.core_type<tc>, window_params = [{transform_indices = @transform_0, window_bounds = array<i64: 1024, 128>}, {transform_indices = @transform_1, window_bounds = array<i64: 2, 1024, 128>}, {pipeline_mode = #tpu.pipeline_mode<synchronous>, transform_indices = @transform_2, window_bounds = array<i64: 128, 128>}, {pipeline_mode = #tpu.pipeline_mode<synchronous>, transform_indices = @transform_3, window_bounds = array<i64: 1, 128>}, {pipeline_mode = #tpu.pipeline_mode<synchronous>, transform_indices = @transform_4, window_bounds = array<i64: 128, 128>}, {pipeline_mode = #tpu.pipeline_mode<synchronous>, transform_indices = @transform_5, window_bounds = array<i64: 1, 128>}, {transform_indices = @transform_6, window_bounds = array<i64: 1024, 128>}]} {
    %get3A = arith.constant 0 : index
    %get3A_0 = arith.constant 0 : index
    %get3A_1 = vector.load %arg1[%get3A, %get3A_0] : memref<1024x128xf32, #tpu.memory_space<vmem>>, vector<1024x128xf32>
    %get3A_2 = arith.constant 0 : index
    %get3A_3 = arith.constant 0 : index
    %get3A_4 = arith.constant 0 : index
    %get3A_5 = vector.load %arg2[%get3A_2, %get3A_3, %get3A_4] : memref<2x1024x128xf32, #tpu.memory_space<vmem>>, vector<1x1024x128xf32>
    %get3A_6 = vector.shape_cast %get3A_5 : vector<1x1024x128xf32> to vector<1024x128xf32>
    %add3A = arith.addf %get3A_1, %get3A_6 : vector<1024x128xf32>
    %get3A_7 = arith.constant 1 : index
    %get3A_8 = arith.constant 0 : index
    %get3A_9 = arith.constant 0 : index
    %get3A_10 = vector.load %arg2[%get3A_7, %get3A_8, %get3A_9] : memref<2x1024x128xf32, #tpu.memory_space<vmem>>, vector<1x1024x128xf32>
    %get3A_11 = vector.shape_cast %get3A_10 : vector<1x1024x128xf32> to vector<1024x128xf32>
    %add3A_12 = arith.addf %add3A, %get3A_11 : vector<1024x128xf32>
    %get3A_13 = arith.constant 0 : index
    %get3A_14 = arith.constant 0 : index
    %get3A_15 = vector.load %arg3[%get3A_13, %get3A_14] : memref<128x128xf32, #tpu.memory_space<vmem>>, vector<128x128xf32>
    %dot_general3A = arith.constant dense<0.000000e+00> : vector<1024x128xf32>
    %dot_general3A_16 = tpu.matmul %add3A_12, %get3A_15, %dot_general3A {dimension_numbers = #tpu.dot_dimension_numbers<[1], [0], [0], [1], [0, 0, 1, 1], [], []>, precision = #tpu.contract_precision<fp32>, transpose_lhs_hint = false} : vector<1024x128xf32>, vector<128x128xf32>, vector<1024x128xf32> -> vector<1024x128xf32>
    %get3A_17 = arith.constant 0 : index
    %get3A_18 = arith.constant 0 : index
    %get3A_19 = vector.load %arg4[%get3A_17, %get3A_18] : memref<1x128xf32, #tpu.memory_space<vmem>>, vector<1x128xf32>
    %add3A_20 = vector.broadcast %get3A_19 : vector<1x128xf32> to vector<1024x128xf32>
    %add3A_21 = arith.addf %dot_general3A_16, %add3A_20 : vector<1024x128xf32>
    %max3A = arith.constant 0.000000e+00 : f32
    %max3A_22 = vector.broadcast %max3A : f32 to vector<1024x128xf32>
    %max3A_23 = arith.maximumf %add3A_21, %max3A_22 : vector<1024x128xf32>
    %get3A_24 = arith.constant 0 : index
    %get3A_25 = arith.constant 0 : index
    %get3A_26 = vector.load %arg5[%get3A_24, %get3A_25] : memref<128x128xf32, #tpu.memory_space<vmem>>, vector<128x128xf32>
    %dot_general3A_27 = arith.constant dense<0.000000e+00> : vector<1024x128xf32>
    %dot_general3A_28 = tpu.matmul %max3A_23, %get3A_26, %dot_general3A_27 {dimension_numbers = #tpu.dot_dimension_numbers<[1], [0], [0], [1], [0, 0, 1, 1], [], []>, precision = #tpu.contract_precision<fp32>, transpose_lhs_hint = false} : vector<1024x128xf32>, vector<128x128xf32>, vector<1024x128xf32> -> vector<1024x128xf32>
    %get3A_29 = arith.constant 0 : index
    %get3A_30 = arith.constant 0 : index
    %get3A_31 = vector.load %arg6[%get3A_29, %get3A_30] : memref<1x128xf32, #tpu.memory_space<vmem>>, vector<1x128xf32>
    %add3A_32 = vector.broadcast %get3A_31 : vector<1x128xf32> to vector<1024x128xf32>
    %add3A_33 = arith.addf %dot_general3A_28, %add3A_32 : vector<1024x128xf32>
    %mul3A = arith.mulf %add3A_33, %add3A_33 : vector<1024x128xf32>
    %reduce_sum3A = arith.constant dense<0.000000e+00> : vector<1024xf32>
    %reduce_sum3A_34 = vector.multi_reduction <add>, %mul3A, %reduce_sum3A [1] : vector<1024x128xf32> to vector<1024xf32>
    %broadcast_in_dim3A = vector.shape_cast %reduce_sum3A_34 : vector<1024xf32> to vector<1024x1xf32>
    %sqrt3A = math.sqrt %broadcast_in_dim3A : vector<1024x1xf32>
    %max3A_35 = arith.constant 9.99999996E-13 : f32
    %max3A_36 = vector.broadcast %max3A_35 : f32 to vector<1024x1xf32>
    %max3A_37 = arith.maximumf %sqrt3A, %max3A_36 : vector<1024x1xf32>
    %div3A = vector.broadcast %max3A_37 : vector<1024x1xf32> to vector<1024x128xf32>
    %div3A_38 = arith.divf %add3A_33, %div3A : vector<1024x128xf32>
    %swap3A = arith.constant 0 : index
    %swap3A_39 = arith.constant 0 : index
    %swap3A_40 = vector.load %arg7[%swap3A, %swap3A_39] : memref<1024x128xf32, #tpu.memory_space<vmem>>, vector<1024x128xf32>
    tpu.vector_store %arg7[%swap3A, %swap3A_39], %div3A_38 {strides = array<i32>} : memref<1024x128xf32, #tpu.memory_space<vmem>>, vector<1024x128xf32>,
    return
  }
  func.func @transform_0(%arg0: i32) -> (i32, i32) {
    %c0_i32 = arith.constant 0 : i32
    %c0_i32_0 = arith.constant 0 : i32
    return %arg0, %c0_i32 : i32, i32
  }
  func.func @transform_1(%arg0: i32) -> (i32, i32, i32) {
    %c0_i32 = arith.constant 0 : i32
    %c0_i32_0 = arith.constant 0 : i32
    %c0_i32_1 = arith.constant 0 : i32
    return %c0_i32, %arg0, %c0_i32_0 : i32, i32, i32
  }
  func.func @transform_2(%arg0: i32) -> (i32, i32) {
    %c0_i32 = arith.constant 0 : i32
    %c0_i32_0 = arith.constant 0 : i32
    %c0_i32_1 = arith.constant 0 : i32
    return %c0_i32, %c0_i32_0 : i32, i32
  }
  func.func @transform_3(%arg0: i32) -> (i32, i32) {
    %c0_i32 = arith.constant 0 : i32
    %c0_i32_0 = arith.constant 0 : i32
    %c0_i32_1 = arith.constant 0 : i32
    return %c0_i32, %c0_i32_0 : i32, i32
  }
  func.func @transform_4(%arg0: i32) -> (i32, i32) {
    %c0_i32 = arith.constant 0 : i32
    %c0_i32_0 = arith.constant 0 : i32
    %c0_i32_1 = arith.constant 0 : i32
    return %c0_i32, %c0_i32_0 : i32, i32
  }
  func.func @transform_5(%arg0: i32) -> (i32, i32) {
    %c0_i32 = arith.constant 0 : i32
    %c0_i32_0 = arith.constant 0 : i32
    %c0_i32_1 = arith.constant 0 : i32
    return %c0_i32, %c0_i32_0 : i32, i32
  }
  func.func @transform_6(%arg0: i32) -> (i32, i32) {
    %c0_i32 = arith.constant 0 : i32
    %c0_i32_0 = arith.constant 0 : i32
    return %arg0, %c0_i32 : i32, i32
  }
}

</mosaic_0001>

<sc_bundles>
// kernel: kernel.10.cloned.1.call-start
scs
__scs_entry_jumppad:
0x0: {  	(pc) =	sbr.rel $0x88, $3  }
0x1: {  	(tag) =	ssettag $0x0;
	lr =	simm.s32 $0x1  }
0x2: {  	[smem:$0x3F97] =	sst lr;
	_ =	strace $0xD0000000  }
0x3: {  	_ = 	snop  }
0x4: {  	_ = 	snop  }
0x5: {  	_ = 	snop  }
0x6: {  	_ = 	snop  }
0x7: {  	_ = 	snop  }
__scs_overlays_trampoline_lowered:
0x8: {  	[smem:$0x3FA6] =	sst s0  }
0x9: {  	[smem:$0x3FA7] =	sst s1  }
0xa: {  	[smem:$0x3FA8] =	sst s2  }
0xb: {  	[smem:$0x3FA9] =	sst s3  }
0xc: {  	[smem:$0x3FAA] =	sst s4  }
0xd: {  	[smem:$0x3FAB] =	sst s5  }
0xe: {  	[smem:$0x3FAC] =	sst s6  }
0xf: {  	[smem:$0x3FAD] =	sst s7  }
0x10: {  	[smem:$0x3FAE] =	sst s8  }
0x11: {  	[smem:$0x3FAF] =	sst s9;
	s0 =	simm.s32 @!p0 $0x0  }
0x12: {  	s1 =	sld [smem:$0x3F95];
	s0 =	simm.s32 @p0 $0x1  }
0x13: {  	[smem:$0x3FB0] =	sst s0;
	s0 =	simm.s32 @!p1 $0x0  }
0x14: {  	s2 =	sld [smem:$0x3F94];
	s0 =	simm.s32 @p1 $0x1  }
0x15: {  	[smem:$0x3FB1] =	sst s0;
	s0 =	simm.s32 @!p2 $0x0  }
0x16: {  	s3 =	sld [smem:$0x3FDB];
	s0 =	simm.s32 @p2 $0x1  }
0x17: {  	s4 =	simm.s32 $0x1BF5;
	[smem:$0x3FB3] =	sst s0  }
0x18: {  	s0 =	sld [smem:$0x3F96];
	_ =	swait.ge [sflag:s4], $0x0  }
0x19: {  	s7 =	sld [smem:$0x3F97]  }
0x1a: {  	s8 =	sadd.s32 $0xFFFFE003, lr  }
0x1b: {  	s9 =	sadd.s32 $0xFFFFFEF7, lr;
	s5 =	simm.s32 $0xFFFFFFFF;
	p2 =	slt.u32 s8, $0xFFFFF086  }
0x1c: {  	p1 =	slt.u32 s9, $0xF7A;
	s5 =	simm.s32 @!p2 $0x0  }
0x1d: {  	s5 =	simm.s32 @p1 $0x1;
	p0 =	seq.s32 s7, s2  }
0x1e: {  	s7 =	smul.u32 @!p0 $0xF7A, s2;
	p2 =	seq.s32 @!p0 s5, $0x0  }
0x1f: {  	s9 =	smul.u32 $0xF7A, s1;
	s8 =	simm.s32 @!p0 $0x1BF5;
	p2 =	por !p2, p0  }
0x20: {  	[sflag:s8] =	ssyncset.s32 @!p0 $0xFFFFF086;
	s6 =	sadd.s32 @!p0 s3, s7;
	s7 =	simm.s32 @!p0 $0x108  }
0x21: {  	s3 =	sadd.s32 s3, s9;
	s6 =	sadd.s32 @!p0 $0x88, s6;
	s7 =	simm.s32 @p2 $0x1082  }
0x22: {  	[simem:s7], [sflag:s8] =	dma.local @!p0 [hbm:s6], $0xF7A  }
0x23: {  	s9 =	sor.u32 $0xD0000000, s2;
	s6 =	simm.s32 $0x108;
	_ =	swait.ge @!p0 [sflag:s8], $0x0  }
0x24: {  	s3 =	sadd.s32 $0x88, s3;
	s6 =	simm.s32 @!p1 $0x1082;
	[sflag:s4] =	ssyncset.s32 $0xFFFFF086  }
0x25: {  	[simem:s6], [sflag:s4] =	dma.local [hbm:s3], $0xF7A  }
0x26: {  	[smem:$0x3F97] =	sst s1;
	(tag) =	ssettag s2;
	_ =	strace s9  }
0x27: {  	s1 =	sld [smem:$0x3FA7]  }
0x28: {  	s2 =	sld [smem:$0x3FA8]  }
0x29: {  	s4 =	sld [smem:$0x3FAA]  }
0x2a: {  	p0 =	seq.s32 s5, $0x0;
	s5 =	sld [smem:$0x3FAB]  }
0x2b: {  	s6 =	sld [smem:$0x3FAC]  }
0x2c: {  	s7 =	sld [smem:$0x3FAD]  }
0x2d: {  	s3 =	simm.s32 $0x108;
	s8 =	sld [smem:$0x3FAE]  }
0x2e: {  	s3 =	simm.s32 @!p0 $0x1082;
	s9 =	sld [smem:$0x3FAF]  }
0x2f: {  	lr =	sadd.s32 s0, s3;
	s0 =	sld [smem:$0x3FA6]  }
0x30: {  	s3 =	sld [smem:$0x3FA9]  }
0x31: {  	[smem:$0x3FB2] =	sst s10  }
0x32: {  	s10 =	sld [smem:$0x3FB0];
	_ =	sdelay $0x3  }
0x33: {  	p0 =	seq.s32 s10, $0x1;
	s10 =	sld [smem:$0x3FB2];
	_ =	sdelay $0x3  }
0x34: {  	[smem:$0x3FB2] =	sst s10  }
0x35: {  	s10 =	sld [smem:$0x3FB1];
	_ =	sdelay $0x3  }
0x36: {  	p1 =	seq.s32 s10, $0x1;
	s10 =	sld [smem:$0x3FB2];
	_ =	sdelay $0x3  }
0x37: {  	[smem:$0x3FB2] =	sst s10  }
0x38: {  	s10 =	sld [smem:$0x3FB3]  }
0x39: {  	_ = 	snop;
	(pc) =	sbr.ind lr, $3  }
0x3a: {  	_ = 	snop  }
0x3b: {  	_ = 	snop  }
0x3c: {  	p2 =	seq.s32 s10, $0x1;
	s10 =	sld [smem:$0x3FB2]  }
0x3d: {  	_ =	shalt  }
0x3e: {  	_ =	shalt  }
0x3f: {  	_ =	shalt  }
0x40: {  	_ =	shalt  }
0x41: {  	_ =	shalt  }
0x42: {  	_ =	shalt  }
0x43: {  	_ =	shalt  }
0x44: {  	_ =	shalt  }
0x45: {  	_ =	shalt  }
0x46: {  	_ =	shalt  }
0x47: {  	_ =	shalt  }
0x48: {  	_ =	shalt  }
0x49: {  	_ =	shalt  }
0x4a: {  	_ =	shalt  }
0x4b: {  	_ =	shalt  }
0x4c: {  	_ =	shalt  }
0x4d: {  	_ =	shalt  }
0x4e: {  	_ =	shalt  }
0x4f: {  	_ =	shalt  }
0x50: {  	_ =	shalt  }
0x51: {  	_ =	shalt  }
0x52: {  	_ =	shalt  }
0x53: {  	_ =	shalt  }
0x54: {  	_ =	shalt  }
0x55: {  	_ =	shalt  }
0x56: {  	_ =	shalt  }
0x57: {  	_ =	shalt  }
0x58: {  	_ =	shalt  }
0x59: {  	_ =	shalt  }
0x5a: {  	_ =	shalt  }
0x5b: {  	_ =	shalt  }
0x5c: {  	_ =	shalt  }
0x5d: {  	_ =	shalt  }
0x5e: {  	_ =	shalt  }
0x5f: {  	_ =	shalt  }
0x60: {  	_ =	shalt  }
0x61: {  	_ =	shalt  }
0x62: {  	_ =	shalt  }
0x63: {  	_ =	shalt  }
0x64: {  	_ =	shalt  }
0x65: {  	_ =	shalt  }
0x66: {  	_ =	shalt  }
0x67: {  	_ =	shalt  }
0x68: {  	_ =	shalt  }
0x69: {  	_ =	shalt  }
0x6a: {  	_ =	shalt  }
0x6b: {  	_ =	shalt  }
0x6c: {  	_ =	shalt  }
0x6d: {  	_ =	shalt  }
0x6e: {  	_ =	shalt  }
0x6f: {  	_ =	shalt  }
0x70: {  	_ =	shalt  }
0x71: {  	_ =	shalt  }
0x72: {  	_ =	shalt  }
0x73: {  	_ =	shalt  }
0x74: {  	_ =	shalt  }
0x75: {  	_ =	shalt  }
0x76: {  	_ =	shalt  }
0x77: {  	_ =	shalt  }
0x78: {  	_ =	shalt  }
0x79: {  	_ =	shalt  }
0x7a: {  	_ =	shalt  }
0x7b: {  	_ =	shalt  }
0x7c: {  	_ =	shalt  }
0x7d: {  	_ =	shalt  }
0x7e: {  	_ =	shalt  }
0x7f: {  	_ =	shalt  }
0x80: {  	_ =	shalt  }
0x81: {  	_ =	shalt  }
0x82: {  	_ =	shalt  }
0x83: {  	_ =	shalt  }
0x84: {  	_ =	shalt  }
0x85: {  	_ =	shalt  }
0x86: {  	_ =	shalt  }
0x87: {  	_ =	shalt  }
.Lfunc_end0:
.L_simem_size_0:
called_computation.1_lowered:
.L_overlay_start_0:
0x88: {  	s2 =	sld [smem:$0x3FD9]  }
0x89: {  	s3 =	sld [smem:$0x3FFE];
	_ =	sdelay $0x1  }
0x8a: {  	s1 =	srdreg.scid  }
0x8b: {  	s0 =	sand.u32 $0x1, s1  }
0x8c: {  	s17 =	sshll.u32 s0, $0xA;
	s2 =	sadd.s32 s3, s2  }
0x8d: {  	s2 =	sadd.s32 s2, s17  }
0x8e: {  	[smem:$0x3FBE] =	sst s2  }
0x8f: {  	_ = 	snop  }
0x90: {  	s2 =	sld [smem:$0x3FD0];
	(tm) =	ssettm $0x1  }
0x91: {  	s18 =	sld [smem:$0x3FFB];
	_ =	sdelay $0x3  }
0x92: {  	_ =	strace s18  }
0x93: {  	s3 =	sld [smem:$0x3FFC];
	_ =	sdelay $0x3  }
0x94: {  	_ =	strace s3  }
0x95: {  	s3 =	sld [smem:$0x3FFD];
	_ =	sdelay $0x3  }
0x96: {  	_ =	strace s3  }
0x97: {  	_ =	strace $0x8FFFFFFF  }
0x98: {  	s19 =	sld [smem:$0x3FDB];
	_ =	sdelay $0x1  }
0x99: {  	s4 =	simm.s32 $_scs_section_size  }
0x9a: {  	s5 =	simm.s32 $_size__tile_overlayer_lowered;
	s6 =	simm.s32 $_tile_overlayer_lowered  }
0x9b: {  	s22 =	simm.s32 $0x1BFF;
	s21 =	sshll.u32 s6, $0x1;
	s3 =	sadd.s32 s4, s19  }
0x9c: {  	s7 =	simm.s32 $0x0;
	s20 =	sshll.u32 s5, $0x1;
	s5 =	sadd.s32 s21, s3  }
0x9d: {  	[timem:s7], [sflag:s22] =	dma.local [hbm:s5], s20  }
0x9e: {  	_ =	swait.ge [sflag:s22], s20  }
0x9f: {  	s4 =	ssub.s32 $0x0, s20;
	[sflag:s22] =	ssyncset.done $0x0  }
0xa0: {  	[sflag:s22] =	ssyncadd.s32 s4;
	_ =	sdelay $0x1  }
0xa1: {  	s23 =	simm.s32 $0x1B8B  }
0xa2: {  	_ =	swait.ge [sflag:s23], $0x1  }
0xa3: {  	[sflag:s23] =	ssyncset.done $0x0  }
0xa4: {  	s25 =	simm.s32 $0x1B8E;
	s24 =	sld [smem:$0x3FFE];
	[sflag:s23] =	ssyncadd.s32 $0xFFFFFFFF  }
0xa5: {  	s26 =	simm.s32 $execute0_lowered;
	[smem:$0x3FD2] =	sst s25  }
0xa6: {  	s5 =	sshll.u32 s26, $0x1;
	_ =	strace $0x80000049;
	[dreg:$0x1] =	wrdreg $0xFFFFFFFF  }
0xa7: {  	s28 =	simm.s32 $_size_execute0_lowered;
	s3 =	sadd.s32 s3, s5;
	[dreg:$0x0] =	wrdreg $0x0  }
0xa8: {  	s5 =	sshll.u32 s28, $0x1;
	[dreg:$0x2] =	wrdreg s3  }
0xa9: {  	[dreg:$0x3] =	wrdreg s5  }
0xaa: {  	[dreg:$0x4] =	wrdreg $0xC0  }
0xab: {  	_ =	task [dreg:s7], $0x5FFFF  }
0xac: {  	[dreg:$0x1] =	wrdreg $0xFFFFFFFF  }
0xad: {  	[dreg:$0x0] =	wrdreg $0x60  }
0xae: {  	[dreg:$0x2] =	wrdreg s2  }
0xaf: {  	[dreg:$0x3] =	wrdreg s24  }
0xb0: {  	[dreg:$0x4] =	wrdreg $0xB0000  }
0xb1: {  	[dreg:$0x5] =	wrdreg $0x9  }
0xb2: {  	_ =	task.clear_ibuf [dreg:s7], $0x6FFFF;
	_ =	strace $0x90000049  }
0xb3: {  	s29 =	simm.s32 $0x9;
	_ =	strace $0x8000004B  }
0xb4: {  	_ =	swait.ge [sflag:s29], $0x1  }
0xb5: {  	[sflag:s29] =	ssyncadd.s32 $0xFFFFFFFF  }
0xb6: {  	_ =	strace $0x9000004B  }
0xb7: {  	_ =	sfence  }
0xb8: {  	s30 =	sld [smem:$0x0];
	_ =	sdelay $0x2  }
0xb9: {  	s31 =	sshll.u32 s1, $0xD;
	s1 =	sshrl.u32 s1, $0x2  }
0xba: {  	s3 =	sand.u32 $0x4000, s31;
	s1 =	sadd.s32 s1, s30  }
0xbb: {  	s0 =	sor.u32 s3, s0;
	s1 =	sshll.u32 s1, $0x11  }
0xbc: {  	s0 =	sor.u32 s1, s0  }
0xbd: {  	s0 =	sadd.s32 $0x8F2B, s0  }
0xbe: {  	[sflag:s0] =	ssyncadd.remote.s32 $0x1  }
0xbf: {  	_ =	sfence.sel $0xFFFF  }
0xc0: {  	[dreg:$0x0] =	wrdreg $0xFFFFFFFF;
	(pc) =	sbr.abs _section_cstart, $3  }
0xc1: {  	[dreg:$0x1] =	wrdreg $0xFFFFFFFF  }
0xc2: {  	_ =	task.clear_ibuf [dreg:s7], $0x2FFFF;
	_ =	strace $0x9FFFFFFF  }
0xc3: {  	(tm) =	ssettm $0x7FFFFFFF  }
tec
execute0_lowered:
.L_overlay_start_1:
0x0: {  	(tag) =	ssettag $0x1  }
0x1: {  	s1 =	rddreg [dreg:$0x0]  }
0x2: {  	s0 =	rddreg [dreg:$0x1]  }
0x3: {  	s2 =	rddreg [dreg:$0x2];
	s3 =	srdreg.scid  }
0x4: {  	s4 =	simm.s32 $0x0;
	s8 =	stileid.u32;
	s19 =	simm.s32 $0x3  }
0x5: {  	s20 =	simm.s32 $0x80;
	s22 =	simm.s32 $0x7000;
	s24 =	simm.s32 $0x9000  }
0x6: {  	s28 =	simm.s32 $0x40;
	s29 =	simm.s32 $0x2;
	s30 =	simm.s32 $0x0  }
0x7: {  	s3 =	sand.u32 $0x1, s3;
	[smem:$0x7FF] =	sst s4;
	s9 =	smul.u32 $0x14000, s8  }
0x8: {  	s5 =	smul.u32 $0x140000, s3;
	s6 =	sshll.u32 s3, $0x4;
	_ =	strace $0x8000004A  }
0x9: {  	s3 =	ssub.s32 $0x2, s3;
	s6 =	sor.u32 s8, s6;
	s8 =	smul.u32 $0x50000, s8  }
0xa: {  	s7 =	sshrl.u32 s3, $0x1;
	s6 =	smul.u32 $0x500, s6;
	s5 =	sadd.s32 s9, s5  }
0xb: {  	s31 =	sadd.s32 s9, s2;
	s3 =	ssub.s32 s3, s7;
	s5 =	sshrl.u32 s5, $0x3  }
0xc: {  	s26 =	sshrl.u32 s8, $0x2;
	s9 =	smax.u32 s3, $0x1;
	s6 =	sadd.s32 s6, s0  }
0xd: {  	s0 =	sadd.s32 s5, s0;
	s7 =	sadd.s32 s26, s2;
	s26 =	simm.s32 $0x1  }
.Ltmp0:
0xe: {  	s25 =	sadd.s32 $0xC600, s6;
	s6 =	sadd.s32 $0x2600, s6;
	(pc) =	sbr.rel .LBB2_1-.Ltmp0, $4  }
0xf: {  	s8 =	sadd.s32 $0x16600, s0;
	s10 =	sadd.s32 $0x2000, s7;
	s11 =	sadd.s32 $0x4000, s7  }
0x10: {  	s12 =	sadd.s32 $0x6000, s7;
	s13 =	sadd.s32 $0x8000, s7;
	s14 =	sadd.s32 $0xA000, s7  }
0x11: {  	s15 =	sadd.s32 $0xC000, s7;
	s16 =	sadd.s32 $0xE000, s7;
	s17 =	sadd.s32 $0x10000, s7  }
0x12: {  	v0 =	vimm.f32 $0.0e+00;
	s18 =	sadd.s32 $0x12000, s7;
	[dreg:$0x4] =	wrdreg s25;
	s25 =	sshrl.u32 s31, $0x3  }
.LBB2_14:
0x13: {  	s0 =	stileid.u32;
	s30 =	sadd.s32 $0x1, s30  }
0x14: {  	s0 =	sshll.u32 s0, $0x6;
	p0 =	sne.s32 s30, s9  }
.Ltmp1:
0x15: {  	[bflag:$0x0] =	sbarrier.arrive $0xFFFF;
	s0 =	sor.u32 $0x1C03, s0;
	(pc) =	sbr.rel @!p0 .LBB2_15-.Ltmp1, $4  }
0x16: {  	[hbm:s8], [sflag:s0] =	dma.local [spmem:s25], $0x2800  }
0x17: {  	_ =	swait.ge [sflag:s19], $0x2800  }
0x18: {  	[sflag:s19] =	ssyncset.done $0x0  }
0x19: {  	[sflag:s19] =	ssyncadd.s32 $0xFFFFD800  }
.LBB2_1:
0x1a: {  	s0 =	rddreg [dreg:$0x4]  }
0x1b: {  	[tilespmem:s4], [sflag:$0x3] =	stream.linear.gather [hbm4b:s0+s4], $0x2800, $0x38;
	[tilespmem:$0x1F000] =	vst v63  }
0x1c: {  	_ =	swait.ge [sflag:s19], $0x2800  }
0x1d: {  	[sflag:s19] =	ssyncset.done $0x0  }
0x1e: {  	s21 =	simm.s32 $0x5000;
	[sflag:s19] =	ssyncadd.s32 $0xFFFFD800  }
0x1f: {  	[tilespmem:s21], [sflag:$0x1] =	stream.indirect.gather [hbm4b:s1+s20], $0x40, s4, s20, $0xb8;
	[tilespmem:$0x1F000] =	vst v63  }
0x20: {  	_ = 	snop  }
0x21: {  	[tilespmem:s22], [sflag:$0x2] =	stream.indirect.gather [hbm4b:s1+s20], $0x40, s20, s20, $0xb8;
	[tilespmem:$0x1F000] =	vst v63  }
0x22: {  	s23 =	simm.s32 $0x2800  }
0x23: {  	[tilespmem:s23], [sflag:$0x3] =	stream.linear.gather [hbm4b:s6+s4], $0x2800, $0x38;
	[tilespmem:$0x1F000] =	vst v63  }
0x24: {  	s31 =	sand.u32 $0x7E00, s4;
	s3 =	sand.u32 $0x70, s4;
	_ =	swait.ge [sflag:s19], $0x2800  }
0x25: {  	s5 =	sshrl.u32 s31, $0x2;
	s0 =	simm.s32 $0x40;
	[sflag:s19] =	ssyncset.done $0x0  }
0x26: {  	s5 =	sor.u32 s3, s5;
	s3 =	simm.s32 $0x0;
	[sflag:s19] =	ssyncadd.s32 $0xFFFFD800  }
.LBB2_2:
0x27: {  	p0 =	sne.s32 s0, $0x7FC0  }
0x28: {  	[tilespmem:s5+$0x9000] =	vst v0;
	s3 =	sadd.s32 $0x10, s3;
	s5 =	smov.u32 s0;
	s0 =	sadd.s32 $0x40, s0  }
.Ltmp2:
0x29: {  	(pc) =	sbr.rel @p0 .LBB2_2-.Ltmp2, $4  }
0x2a: {  	_ = 	snop  }
0x2b: {  	s5 =	sand.u32 $0x7E00, s5  }
0x2c: {  	s21 =	sand.u32 $0x70, s3;
	s5 =	sshrl.u32 s5, $0x2  }
0x2d: {  	s5 =	sor.u32 s21, s5  }
0x2e: {  	[tilespmem:s5+$0x9000] =	vst v0  }
0x2f: {  	[spmem:s7] =	stream.linear.scatter [tilespmem:s24], [sflag:$0x3], $0x2000, $0x38;
	[tilespmem:$0x1F000] =	vst v63  }
0x30: {  	_ =	swait.ge [sflag:s19], $0x2000  }
0x31: {  	[sflag:s19] =	ssyncset.done $0x0  }
0x32: {  	[sflag:s19] =	ssyncadd.s32 $0xFFFFE000  }
0x33: {  	[spmem:s10] =	stream.linear.scatter [tilespmem:s24], [sflag:$0x3], $0x2000, $0x38;
	[tilespmem:$0x1F000] =	vst v63  }
0x34: {  	_ =	swait.ge [sflag:s19], $0x2000  }
0x35: {  	[sflag:s19] =	ssyncset.done $0x0  }
0x36: {  	[sflag:s19] =	ssyncadd.s32 $0xFFFFE000  }
0x37: {  	[spmem:s11] =	stream.linear.scatter [tilespmem:s24], [sflag:$0x3], $0x2000, $0x38;
	[tilespmem:$0x1F000] =	vst v63  }
0x38: {  	_ =	swait.ge [sflag:s19], $0x2000  }
0x39: {  	[sflag:s19] =	ssyncset.done $0x0  }
0x3a: {  	[sflag:s19] =	ssyncadd.s32 $0xFFFFE000  }
0x3b: {  	[spmem:s12] =	stream.linear.scatter [tilespmem:s24], [sflag:$0x3], $0x2000, $0x38;
	[tilespmem:$0x1F000] =	vst v63  }
0x3c: {  	_ =	swait.ge [sflag:s19], $0x2000  }
0x3d: {  	[sflag:s19] =	ssyncset.done $0x0  }
0x3e: {  	[sflag:s19] =	ssyncadd.s32 $0xFFFFE000  }
0x3f: {  	[spmem:s13] =	stream.linear.scatter [tilespmem:s24], [sflag:$0x3], $0x2000, $0x38;
	[tilespmem:$0x1F000] =	vst v63  }
0x40: {  	_ =	swait.ge [sflag:s19], $0x2000  }
0x41: {  	[sflag:s19] =	ssyncset.done $0x0  }
0x42: {  	[sflag:s19] =	ssyncadd.s32 $0xFFFFE000  }
0x43: {  	[spmem:s14] =	stream.linear.scatter [tilespmem:s24], [sflag:$0x3], $0x2000, $0x38;
	[tilespmem:$0x1F000] =	vst v63  }
0x44: {  	_ =	swait.ge [sflag:s19], $0x2000  }
0x45: {  	[sflag:s19] =	ssyncset.done $0x0  }
0x46: {  	[sflag:s19] =	ssyncadd.s32 $0xFFFFE000  }
0x47: {  	[spmem:s15] =	stream.linear.scatter [tilespmem:s24], [sflag:$0x3], $0x2000, $0x38;
	[tilespmem:$0x1F000] =	vst v63  }
0x48: {  	_ =	swait.ge [sflag:s19], $0x2000  }
0x49: {  	[sflag:s19] =	ssyncset.done $0x0  }
0x4a: {  	[sflag:s19] =	ssyncadd.s32 $0xFFFFE000  }
0x4b: {  	[spmem:s16] =	stream.linear.scatter [tilespmem:s24], [sflag:$0x3], $0x2000, $0x38;
	[tilespmem:$0x1F000] =	vst v63  }
0x4c: {  	_ =	swait.ge [sflag:s19], $0x2000  }
0x4d: {  	[sflag:s19] =	ssyncset.done $0x0  }
0x4e: {  	[sflag:s19] =	ssyncadd.s32 $0xFFFFE000  }
0x4f: {  	[spmem:s17] =	stream.linear.scatter [tilespmem:s24], [sflag:$0x3], $0x2000, $0x38;
	[tilespmem:$0x1F000] =	vst v63  }
0x50: {  	_ =	swait.ge [sflag:s19], $0x2000  }
0x51: {  	[sflag:s19] =	ssyncset.done $0x0  }
0x52: {  	[sflag:s19] =	ssyncadd.s32 $0xFFFFE000  }
0x53: {  	[spmem:s18] =	stream.linear.scatter [tilespmem:s24], [sflag:$0x3], $0x2000, $0x38;
	[tilespmem:$0x1F000] =	vst v63  }
0x54: {  	_ =	swait.ge [sflag:s19], $0x2000  }
0x55: {  	[sflag:s19] =	ssyncset.done $0x0  }
0x56: {  	[sflag:s19] =	ssyncadd.s32 $0xFFFFE000  }
0x57: {  	s31 =	simm.s32 $0x0;
	[bflag:$0x0] =	sbarrier.arrive $0xFFFF  }
.LBB2_4:
0x58: {  	_ =	swait.ge [sflag:s26], $0x2000  }
0x59: {  	[sflag:s26] =	ssyncset.done $0x0  }
0x5a: {  	s3 =	simm.s32 $0x0;
	[sflag:s26] =	ssyncadd.s32 $0xFFFFE000  }
0x5b: {  	v1 =	vld [tilespmem:s3+$0x5000];
	_ =	sdelay $0x4  }
0x5c: {  	s0 =	simm.s32 $0x9040;
	v2 =	vshll.u32 v1, $0x10  }
0x5d: {  	v1 =	vand.u32 $0xFFFF0000, v1;
	[tilespmem:s0+$0xFFFFFFC0] =	vst v2  }
0x5e: {  	[tilespmem:s0+$0x0] =	vst v1  }
0x5f: {  	v1 =	vld [tilespmem:s3+$0x5010];
	_ =	sdelay $0x4  }
0x60: {  	v2 =	vshll.u32 v1, $0x10  }
0x61: {  	v1 =	vand.u32 $0xFFFF0000, v1;
	[tilespmem:s0+$0xFFFFFFD0] =	vst v2  }
0x62: {  	[tilespmem:s0+$0x10] =	vst v1  }
0x63: {  	v1 =	vld [tilespmem:s3+$0x5020];
	_ =	sdelay $0x4  }
0x64: {  	v2 =	vand.u32 $0xFFFF0000, v1  }
0x65: {  	v1 =	vshll.u32 v1, $0x10;
	[tilespmem:s0+$0x20] =	vst v2  }
0x66: {  	[tilespmem:s0+$0xFFFFFFE0] =	vst v1  }
0x67: {  	v1 =	vld [tilespmem:s3+$0x5030];
	_ =	sdelay $0x4  }
0x68: {  	v2 =	vshll.u32 v1, $0x10  }
0x69: {  	v1 =	vand.u32 $0xFFFF0000, v1;
	[tilespmem:s0+$0xFFFFFFF0] =	vst v2  }
0x6a: {  	s21 =	simm.s32 $0x40;
	[tilespmem:s0+$0x30] =	vst v1  }
0x6b: {  	v1 =	vld [tilespmem:s21+$0x5000]  }
0x6c: {  	s3 =	simm.s32 $0x200  }
.LBB2_5:
0x6d: {  	p0 =	sne.s32 s3, $0x3F00;
	_ =	sdelay $0x2  }
0x6e: {  	s0 =	sadd.s32 $0x80, s0;
	v2 =	vshll.u32 v1, $0x10  }
0x6f: {  	v1 =	vand.u32 $0xFFFF0000, v1;
	[tilespmem:s0+$0xFFFFFFC0] =	vst v2  }
0x70: {  	[tilespmem:s0+$0x0] =	vst v1  }
0x71: {  	v1 =	vld [tilespmem:s21+$0x5010];
	_ =	sdelay $0x4  }
0x72: {  	v2 =	vshll.u32 v1, $0x10  }
0x73: {  	v1 =	vand.u32 $0xFFFF0000, v1;
	[tilespmem:s0+$0xFFFFFFD0] =	vst v2  }
0x74: {  	[tilespmem:s0+$0x10] =	vst v1  }
0x75: {  	v1 =	vld [tilespmem:s21+$0x5020];
	_ =	sdelay $0x4  }
0x76: {  	v2 =	vshll.u32 v1, $0x10;
	v1 =	vand.u32 $0xFFFF0000, v1  }
0x77: {  	[tilespmem:s0+$0x20] =	vst v1  }
0x78: {  	[tilespmem:s0+$0xFFFFFFE0] =	vst v2  }
0x79: {  	v1 =	vld [tilespmem:s21+$0x5030];
	_ =	sdelay $0x4  }
.Ltmp3:
0x7a: {  	v2 =	vshll.u32 v1, $0x10;
	v1 =	vand.u32 $0xFFFF0000, v1;
	(pc) =	sbr.rel @p0 .LBB2_5-.Ltmp3, $4  }
0x7b: {  	[tilespmem:s0+$0xFFFFFFF0] =	vst v2  }
0x7c: {  	s21 =	sshra.s32 s3, $0x2;
	[tilespmem:s0+$0x30] =	vst v1  }
0x7d: {  	v1 =	vld [tilespmem:s21+$0x5000]  }
0x7e: {  	s3 =	sadd.s32 $0x100, s3  }
0x7f: {  	_ =	sdelay $0x2  }
0x80: {  	s3 =	sadd.s32 $0x80, s0;
	v2 =	vshll.u32 v1, $0x10  }
0x81: {  	v1 =	vand.u32 $0xFFFF0000, v1;
	[tilespmem:s3+$0xFFFFFFC0] =	vst v2  }
0x82: {  	[tilespmem:s3+$0x0] =	vst v1  }
0x83: {  	v1 =	vld [tilespmem:s21+$0x5010];
	_ =	sdelay $0x4  }
0x84: {  	v2 =	vshll.u32 v1, $0x10  }
0x85: {  	v1 =	vand.u32 $0xFFFF0000, v1;
	[tilespmem:s3+$0xFFFFFFD0] =	vst v2  }
0x86: {  	[tilespmem:s3+$0x10] =	vst v1  }
0x87: {  	v1 =	vld [tilespmem:s21+$0x5020];
	_ =	sdelay $0x4  }
0x88: {  	v2 =	vand.u32 $0xFFFF0000, v1  }
0x89: {  	v1 =	vshll.u32 v1, $0x10;
	[tilespmem:s3+$0x20] =	vst v2  }
0x8a: {  	[tilespmem:s3+$0xFFFFFFE0] =	vst v1  }
0x8b: {  	v1 =	vld [tilespmem:s21+$0x5030];
	_ =	sdelay $0x4  }
0x8c: {  	s21 =	sshll.u32 s31, $0xA;
	v2 =	vshll.u32 v1, $0x10  }
0x8d: {  	s0 =	sshrl.u32 s21, $0x2;
	v1 =	vand.u32 $0xFFFF0000, v1;
	[tilespmem:s3+$0xFFFFFFF0] =	vst v2  }
0x8e: {  	s23 =	sadd.s32 $0x2800, s0;
	[tilespmem:s3+$0x30] =	vst v1  }
0x8f: {  	[spmem:s2] =	stream.indirect.scatter.add.f32 [tilespmem:s24], [sflag:$0x3], $0x80, s23, s28, $0xb8;
	[tilespmem:$0x1F000] =	vst v63  }
0x90: {  	_ =	swait.ge [sflag:s19], $0x2000  }
0x91: {  	[sflag:s19] =	ssyncset.done $0x0  }
0x92: {  	s5 =	simm.s32 $0x0;
	[sflag:s19] =	ssyncadd.s32 $0xFFFFE000  }
0x93: {  	v1 =	vld [tilespmem:s5+$0x6000];
	_ =	sdelay $0x4  }
0x94: {  	s23 =	simm.s32 $0x9040;
	v2 =	vshll.u32 v1, $0x10  }
0x95: {  	v1 =	vand.u32 $0xFFFF0000, v1;
	[tilespmem:s23+$0xFFFFFFC0] =	vst v2  }
0x96: {  	[tilespmem:s23+$0x0] =	vst v1  }
0x97: {  	v1 =	vld [tilespmem:s5+$0x6010];
	_ =	sdelay $0x4  }
0x98: {  	v2 =	vshll.u32 v1, $0x10  }
0x99: {  	v1 =	vand.u32 $0xFFFF0000, v1;
	[tilespmem:s23+$0xFFFFFFD0] =	vst v2  }
0x9a: {  	[tilespmem:s23+$0x10] =	vst v1  }
0x9b: {  	v1 =	vld [tilespmem:s5+$0x6020];
	_ =	sdelay $0x4  }
0x9c: {  	v2 =	vand.u32 $0xFFFF0000, v1  }
0x9d: {  	v1 =	vshll.u32 v1, $0x10;
	[tilespmem:s23+$0x20] =	vst v2  }
0x9e: {  	[tilespmem:s23+$0xFFFFFFE0] =	vst v1  }
0x9f: {  	v1 =	vld [tilespmem:s5+$0x6030];
	_ =	sdelay $0x4  }
0xa0: {  	v2 =	vshll.u32 v1, $0x10  }
0xa1: {  	v1 =	vand.u32 $0xFFFF0000, v1;
	[tilespmem:s23+$0xFFFFFFF0] =	vst v2  }
0xa2: {  	s3 =	simm.s32 $0x40;
	[tilespmem:s23+$0x30] =	vst v1  }
0xa3: {  	v1 =	vld [tilespmem:s3+$0x6000]  }
0xa4: {  	s5 =	simm.s32 $0x200  }
.LBB2_7:
0xa5: {  	p0 =	sne.s32 s5, $0x3F00;
	_ =	sdelay $0x2  }
0xa6: {  	s23 =	sadd.s32 $0x80, s23;
	v2 =	vshll.u32 v1, $0x10  }
0xa7: {  	v1 =	vand.u32 $0xFFFF0000, v1;
	[tilespmem:s23+$0xFFFFFFC0] =	vst v2  }
0xa8: {  	[tilespmem:s23+$0x0] =	vst v1  }
0xa9: {  	v1 =	vld [tilespmem:s3+$0x6010];
	_ =	sdelay $0x4  }
0xaa: {  	v2 =	vshll.u32 v1, $0x10  }
0xab: {  	v1 =	vand.u32 $0xFFFF0000, v1;
	[tilespmem:s23+$0xFFFFFFD0] =	vst v2  }
0xac: {  	[tilespmem:s23+$0x10] =	vst v1  }
0xad: {  	v1 =	vld [tilespmem:s3+$0x6020];
	_ =	sdelay $0x4  }
0xae: {  	v2 =	vshll.u32 v1, $0x10;
	v1 =	vand.u32 $0xFFFF0000, v1  }
0xaf: {  	[tilespmem:s23+$0x20] =	vst v1  }
0xb0: {  	[tilespmem:s23+$0xFFFFFFE0] =	vst v2  }
0xb1: {  	v1 =	vld [tilespmem:s3+$0x6030];
	_ =	sdelay $0x4  }
.Ltmp4:
0xb2: {  	v2 =	vshll.u32 v1, $0x10;
	v1 =	vand.u32 $0xFFFF0000, v1;
	(pc) =	sbr.rel @p0 .LBB2_7-.Ltmp4, $4  }
0xb3: {  	[tilespmem:s23+$0xFFFFFFF0] =	vst v2  }
0xb4: {  	s3 =	sshra.s32 s5, $0x2;
	[tilespmem:s23+$0x30] =	vst v1  }
0xb5: {  	v1 =	vld [tilespmem:s3+$0x6000]  }
0xb6: {  	s5 =	sadd.s32 $0x100, s5  }
0xb7: {  	_ =	sdelay $0x2  }
0xb8: {  	s5 =	sadd.s32 $0x80, s23;
	v2 =	vshll.u32 v1, $0x10  }
0xb9: {  	v1 =	vand.u32 $0xFFFF0000, v1;
	[tilespmem:s5+$0xFFFFFFC0] =	vst v2  }
0xba: {  	[tilespmem:s5+$0x0] =	vst v1  }
0xbb: {  	v1 =	vld [tilespmem:s3+$0x6010];
	_ =	sdelay $0x4  }
0xbc: {  	v2 =	vshll.u32 v1, $0x10  }
0xbd: {  	v1 =	vand.u32 $0xFFFF0000, v1;
	[tilespmem:s5+$0xFFFFFFD0] =	vst v2  }
0xbe: {  	[tilespmem:s5+$0x10] =	vst v1  }
0xbf: {  	v1 =	vld [tilespmem:s3+$0x6020];
	_ =	sdelay $0x4  }
0xc0: {  	v2 =	vand.u32 $0xFFFF0000, v1  }
0xc1: {  	v1 =	vshll.u32 v1, $0x10;
	[tilespmem:s5+$0x20] =	vst v2  }
0xc2: {  	[tilespmem:s5+$0xFFFFFFE0] =	vst v1  }
0xc3: {  	v1 =	vld [tilespmem:s3+$0x6030];
	_ =	sdelay $0x4  }
0xc4: {  	v2 =	vshll.u32 v1, $0x10  }
0xc5: {  	v1 =	vand.u32 $0xFFFF0000, v1;
	[tilespmem:s5+$0xFFFFFFF0] =	vst v2  }
0xc6: {  	[tilespmem:s5+$0x30] =	vst v1;
	s5 =	sadd.s32 $0x2840, s0  }
0xc7: {  	[spmem:s2] =	stream.indirect.scatter.add.f32 [tilespmem:s24], [sflag:$0x3], $0x80, s5, s28, $0xb8;
	[tilespmem:$0x1F000] =	vst v63  }
0xc8: {  	p0 =	seq.s32 s31, $0x27;
	_ =	swait.ge [sflag:s19], $0x2000  }
0xc9: {  	s3 =	sshrl.u32 @!p0 s21, $0x2;
	s21 =	simm.s32 @!p0 $0x5000;
	[sflag:s19] =	ssyncset.done $0x0  }
0xca: {  	s3 =	sadd.s32 @!p0 $0x100, s3;
	s5 =	simm.s32 @!p0 $0x80;
	[sflag:s19] =	ssyncadd.s32 $0xFFFFE000  }
0xcb: {  	[tilespmem:s21], [sflag:$0x1] =	stream.indirect.gather @!p0 [hbm4b:s1+s5], $0x40, s3, s5, $0xb8;
	[tilespmem:$0x1F000] =	vst v63  }
0xcc: {  	_ =	swait.ge [sflag:s29], $0x2000  }
0xcd: {  	[sflag:s29] =	ssyncset.done $0x0  }
0xce: {  	s23 =	simm.s32 $0x0;
	[sflag:s29] =	ssyncadd.s32 $0xFFFFE000  }
0xcf: {  	v1 =	vld [tilespmem:s23+$0x7000];
	_ =	sdelay $0x4  }
0xd0: {  	s21 =	simm.s32 $0x9040;
	v2 =	vshll.u32 v1, $0x10  }
0xd1: {  	v1 =	vand.u32 $0xFFFF0000, v1;
	[tilespmem:s21+$0xFFFFFFC0] =	vst v2  }
0xd2: {  	[tilespmem:s21+$0x0] =	vst v1  }
0xd3: {  	v1 =	vld [tilespmem:s23+$0x7010];
	_ =	sdelay $0x4  }
0xd4: {  	v2 =	vshll.u32 v1, $0x10  }
0xd5: {  	v1 =	vand.u32 $0xFFFF0000, v1;
	[tilespmem:s21+$0xFFFFFFD0] =	vst v2  }
0xd6: {  	[tilespmem:s21+$0x10] =	vst v1  }
0xd7: {  	v1 =	vld [tilespmem:s23+$0x7020];
	_ =	sdelay $0x4  }
0xd8: {  	v2 =	vand.u32 $0xFFFF0000, v1  }
0xd9: {  	v1 =	vshll.u32 v1, $0x10;
	[tilespmem:s21+$0x20] =	vst v2  }
0xda: {  	[tilespmem:s21+$0xFFFFFFE0] =	vst v1  }
0xdb: {  	v1 =	vld [tilespmem:s23+$0x7030];
	_ =	sdelay $0x4  }
0xdc: {  	v2 =	vshll.u32 v1, $0x10  }
0xdd: {  	v1 =	vand.u32 $0xFFFF0000, v1;
	[tilespmem:s21+$0xFFFFFFF0] =	vst v2  }
0xde: {  	s3 =	simm.s32 $0x40;
	[tilespmem:s21+$0x30] =	vst v1  }
0xdf: {  	v1 =	vld [tilespmem:s3+$0x7000]  }
0xe0: {  	s5 =	simm.s32 $0x200  }
.LBB2_9:
0xe1: {  	p1 =	sne.s32 s5, $0x3F00;
	_ =	sdelay $0x2  }
0xe2: {  	s21 =	sadd.s32 $0x80, s21;
	v2 =	vshll.u32 v1, $0x10  }
0xe3: {  	v1 =	vand.u32 $0xFFFF0000, v1;
	[tilespmem:s21+$0xFFFFFFC0] =	vst v2  }
0xe4: {  	[tilespmem:s21+$0x0] =	vst v1  }
0xe5: {  	v1 =	vld [tilespmem:s3+$0x7010];
	_ =	sdelay $0x4  }
0xe6: {  	v2 =	vshll.u32 v1, $0x10  }
0xe7: {  	v1 =	vand.u32 $0xFFFF0000, v1;
	[tilespmem:s21+$0xFFFFFFD0] =	vst v2  }
0xe8: {  	[tilespmem:s21+$0x10] =	vst v1  }
0xe9: {  	v1 =	vld [tilespmem:s3+$0x7020];
	_ =	sdelay $0x4  }
0xea: {  	v2 =	vshll.u32 v1, $0x10;
	v1 =	vand.u32 $0xFFFF0000, v1  }
0xeb: {  	[tilespmem:s21+$0x20] =	vst v1  }
0xec: {  	[tilespmem:s21+$0xFFFFFFE0] =	vst v2  }
0xed: {  	v1 =	vld [tilespmem:s3+$0x7030];
	_ =	sdelay $0x4  }
.Ltmp5:
0xee: {  	v2 =	vshll.u32 v1, $0x10;
	v1 =	vand.u32 $0xFFFF0000, v1;
	(pc) =	sbr.rel @p1 .LBB2_9-.Ltmp5, $4  }
0xef: {  	[tilespmem:s21+$0xFFFFFFF0] =	vst v2  }
0xf0: {  	s3 =	sshra.s32 s5, $0x2;
	[tilespmem:s21+$0x30] =	vst v1  }
0xf1: {  	v1 =	vld [tilespmem:s3+$0x7000]  }
0xf2: {  	s5 =	sadd.s32 $0x100, s5  }
0xf3: {  	_ =	sdelay $0x2  }
0xf4: {  	s5 =	sadd.s32 $0x80, s21;
	v2 =	vshll.u32 v1, $0x10  }
0xf5: {  	v1 =	vand.u32 $0xFFFF0000, v1;
	[tilespmem:s5+$0xFFFFFFC0] =	vst v2  }
0xf6: {  	[tilespmem:s5+$0x0] =	vst v1  }
0xf7: {  	v1 =	vld [tilespmem:s3+$0x7010];
	_ =	sdelay $0x4  }
0xf8: {  	v2 =	vshll.u32 v1, $0x10  }
0xf9: {  	v1 =	vand.u32 $0xFFFF0000, v1;
	[tilespmem:s5+$0xFFFFFFD0] =	vst v2  }
0xfa: {  	[tilespmem:s5+$0x10] =	vst v1  }
0xfb: {  	v1 =	vld [tilespmem:s3+$0x7020];
	_ =	sdelay $0x4  }
0xfc: {  	v2 =	vand.u32 $0xFFFF0000, v1  }
0xfd: {  	v1 =	vshll.u32 v1, $0x10;
	[tilespmem:s5+$0x20] =	vst v2  }
0xfe: {  	[tilespmem:s5+$0xFFFFFFE0] =	vst v1  }
0xff: {  	v1 =	vld [tilespmem:s3+$0x7030];
	_ =	sdelay $0x4  }
0x100: {  	v2 =	vshll.u32 v1, $0x10  }
0x101: {  	v1 =	vand.u32 $0xFFFF0000, v1;
	[tilespmem:s5+$0xFFFFFFF0] =	vst v2  }
0x102: {  	s21 =	sadd.s32 $0x2880, s0;
	[tilespmem:s5+$0x30] =	vst v1  }
0x103: {  	[spmem:s2] =	stream.indirect.scatter.add.f32 [tilespmem:s24], [sflag:$0x3], $0x80, s21, s28, $0xb8;
	[tilespmem:$0x1F000] =	vst v63  }
0x104: {  	_ =	swait.ge [sflag:s19], $0x2000  }
0x105: {  	[sflag:s19] =	ssyncset.done $0x0  }
0x106: {  	s23 =	simm.s32 $0x0;
	[sflag:s19] =	ssyncadd.s32 $0xFFFFE000  }
0x107: {  	v1 =	vld [tilespmem:s23+$0x8000];
	_ =	sdelay $0x4  }
0x108: {  	s21 =	simm.s32 $0x9040;
	v2 =	vshll.u32 v1, $0x10  }
0x109: {  	v1 =	vand.u32 $0xFFFF0000, v1;
	[tilespmem:s21+$0xFFFFFFC0] =	vst v2  }
0x10a: {  	[tilespmem:s21+$0x0] =	vst v1  }
0x10b: {  	v1 =	vld [tilespmem:s23+$0x8010];
	_ =	sdelay $0x4  }
0x10c: {  	v2 =	vshll.u32 v1, $0x10  }
0x10d: {  	v1 =	vand.u32 $0xFFFF0000, v1;
	[tilespmem:s21+$0xFFFFFFD0] =	vst v2  }
0x10e: {  	[tilespmem:s21+$0x10] =	vst v1  }
0x10f: {  	v1 =	vld [tilespmem:s23+$0x8020];
	_ =	sdelay $0x4  }
0x110: {  	v2 =	vand.u32 $0xFFFF0000, v1  }
0x111: {  	v1 =	vshll.u32 v1, $0x10;
	[tilespmem:s21+$0x20] =	vst v2  }
0x112: {  	[tilespmem:s21+$0xFFFFFFE0] =	vst v1  }
0x113: {  	v1 =	vld [tilespmem:s23+$0x8030];
	_ =	sdelay $0x4  }
0x114: {  	v2 =	vshll.u32 v1, $0x10  }
0x115: {  	v1 =	vand.u32 $0xFFFF0000, v1;
	[tilespmem:s21+$0xFFFFFFF0] =	vst v2  }
0x116: {  	s3 =	simm.s32 $0x40;
	[tilespmem:s21+$0x30] =	vst v1  }
0x117: {  	v1 =	vld [tilespmem:s3+$0x8000]  }
0x118: {  	s5 =	simm.s32 $0x200  }
.LBB2_11:
0x119: {  	p1 =	sne.s32 s5, $0x3F00;
	_ =	sdelay $0x2  }
0x11a: {  	s21 =	sadd.s32 $0x80, s21;
	v2 =	vshll.u32 v1, $0x10  }
0x11b: {  	v1 =	vand.u32 $0xFFFF0000, v1;
	[tilespmem:s21+$0xFFFFFFC0] =	vst v2  }
0x11c: {  	[tilespmem:s21+$0x0] =	vst v1  }
0x11d: {  	v1 =	vld [tilespmem:s3+$0x8010];
	_ =	sdelay $0x4  }
0x11e: {  	v2 =	vshll.u32 v1, $0x10  }
0x11f: {  	v1 =	vand.u32 $0xFFFF0000, v1;
	[tilespmem:s21+$0xFFFFFFD0] =	vst v2  }
0x120: {  	[tilespmem:s21+$0x10] =	vst v1  }
0x121: {  	v1 =	vld [tilespmem:s3+$0x8020];
	_ =	sdelay $0x4  }
0x122: {  	v2 =	vshll.u32 v1, $0x10;
	v1 =	vand.u32 $0xFFFF0000, v1  }
0x123: {  	[tilespmem:s21+$0x20] =	vst v1  }
0x124: {  	[tilespmem:s21+$0xFFFFFFE0] =	vst v2  }
0x125: {  	v1 =	vld [tilespmem:s3+$0x8030];
	_ =	sdelay $0x4  }
.Ltmp6:
0x126: {  	v2 =	vshll.u32 v1, $0x10;
	v1 =	vand.u32 $0xFFFF0000, v1;
	(pc) =	sbr.rel @p1 .LBB2_11-.Ltmp6, $4  }
0x127: {  	[tilespmem:s21+$0xFFFFFFF0] =	vst v2  }
0x128: {  	s3 =	sshra.s32 s5, $0x2;
	[tilespmem:s21+$0x30] =	vst v1  }
0x129: {  	v1 =	vld [tilespmem:s3+$0x8000]  }
0x12a: {  	s5 =	sadd.s32 $0x100, s5  }
0x12b: {  	_ =	sdelay $0x2  }
0x12c: {  	s5 =	sadd.s32 $0x80, s21;
	v2 =	vshll.u32 v1, $0x10  }
0x12d: {  	v1 =	vand.u32 $0xFFFF0000, v1;
	[tilespmem:s5+$0xFFFFFFC0] =	vst v2  }
0x12e: {  	[tilespmem:s5+$0x0] =	vst v1  }
0x12f: {  	v1 =	vld [tilespmem:s3+$0x8010];
	_ =	sdelay $0x4  }
0x130: {  	v2 =	vshll.u32 v1, $0x10  }
0x131: {  	v1 =	vand.u32 $0xFFFF0000, v1;
	[tilespmem:s5+$0xFFFFFFD0] =	vst v2  }
0x132: {  	[tilespmem:s5+$0x10] =	vst v1  }
0x133: {  	v1 =	vld [tilespmem:s3+$0x8020];
	_ =	sdelay $0x4  }
0x134: {  	v2 =	vand.u32 $0xFFFF0000, v1  }
0x135: {  	v1 =	vshll.u32 v1, $0x10;
	[tilespmem:s5+$0x20] =	vst v2  }
0x136: {  	[tilespmem:s5+$0xFFFFFFE0] =	vst v1  }
0x137: {  	v1 =	vld [tilespmem:s3+$0x8030];
	_ =	sdelay $0x4  }
0x138: {  	v2 =	vshll.u32 v1, $0x10  }
0x139: {  	v1 =	vand.u32 $0xFFFF0000, v1;
	[tilespmem:s5+$0xFFFFFFF0] =	vst v2  }
.Ltmp7:
0x13a: {  	s23 =	sadd.s32 $0x28C0, s0;
	[tilespmem:s5+$0x30] =	vst v1;
	(pc) =	sbr.rel @p0 .LBB2_14-.Ltmp7, $4  }
0x13b: {  	[spmem:s2] =	stream.indirect.scatter.add.f32 [tilespmem:s24], [sflag:$0x3], $0x80, s23, s28, $0xb8;
	[tilespmem:$0x1F000] =	vst v63  }
0x13c: {  	_ =	swait.ge [sflag:s19], $0x2000  }
0x13d: {  	[sflag:s19] =	ssyncset.done $0x0  }
0x13e: {  	[sflag:s19] =	ssyncadd.s32 $0xFFFFE000  }
.Ltmp8:
0x13f: {  	(pc) =	sbr.rel .LBB2_4-.Ltmp8, $3  }
0x140: {  	_ =	sdelay $0x1  }
0x141: {  	s0 =	sadd.s32 $0x180, s0;
	s31 =	sadd.s32 $0x1, s31  }
0x142: {  	[tilespmem:s22], [sflag:$0x2] =	stream.indirect.gather [hbm4b:s1+s20], $0x40, s0, s20, $0xb8;
	[tilespmem:$0x1F000] =	vst v63  }
.LBB2_15:
0x143: {  	_ =	sfence.sel $0x180000  }
0x144: {  	[bflag:$0x0] =	sbarrier.arrive $0xFFFF  }
0x145: {  	_ =	strace $0x9000004A  }
0x146: {  	s0 =	stileid.u32;
	[bflag:$0x2] =	sbarrier.arrive $0xFFFF  }
0x147: {  	p0 =	sne.s32 s0, $0x0;
	s0 =	rddreg [dreg:$0x3]  }
0x148: {  	s0 =	sadd.s32 @!p0 $0x100000, s0  }
0x149: {  	[sflag:s0] =	ssyncadd.tile.s32 @!p0 $0x1;
	_ =	shalt  }
.Lfunc_end2:
_tile_overlayer_lowered:
.L_overlay_start_2:
0x14a: {  	(tag) =	ssettag $0x2  }
0x14b: {  	s0 =	rddreg [dreg:$0x0];
	s2 =	stileid.u32  }
0x14c: {  	s1 =	rddreg [dreg:$0x1];
	p0 =	sne.s32 s2, $0x0  }
0x14d: {  	s3 =	rddreg [dreg:$0x2];
	[bflag:$0x3] =	sbarrier.arrive $0xFFFF;
	s2 =	simm.s32 @!p0 $0x1C03  }
0x14e: {  	[timem:s3], [sflag:s2] =	dma.local @!p0 [hbm:s0], s1  }
0x14f: {  	s0 =	simm.s32 @!p0 $0x3  }
0x150: {  	_ =	swait.ge @!p0 [sflag:s0], s1  }
0x151: {  	s1 =	ssub.s32 @!p0 $0x0, s1;
	[sflag:s0] =	ssyncset.done @!p0 $0x0  }
0x152: {  	[sflag:s0] =	ssyncadd.s32 @!p0 s1  }
0x153: {  	[bflag:$0x3] =	sbarrier.arrive $0xFFFF  }
0x154: {  	_ =	shalt  }

// kernel: kernel.7.cloned.1.call-start
scs
__scs_entry_jumppad:
0x0: {  	(pc) =	sbr.rel $0x88, $3  }
0x1: {  	(tag) =	ssettag $0x0;
	lr =	simm.s32 $0x1  }
0x2: {  	[smem:$0x3F97] =	sst lr;
	_ =	strace $0xD0000000  }
0x3: {  	_ = 	snop  }
0x4: {  	_ = 	snop  }
0x5: {  	_ = 	snop  }
0x6: {  	_ = 	snop  }
0x7: {  	_ = 	snop  }
__scs_overlays_trampoline_lowered:
0x8: {  	[smem:$0x3FA6] =	sst s0  }
0x9: {  	[smem:$0x3FA7] =	sst s1  }
0xa: {  	[smem:$0x3FA8] =	sst s2  }
0xb: {  	[smem:$0x3FA9] =	sst s3  }
0xc: {  	[smem:$0x3FAA] =	sst s4  }
0xd: {  	[smem:$0x3FAB] =	sst s5  }
0xe: {  	[smem:$0x3FAC] =	sst s6  }
0xf: {  	[smem:$0x3FAD] =	sst s7  }
0x10: {  	[smem:$0x3FAE] =	sst s8  }
0x11: {  	[smem:$0x3FAF] =	sst s9;
	s0 =	simm.s32 @!p0 $0x0  }
0x12: {  	s1 =	sld [smem:$0x3F95];
	s0 =	simm.s32 @p0 $0x1  }
0x13: {  	[smem:$0x3FB0] =	sst s0;
	s0 =	simm.s32 @!p1 $0x0  }
0x14: {  	s2 =	sld [smem:$0x3F94];
	s0 =	simm.s32 @p1 $0x1  }
0x15: {  	[smem:$0x3FB1] =	sst s0;
	s0 =	simm.s32 @!p2 $0x0  }
0x16: {  	s3 =	sld [smem:$0x3FDB];
	s0 =	simm.s32 @p2 $0x1  }
0x17: {  	s4 =	simm.s32 $0x1BF5;
	[smem:$0x3FB3] =	sst s0  }
0x18: {  	s0 =	sld [smem:$0x3F96];
	_ =	swait.ge [sflag:s4], $0x0  }
0x19: {  	s7 =	sld [smem:$0x3F97]  }
0x1a: {  	s8 =	sadd.s32 $0xFFFFE003, lr  }
0x1b: {  	s9 =	sadd.s32 $0xFFFFFEF7, lr;
	s5 =	simm.s32 $0xFFFFFFFF;
	p2 =	slt.u32 s8, $0xFFFFF086  }
0x1c: {  	p1 =	slt.u32 s9, $0xF7A;
	s5 =	simm.s32 @!p2 $0x0  }
0x1d: {  	s5 =	simm.s32 @p1 $0x1;
	p0 =	seq.s32 s7, s2  }
0x1e: {  	s7 =	smul.u32 @!p0 $0xF7A, s2;
	p2 =	seq.s32 @!p0 s5, $0x0  }
0x1f: {  	s9 =	smul.u32 $0xF7A, s1;
	s8 =	simm.s32 @!p0 $0x1BF5;
	p2 =	por !p2, p0  }
0x20: {  	[sflag:s8] =	ssyncset.s32 @!p0 $0xFFFFF086;
	s6 =	sadd.s32 @!p0 s3, s7;
	s7 =	simm.s32 @!p0 $0x108  }
0x21: {  	s3 =	sadd.s32 s3, s9;
	s6 =	sadd.s32 @!p0 $0x88, s6;
	s7 =	simm.s32 @p2 $0x1082  }
0x22: {  	[simem:s7], [sflag:s8] =	dma.local @!p0 [hbm:s6], $0xF7A  }
0x23: {  	s9 =	sor.u32 $0xD0000000, s2;
	s6 =	simm.s32 $0x108;
	_ =	swait.ge @!p0 [sflag:s8], $0x0  }
0x24: {  	s3 =	sadd.s32 $0x88, s3;
	s6 =	simm.s32 @!p1 $0x1082;
	[sflag:s4] =	ssyncset.s32 $0xFFFFF086  }
0x25: {  	[simem:s6], [sflag:s4] =	dma.local [hbm:s3], $0xF7A  }
0x26: {  	[smem:$0x3F97] =	sst s1;
	(tag) =	ssettag s2;
	_ =	strace s9  }
0x27: {  	s1 =	sld [smem:$0x3FA7]  }
0x28: {  	s2 =	sld [smem:$0x3FA8]  }
0x29: {  	s4 =	sld [smem:$0x3FAA]  }
0x2a: {  	p0 =	seq.s32 s5, $0x0;
	s5 =	sld [smem:$0x3FAB]  }
0x2b: {  	s6 =	sld [smem:$0x3FAC]  }
0x2c: {  	s7 =	sld [smem:$0x3FAD]  }
0x2d: {  	s3 =	simm.s32 $0x108;
	s8 =	sld [smem:$0x3FAE]  }
0x2e: {  	s3 =	simm.s32 @!p0 $0x1082;
	s9 =	sld [smem:$0x3FAF]  }
0x2f: {  	lr =	sadd.s32 s0, s3;
	s0 =	sld [smem:$0x3FA6]  }
0x30: {  	s3 =	sld [smem:$0x3FA9]  }
0x31: {  	[smem:$0x3FB2] =	sst s10  }
0x32: {  	s10 =	sld [smem:$0x3FB0];
	_ =	sdelay $0x3  }
0x33: {  	p0 =	seq.s32 s10, $0x1;
	s10 =	sld [smem:$0x3FB2];
	_ =	sdelay $0x3  }
0x34: {  	[smem:$0x3FB2] =	sst s10  }
0x35: {  	s10 =	sld [smem:$0x3FB1];
	_ =	sdelay $0x3  }
0x36: {  	p1 =	seq.s32 s10, $0x1;
	s10 =	sld [smem:$0x3FB2];
	_ =	sdelay $0x3  }
0x37: {  	[smem:$0x3FB2] =	sst s10  }
0x38: {  	s10 =	sld [smem:$0x3FB3]  }
0x39: {  	_ = 	snop;
	(pc) =	sbr.ind lr, $3  }
0x3a: {  	_ = 	snop  }
0x3b: {  	_ = 	snop  }
0x3c: {  	p2 =	seq.s32 s10, $0x1;
	s10 =	sld [smem:$0x3FB2]  }
0x3d: {  	_ =	shalt  }
0x3e: {  	_ =	shalt  }
0x3f: {  	_ =	shalt  }
0x40: {  	_ =	shalt  }
0x41: {  	_ =	shalt  }
0x42: {  	_ =	shalt  }
0x43: {  	_ =	shalt  }
0x44: {  	_ =	shalt  }
0x45: {  	_ =	shalt  }
0x46: {  	_ =	shalt  }
0x47: {  	_ =	shalt  }
0x48: {  	_ =	shalt  }
0x49: {  	_ =	shalt  }
0x4a: {  	_ =	shalt  }
0x4b: {  	_ =	shalt  }
0x4c: {  	_ =	shalt  }
0x4d: {  	_ =	shalt  }
0x4e: {  	_ =	shalt  }
0x4f: {  	_ =	shalt  }
0x50: {  	_ =	shalt  }
0x51: {  	_ =	shalt  }
0x52: {  	_ =	shalt  }
0x53: {  	_ =	shalt  }
0x54: {  	_ =	shalt  }
0x55: {  	_ =	shalt  }
0x56: {  	_ =	shalt  }
0x57: {  	_ =	shalt  }
0x58: {  	_ =	shalt  }
0x59: {  	_ =	shalt  }
0x5a: {  	_ =	shalt  }
0x5b: {  	_ =	shalt  }
0x5c: {  	_ =	shalt  }
0x5d: {  	_ =	shalt  }
0x5e: {  	_ =	shalt  }
0x5f: {  	_ =	shalt  }
0x60: {  	_ =	shalt  }
0x61: {  	_ =	shalt  }
0x62: {  	_ =	shalt  }
0x63: {  	_ =	shalt  }
0x64: {  	_ =	shalt  }
0x65: {  	_ =	shalt  }
0x66: {  	_ =	shalt  }
0x67: {  	_ =	shalt  }
0x68: {  	_ =	shalt  }
0x69: {  	_ =	shalt  }
0x6a: {  	_ =	shalt  }
0x6b: {  	_ =	shalt  }
0x6c: {  	_ =	shalt  }
0x6d: {  	_ =	shalt  }
0x6e: {  	_ =	shalt  }
0x6f: {  	_ =	shalt  }
0x70: {  	_ =	shalt  }
0x71: {  	_ =	shalt  }
0x72: {  	_ =	shalt  }
0x73: {  	_ =	shalt  }
0x74: {  	_ =	shalt  }
0x75: {  	_ =	shalt  }
0x76: {  	_ =	shalt  }
0x77: {  	_ =	shalt  }
0x78: {  	_ =	shalt  }
0x79: {  	_ =	shalt  }
0x7a: {  	_ =	shalt  }
0x7b: {  	_ =	shalt  }
0x7c: {  	_ =	shalt  }
0x7d: {  	_ =	shalt  }
0x7e: {  	_ =	shalt  }
0x7f: {  	_ =	shalt  }
0x80: {  	_ =	shalt  }
0x81: {  	_ =	shalt  }
0x82: {  	_ =	shalt  }
0x83: {  	_ =	shalt  }
0x84: {  	_ =	shalt  }
0x85: {  	_ =	shalt  }
0x86: {  	_ =	shalt  }
0x87: {  	_ =	shalt  }
.Lfunc_end0:
.L_simem_size_0:
called_computation_lowered:
.L_overlay_start_0:
0x88: {  	s2 =	sld [smem:$0x3FD9]  }
0x89: {  	s3 =	sld [smem:$0x3FFE];
	_ =	sdelay $0x1  }
0x8a: {  	s1 =	srdreg.scid  }
0x8b: {  	s0 =	sand.u32 $0x1, s1  }
0x8c: {  	s17 =	sshll.u32 s0, $0xA;
	s2 =	sadd.s32 s3, s2  }
0x8d: {  	s2 =	sadd.s32 s2, s17  }
0x8e: {  	[smem:$0x3FBE] =	sst s2  }
0x8f: {  	_ = 	snop  }
0x90: {  	s2 =	sld [smem:$0x3FD0];
	(tm) =	ssettm $0x1  }
0x91: {  	s18 =	sld [smem:$0x3FFB];
	_ =	sdelay $0x3  }
0x92: {  	_ =	strace s18  }
0x93: {  	s3 =	sld [smem:$0x3FFC];
	_ =	sdelay $0x3  }
0x94: {  	_ =	strace s3  }
0x95: {  	s3 =	sld [smem:$0x3FFD];
	_ =	sdelay $0x3  }
0x96: {  	_ =	strace s3  }
0x97: {  	_ =	strace $0x8FFFFFFF  }
0x98: {  	s19 =	sld [smem:$0x3FDB];
	_ =	sdelay $0x1  }
0x99: {  	s4 =	simm.s32 $_scs_section_size  }
0x9a: {  	s5 =	simm.s32 $_size__tile_overlayer_lowered;
	s6 =	simm.s32 $_tile_overlayer_lowered  }
0x9b: {  	s22 =	simm.s32 $0x1BFF;
	s21 =	sshll.u32 s6, $0x1;
	s3 =	sadd.s32 s4, s19  }
0x9c: {  	s7 =	simm.s32 $0x0;
	s20 =	sshll.u32 s5, $0x1;
	s5 =	sadd.s32 s21, s3  }
0x9d: {  	[timem:s7], [sflag:s22] =	dma.local [hbm:s5], s20  }
0x9e: {  	_ =	swait.ge [sflag:s22], s20  }
0x9f: {  	s4 =	ssub.s32 $0x0, s20;
	[sflag:s22] =	ssyncset.done $0x0  }
0xa0: {  	[sflag:s22] =	ssyncadd.s32 s4;
	_ =	sdelay $0x1  }
0xa1: {  	s23 =	simm.s32 $0x1B8B  }
0xa2: {  	_ =	swait.ge [sflag:s23], $0x1  }
0xa3: {  	[sflag:s23] =	ssyncset.done $0x0  }
0xa4: {  	s25 =	simm.s32 $0x1B8E;
	s24 =	sld [smem:$0x3FFE];
	[sflag:s23] =	ssyncadd.s32 $0xFFFFFFFF  }
0xa5: {  	s26 =	simm.s32 $execute0_lowered;
	[smem:$0x3FD2] =	sst s25  }
0xa6: {  	s5 =	sshll.u32 s26, $0x1;
	_ =	strace $0x80000046;
	[dreg:$0x1] =	wrdreg $0xFFFFFFFF  }
0xa7: {  	s28 =	simm.s32 $_size_execute0_lowered;
	s3 =	sadd.s32 s3, s5;
	[dreg:$0x0] =	wrdreg $0x0  }
0xa8: {  	s5 =	sshll.u32 s28, $0x1;
	[dreg:$0x2] =	wrdreg s3  }
0xa9: {  	[dreg:$0x3] =	wrdreg s5  }
0xaa: {  	[dreg:$0x4] =	wrdreg $0xC0  }
0xab: {  	_ =	task [dreg:s7], $0x5FFFF  }
0xac: {  	[dreg:$0x1] =	wrdreg $0xFFFFFFFF  }
0xad: {  	[dreg:$0x0] =	wrdreg $0x60  }
0xae: {  	[dreg:$0x2] =	wrdreg s2  }
0xaf: {  	[dreg:$0x3] =	wrdreg s24  }
0xb0: {  	[dreg:$0x4] =	wrdreg $0xB0000  }
0xb1: {  	[dreg:$0x5] =	wrdreg $0x9  }
0xb2: {  	_ =	task.clear_ibuf [dreg:s7], $0x6FFFF;
	_ =	strace $0x90000046  }
0xb3: {  	s29 =	simm.s32 $0x9;
	_ =	strace $0x80000048  }
0xb4: {  	_ =	swait.ge [sflag:s29], $0x1  }
0xb5: {  	[sflag:s29] =	ssyncadd.s32 $0xFFFFFFFF  }
0xb6: {  	_ =	strace $0x90000048  }
0xb7: {  	_ =	sfence  }
0xb8: {  	s30 =	sld [smem:$0x0];
	_ =	sdelay $0x2  }
0xb9: {  	s31 =	sshll.u32 s1, $0xD;
	s1 =	sshrl.u32 s1, $0x2  }
0xba: {  	s3 =	sand.u32 $0x4000, s31;
	s1 =	sadd.s32 s1, s30  }
0xbb: {  	s0 =	sor.u32 s3, s0;
	s1 =	sshll.u32 s1, $0x11  }
0xbc: {  	s0 =	sor.u32 s1, s0  }
0xbd: {  	s0 =	sadd.s32 $0x8F2B, s0  }
0xbe: {  	[sflag:s0] =	ssyncadd.remote.s32 $0x1  }
0xbf: {  	_ =	sfence.sel $0xFFFF  }
0xc0: {  	[dreg:$0x0] =	wrdreg $0xFFFFFFFF;
	(pc) =	sbr.abs _section_cstart, $3  }
0xc1: {  	[dreg:$0x1] =	wrdreg $0xFFFFFFFF  }
0xc2: {  	_ =	task.clear_ibuf [dreg:s7], $0x2FFFF;
	_ =	strace $0x9FFFFFFF  }
0xc3: {  	(tm) =	ssettm $0x7FFFFFFF  }
tec
execute0_lowered:
.L_overlay_start_1:
0x0: {  	(tag) =	ssettag $0x1  }
0x1: {  	s1 =	rddreg [dreg:$0x0]  }
0x2: {  	s0 =	rddreg [dreg:$0x1]  }
0x3: {  	s2 =	rddreg [dreg:$0x2];
	s3 =	srdreg.scid  }
0x4: {  	s4 =	simm.s32 $0x0;
	s8 =	stileid.u32;
	s19 =	simm.s32 $0x3  }
0x5: {  	s20 =	simm.s32 $0x80;
	s22 =	simm.s32 $0x7000;
	s24 =	simm.s32 $0x9000  }
0x6: {  	s28 =	simm.s32 $0x40;
	s29 =	simm.s32 $0x2;
	s30 =	simm.s32 $0x0  }
0x7: {  	s3 =	sand.u32 $0x1, s3;
	[smem:$0x7FF] =	sst s4;
	s9 =	smul.u32 $0x14000, s8  }
0x8: {  	s5 =	smul.u32 $0x140000, s3;
	s6 =	sshll.u32 s3, $0x4;
	_ =	strace $0x80000047  }
0x9: {  	s3 =	ssub.s32 $0x2, s3;
	s6 =	sor.u32 s8, s6;
	s8 =	smul.u32 $0x50000, s8  }
0xa: {  	s7 =	sshrl.u32 s3, $0x1;
	s6 =	smul.u32 $0x500, s6;
	s5 =	sadd.s32 s9, s5  }
0xb: {  	s31 =	sadd.s32 s9, s2;
	s3 =	ssub.s32 s3, s7;
	s5 =	sshrl.u32 s5, $0x3  }
0xc: {  	s26 =	sshrl.u32 s8, $0x2;
	s9 =	smax.u32 s3, $0x1;
	s6 =	sadd.s32 s6, s0  }
0xd: {  	s0 =	sadd.s32 s5, s0;
	s7 =	sadd.s32 s26, s2;
	s26 =	simm.s32 $0x1  }
.Ltmp0:
0xe: {  	s25 =	sadd.s32 $0xC600, s6;
	s6 =	sadd.s32 $0x2600, s6;
	(pc) =	sbr.rel .LBB2_1-.Ltmp0, $4  }
0xf: {  	s8 =	sadd.s32 $0x16600, s0;
	s10 =	sadd.s32 $0x2000, s7;
	s11 =	sadd.s32 $0x4000, s7  }
0x10: {  	s12 =	sadd.s32 $0x6000, s7;
	s13 =	sadd.s32 $0x8000, s7;
	s14 =	sadd.s32 $0xA000, s7  }
0x11: {  	s15 =	sadd.s32 $0xC000, s7;
	s16 =	sadd.s32 $0xE000, s7;
	s17 =	sadd.s32 $0x10000, s7  }
0x12: {  	v0 =	vimm.f32 $0.0e+00;
	s18 =	sadd.s32 $0x12000, s7;
	[dreg:$0x4] =	wrdreg s25;
	s25 =	sshrl.u32 s31, $0x3  }
.LBB2_14:
0x13: {  	s0 =	stileid.u32;
	s30 =	sadd.s32 $0x1, s30  }
0x14: {  	s0 =	sshll.u32 s0, $0x6;
	p0 =	sne.s32 s30, s9  }
.Ltmp1:
0x15: {  	[bflag:$0x0] =	sbarrier.arrive $0xFFFF;
	s0 =	sor.u32 $0x1C03, s0;
	(pc) =	sbr.rel @!p0 .LBB2_15-.Ltmp1, $4  }
0x16: {  	[hbm:s8], [sflag:s0] =	dma.local [spmem:s25], $0x2800  }
0x17: {  	_ =	swait.ge [sflag:s19], $0x2800  }
0x18: {  	[sflag:s19] =	ssyncset.done $0x0  }
0x19: {  	[sflag:s19] =	ssyncadd.s32 $0xFFFFD800  }
.LBB2_1:
0x1a: {  	s0 =	rddreg [dreg:$0x4]  }
0x1b: {  	[tilespmem:s4], [sflag:$0x3] =	stream.linear.gather [hbm4b:s0+s4], $0x2800, $0x38;
	[tilespmem:$0x1F000] =	vst v63  }
0x1c: {  	_ =	swait.ge [sflag:s19], $0x2800  }
0x1d: {  	[sflag:s19] =	ssyncset.done $0x0  }
0x1e: {  	s21 =	simm.s32 $0x5000;
	[sflag:s19] =	ssyncadd.s32 $0xFFFFD800  }
0x1f: {  	[tilespmem:s21], [sflag:$0x1] =	stream.indirect.gather [hbm4b:s1+s20], $0x40, s4, s20, $0xb8;
	[tilespmem:$0x1F000] =	vst v63  }
0x20: {  	_ = 	snop  }
0x21: {  	[tilespmem:s22], [sflag:$0x2] =	stream.indirect.gather [hbm4b:s1+s20], $0x40, s20, s20, $0xb8;
	[tilespmem:$0x1F000] =	vst v63  }
0x22: {  	s23 =	simm.s32 $0x2800  }
0x23: {  	[tilespmem:s23], [sflag:$0x3] =	stream.linear.gather [hbm4b:s6+s4], $0x2800, $0x38;
	[tilespmem:$0x1F000] =	vst v63  }
0x24: {  	s31 =	sand.u32 $0x7E00, s4;
	s3 =	sand.u32 $0x70, s4;
	_ =	swait.ge [sflag:s19], $0x2800  }
0x25: {  	s5 =	sshrl.u32 s31, $0x2;
	s0 =	simm.s32 $0x40;
	[sflag:s19] =	ssyncset.done $0x0  }
0x26: {  	s5 =	sor.u32 s3, s5;
	s3 =	simm.s32 $0x0;
	[sflag:s19] =	ssyncadd.s32 $0xFFFFD800  }
.LBB2_2:
0x27: {  	p0 =	sne.s32 s0, $0x7FC0  }
0x28: {  	[tilespmem:s5+$0x9000] =	vst v0;
	s3 =	sadd.s32 $0x10, s3;
	s5 =	smov.u32 s0;
	s0 =	sadd.s32 $0x40, s0  }
.Ltmp2:
0x29: {  	(pc) =	sbr.rel @p0 .LBB2_2-.Ltmp2, $4  }
0x2a: {  	_ = 	snop  }
0x2b: {  	s5 =	sand.u32 $0x7E00, s5  }
0x2c: {  	s21 =	sand.u32 $0x70, s3;
	s5 =	sshrl.u32 s5, $0x2  }
0x2d: {  	s5 =	sor.u32 s21, s5  }
0x2e: {  	[tilespmem:s5+$0x9000] =	vst v0  }
0x2f: {  	[spmem:s7] =	stream.linear.scatter [tilespmem:s24], [sflag:$0x3], $0x2000, $0x38;
	[tilespmem:$0x1F000] =	vst v63  }
0x30: {  	_ =	swait.ge [sflag:s19], $0x2000  }
0x31: {  	[sflag:s19] =	ssyncset.done $0x0  }
0x32: {  	[sflag:s19] =	ssyncadd.s32 $0xFFFFE000  }
0x33: {  	[spmem:s10] =	stream.linear.scatter [tilespmem:s24], [sflag:$0x3], $0x2000, $0x38;
	[tilespmem:$0x1F000] =	vst v63  }
0x34: {  	_ =	swait.ge [sflag:s19], $0x2000  }
0x35: {  	[sflag:s19] =	ssyncset.done $0x0  }
0x36: {  	[sflag:s19] =	ssyncadd.s32 $0xFFFFE000  }
0x37: {  	[spmem:s11] =	stream.linear.scatter [tilespmem:s24], [sflag:$0x3], $0x2000, $0x38;
	[tilespmem:$0x1F000] =	vst v63  }
0x38: {  	_ =	swait.ge [sflag:s19], $0x2000  }
0x39: {  	[sflag:s19] =	ssyncset.done $0x0  }
0x3a: {  	[sflag:s19] =	ssyncadd.s32 $0xFFFFE000  }
0x3b: {  	[spmem:s12] =	stream.linear.scatter [tilespmem:s24], [sflag:$0x3], $0x2000, $0x38;
	[tilespmem:$0x1F000] =	vst v63  }
0x3c: {  	_ =	swait.ge [sflag:s19], $0x2000  }
0x3d: {  	[sflag:s19] =	ssyncset.done $0x0  }
0x3e: {  	[sflag:s19] =	ssyncadd.s32 $0xFFFFE000  }
0x3f: {  	[spmem:s13] =	stream.linear.scatter [tilespmem:s24], [sflag:$0x3], $0x2000, $0x38;
	[tilespmem:$0x1F000] =	vst v63  }
0x40: {  	_ =	swait.ge [sflag:s19], $0x2000  }
0x41: {  	[sflag:s19] =	ssyncset.done $0x0  }
0x42: {  	[sflag:s19] =	ssyncadd.s32 $0xFFFFE000  }
0x43: {  	[spmem:s14] =	stream.linear.scatter [tilespmem:s24], [sflag:$0x3], $0x2000, $0x38;
	[tilespmem:$0x1F000] =	vst v63  }
0x44: {  	_ =	swait.ge [sflag:s19], $0x2000  }
0x45: {  	[sflag:s19] =	ssyncset.done $0x0  }
0x46: {  	[sflag:s19] =	ssyncadd.s32 $0xFFFFE000  }
0x47: {  	[spmem:s15] =	stream.linear.scatter [tilespmem:s24], [sflag:$0x3], $0x2000, $0x38;
	[tilespmem:$0x1F000] =	vst v63  }
0x48: {  	_ =	swait.ge [sflag:s19], $0x2000  }
0x49: {  	[sflag:s19] =	ssyncset.done $0x0  }
0x4a: {  	[sflag:s19] =	ssyncadd.s32 $0xFFFFE000  }
0x4b: {  	[spmem:s16] =	stream.linear.scatter [tilespmem:s24], [sflag:$0x3], $0x2000, $0x38;
	[tilespmem:$0x1F000] =	vst v63  }
0x4c: {  	_ =	swait.ge [sflag:s19], $0x2000  }
0x4d: {  	[sflag:s19] =	ssyncset.done $0x0  }
0x4e: {  	[sflag:s19] =	ssyncadd.s32 $0xFFFFE000  }
0x4f: {  	[spmem:s17] =	stream.linear.scatter [tilespmem:s24], [sflag:$0x3], $0x2000, $0x38;
	[tilespmem:$0x1F000] =	vst v63  }
0x50: {  	_ =	swait.ge [sflag:s19], $0x2000  }
0x51: {  	[sflag:s19] =	ssyncset.done $0x0  }
0x52: {  	[sflag:s19] =	ssyncadd.s32 $0xFFFFE000  }
0x53: {  	[spmem:s18] =	stream.linear.scatter [tilespmem:s24], [sflag:$0x3], $0x2000, $0x38;
	[tilespmem:$0x1F000] =	vst v63  }
0x54: {  	_ =	swait.ge [sflag:s19], $0x2000  }
0x55: {  	[sflag:s19] =	ssyncset.done $0x0  }
0x56: {  	[sflag:s19] =	ssyncadd.s32 $0xFFFFE000  }
0x57: {  	s31 =	simm.s32 $0x0;
	[bflag:$0x0] =	sbarrier.arrive $0xFFFF  }
.LBB2_4:
0x58: {  	_ =	swait.ge [sflag:s26], $0x2000  }
0x59: {  	[sflag:s26] =	ssyncset.done $0x0  }
0x5a: {  	s3 =	simm.s32 $0x0;
	[sflag:s26] =	ssyncadd.s32 $0xFFFFE000  }
0x5b: {  	v1 =	vld [tilespmem:s3+$0x5000];
	_ =	sdelay $0x4  }
0x5c: {  	s0 =	simm.s32 $0x9040;
	v2 =	vshll.u32 v1, $0x10  }
0x5d: {  	v1 =	vand.u32 $0xFFFF0000, v1;
	[tilespmem:s0+$0xFFFFFFC0] =	vst v2  }
0x5e: {  	[tilespmem:s0+$0x0] =	vst v1  }
0x5f: {  	v1 =	vld [tilespmem:s3+$0x5010];
	_ =	sdelay $0x4  }
0x60: {  	v2 =	vshll.u32 v1, $0x10  }
0x61: {  	v1 =	vand.u32 $0xFFFF0000, v1;
	[tilespmem:s0+$0xFFFFFFD0] =	vst v2  }
0x62: {  	[tilespmem:s0+$0x10] =	vst v1  }
0x63: {  	v1 =	vld [tilespmem:s3+$0x5020];
	_ =	sdelay $0x4  }
0x64: {  	v2 =	vand.u32 $0xFFFF0000, v1  }
0x65: {  	v1 =	vshll.u32 v1, $0x10;
	[tilespmem:s0+$0x20] =	vst v2  }
0x66: {  	[tilespmem:s0+$0xFFFFFFE0] =	vst v1  }
0x67: {  	v1 =	vld [tilespmem:s3+$0x5030];
	_ =	sdelay $0x4  }
0x68: {  	v2 =	vshll.u32 v1, $0x10  }
0x69: {  	v1 =	vand.u32 $0xFFFF0000, v1;
	[tilespmem:s0+$0xFFFFFFF0] =	vst v2  }
0x6a: {  	s21 =	simm.s32 $0x40;
	[tilespmem:s0+$0x30] =	vst v1  }
0x6b: {  	v1 =	vld [tilespmem:s21+$0x5000]  }
0x6c: {  	s3 =	simm.s32 $0x200  }
.LBB2_5:
0x6d: {  	p0 =	sne.s32 s3, $0x3F00;
	_ =	sdelay $0x2  }
0x6e: {  	s0 =	sadd.s32 $0x80, s0;
	v2 =	vshll.u32 v1, $0x10  }
0x6f: {  	v1 =	vand.u32 $0xFFFF0000, v1;
	[tilespmem:s0+$0xFFFFFFC0] =	vst v2  }
0x70: {  	[tilespmem:s0+$0x0] =	vst v1  }
0x71: {  	v1 =	vld [tilespmem:s21+$0x5010];
	_ =	sdelay $0x4  }
0x72: {  	v2 =	vshll.u32 v1, $0x10  }
0x73: {  	v1 =	vand.u32 $0xFFFF0000, v1;
	[tilespmem:s0+$0xFFFFFFD0] =	vst v2  }
0x74: {  	[tilespmem:s0+$0x10] =	vst v1  }
0x75: {  	v1 =	vld [tilespmem:s21+$0x5020];
	_ =	sdelay $0x4  }
0x76: {  	v2 =	vshll.u32 v1, $0x10;
	v1 =	vand.u32 $0xFFFF0000, v1  }
0x77: {  	[tilespmem:s0+$0x20] =	vst v1  }
0x78: {  	[tilespmem:s0+$0xFFFFFFE0] =	vst v2  }
0x79: {  	v1 =	vld [tilespmem:s21+$0x5030];
	_ =	sdelay $0x4  }
.Ltmp3:
0x7a: {  	v2 =	vshll.u32 v1, $0x10;
	v1 =	vand.u32 $0xFFFF0000, v1;
	(pc) =	sbr.rel @p0 .LBB2_5-.Ltmp3, $4  }
0x7b: {  	[tilespmem:s0+$0xFFFFFFF0] =	vst v2  }
0x7c: {  	s21 =	sshra.s32 s3, $0x2;
	[tilespmem:s0+$0x30] =	vst v1  }
0x7d: {  	v1 =	vld [tilespmem:s21+$0x5000]  }
0x7e: {  	s3 =	sadd.s32 $0x100, s3  }
0x7f: {  	_ =	sdelay $0x2  }
0x80: {  	s3 =	sadd.s32 $0x80, s0;
	v2 =	vshll.u32 v1, $0x10  }
0x81: {  	v1 =	vand.u32 $0xFFFF0000, v1;
	[tilespmem:s3+$0xFFFFFFC0] =	vst v2  }
0x82: {  	[tilespmem:s3+$0x0] =	vst v1  }
0x83: {  	v1 =	vld [tilespmem:s21+$0x5010];
	_ =	sdelay $0x4  }
0x84: {  	v2 =	vshll.u32 v1, $0x10  }
0x85: {  	v1 =	vand.u32 $0xFFFF0000, v1;
	[tilespmem:s3+$0xFFFFFFD0] =	vst v2  }
0x86: {  	[tilespmem:s3+$0x10] =	vst v1  }
0x87: {  	v1 =	vld [tilespmem:s21+$0x5020];
	_ =	sdelay $0x4  }
0x88: {  	v2 =	vand.u32 $0xFFFF0000, v1  }
0x89: {  	v1 =	vshll.u32 v1, $0x10;
	[tilespmem:s3+$0x20] =	vst v2  }
0x8a: {  	[tilespmem:s3+$0xFFFFFFE0] =	vst v1  }
0x8b: {  	v1 =	vld [tilespmem:s21+$0x5030];
	_ =	sdelay $0x4  }
0x8c: {  	s21 =	sshll.u32 s31, $0xA;
	v2 =	vshll.u32 v1, $0x10  }
0x8d: {  	s0 =	sshrl.u32 s21, $0x2;
	v1 =	vand.u32 $0xFFFF0000, v1;
	[tilespmem:s3+$0xFFFFFFF0] =	vst v2  }
0x8e: {  	s23 =	sadd.s32 $0x2800, s0;
	[tilespmem:s3+$0x30] =	vst v1  }
0x8f: {  	[spmem:s2] =	stream.indirect.scatter.add.f32 [tilespmem:s24], [sflag:$0x3], $0x80, s23, s28, $0xb8;
	[tilespmem:$0x1F000] =	vst v63  }
0x90: {  	_ =	swait.ge [sflag:s19], $0x2000  }
0x91: {  	[sflag:s19] =	ssyncset.done $0x0  }
0x92: {  	s5 =	simm.s32 $0x0;
	[sflag:s19] =	ssyncadd.s32 $0xFFFFE000  }
0x93: {  	v1 =	vld [tilespmem:s5+$0x6000];
	_ =	sdelay $0x4  }
0x94: {  	s23 =	simm.s32 $0x9040;
	v2 =	vshll.u32 v1, $0x10  }
0x95: {  	v1 =	vand.u32 $0xFFFF0000, v1;
	[tilespmem:s23+$0xFFFFFFC0] =	vst v2  }
0x96: {  	[tilespmem:s23+$0x0] =	vst v1  }
0x97: {  	v1 =	vld [tilespmem:s5+$0x6010];
	_ =	sdelay $0x4  }
0x98: {  	v2 =	vshll.u32 v1, $0x10  }
0x99: {  	v1 =	vand.u32 $0xFFFF0000, v1;
	[tilespmem:s23+$0xFFFFFFD0] =	vst v2  }
0x9a: {  	[tilespmem:s23+$0x10] =	vst v1  }
0x9b: {  	v1 =	vld [tilespmem:s5+$0x6020];
	_ =	sdelay $0x4  }
0x9c: {  	v2 =	vand.u32 $0xFFFF0000, v1  }
0x9d: {  	v1 =	vshll.u32 v1, $0x10;
	[tilespmem:s23+$0x20] =	vst v2  }
0x9e: {  	[tilespmem:s23+$0xFFFFFFE0] =	vst v1  }
0x9f: {  	v1 =	vld [tilespmem:s5+$0x6030];
	_ =	sdelay $0x4  }
0xa0: {  	v2 =	vshll.u32 v1, $0x10  }
0xa1: {  	v1 =	vand.u32 $0xFFFF0000, v1;
	[tilespmem:s23+$0xFFFFFFF0] =	vst v2  }
0xa2: {  	s3 =	simm.s32 $0x40;
	[tilespmem:s23+$0x30] =	vst v1  }
0xa3: {  	v1 =	vld [tilespmem:s3+$0x6000]  }
0xa4: {  	s5 =	simm.s32 $0x200  }
.LBB2_7:
0xa5: {  	p0 =	sne.s32 s5, $0x3F00;
	_ =	sdelay $0x2  }
0xa6: {  	s23 =	sadd.s32 $0x80, s23;
	v2 =	vshll.u32 v1, $0x10  }
0xa7: {  	v1 =	vand.u32 $0xFFFF0000, v1;
	[tilespmem:s23+$0xFFFFFFC0] =	vst v2  }
0xa8: {  	[tilespmem:s23+$0x0] =	vst v1  }
0xa9: {  	v1 =	vld [tilespmem:s3+$0x6010];
	_ =	sdelay $0x4  }
0xaa: {  	v2 =	vshll.u32 v1, $0x10  }
0xab: {  	v1 =	vand.u32 $0xFFFF0000, v1;
	[tilespmem:s23+$0xFFFFFFD0] =	vst v2  }
0xac: {  	[tilespmem:s23+$0x10] =	vst v1  }
0xad: {  	v1 =	vld [tilespmem:s3+$0x6020];
	_ =	sdelay $0x4  }
0xae: {  	v2 =	vshll.u32 v1, $0x10;
	v1 =	vand.u32 $0xFFFF0000, v1  }
0xaf: {  	[tilespmem:s23+$0x20] =	vst v1  }
0xb0: {  	[tilespmem:s23+$0xFFFFFFE0] =	vst v2  }
0xb1: {  	v1 =	vld [tilespmem:s3+$0x6030];
	_ =	sdelay $0x4  }
.Ltmp4:
0xb2: {  	v2 =	vshll.u32 v1, $0x10;
	v1 =	vand.u32 $0xFFFF0000, v1;
	(pc) =	sbr.rel @p0 .LBB2_7-.Ltmp4, $4  }
0xb3: {  	[tilespmem:s23+$0xFFFFFFF0] =	vst v2  }
0xb4: {  	s3 =	sshra.s32 s5, $0x2;
	[tilespmem:s23+$0x30] =	vst v1  }
0xb5: {  	v1 =	vld [tilespmem:s3+$0x6000]  }
0xb6: {  	s5 =	sadd.s32 $0x100, s5  }
0xb7: {  	_ =	sdelay $0x2  }
0xb8: {  	s5 =	sadd.s32 $0x80, s23;
	v2 =	vshll.u32 v1, $0x10  }
0xb9: {  	v1 =	vand.u32 $0xFFFF0000, v1;
	[tilespmem:s5+$0xFFFFFFC0] =	vst v2  }
0xba: {  	[tilespmem:s5+$0x0] =	vst v1  }
0xbb: {  	v1 =	vld [tilespmem:s3+$0x6010];
	_ =	sdelay $0x4  }
0xbc: {  	v2 =	vshll.u32 v1, $0x10  }
0xbd: {  	v1 =	vand.u32 $0xFFFF0000, v1;
	[tilespmem:s5+$0xFFFFFFD0] =	vst v2  }
0xbe: {  	[tilespmem:s5+$0x10] =	vst v1  }
0xbf: {  	v1 =	vld [tilespmem:s3+$0x6020];
	_ =	sdelay $0x4  }
0xc0: {  	v2 =	vand.u32 $0xFFFF0000, v1  }
0xc1: {  	v1 =	vshll.u32 v1, $0x10;
	[tilespmem:s5+$0x20] =	vst v2  }
0xc2: {  	[tilespmem:s5+$0xFFFFFFE0] =	vst v1  }
0xc3: {  	v1 =	vld [tilespmem:s3+$0x6030];
	_ =	sdelay $0x4  }
0xc4: {  	v2 =	vshll.u32 v1, $0x10  }
0xc5: {  	v1 =	vand.u32 $0xFFFF0000, v1;
	[tilespmem:s5+$0xFFFFFFF0] =	vst v2  }
0xc6: {  	[tilespmem:s5+$0x30] =	vst v1;
	s5 =	sadd.s32 $0x2840, s0  }
0xc7: {  	[spmem:s2] =	stream.indirect.scatter.add.f32 [tilespmem:s24], [sflag:$0x3], $0x80, s5, s28, $0xb8;
	[tilespmem:$0x1F000] =	vst v63  }
0xc8: {  	p0 =	seq.s32 s31, $0x27;
	_ =	swait.ge [sflag:s19], $0x2000  }
0xc9: {  	s3 =	sshrl.u32 @!p0 s21, $0x2;
	s21 =	simm.s32 @!p0 $0x5000;
	[sflag:s19] =	ssyncset.done $0x0  }
0xca: {  	s3 =	sadd.s32 @!p0 $0x100, s3;
	s5 =	simm.s32 @!p0 $0x80;
	[sflag:s19] =	ssyncadd.s32 $0xFFFFE000  }
0xcb: {  	[tilespmem:s21], [sflag:$0x1] =	stream.indirect.gather @!p0 [hbm4b:s1+s5], $0x40, s3, s5, $0xb8;
	[tilespmem:$0x1F000] =	vst v63  }
0xcc: {  	_ =	swait.ge [sflag:s29], $0x2000  }
0xcd: {  	[sflag:s29] =	ssyncset.done $0x0  }
0xce: {  	s23 =	simm.s32 $0x0;
	[sflag:s29] =	ssyncadd.s32 $0xFFFFE000  }
0xcf: {  	v1 =	vld [tilespmem:s23+$0x7000];
	_ =	sdelay $0x4  }
0xd0: {  	s21 =	simm.s32 $0x9040;
	v2 =	vshll.u32 v1, $0x10  }
0xd1: {  	v1 =	vand.u32 $0xFFFF0000, v1;
	[tilespmem:s21+$0xFFFFFFC0] =	vst v2  }
0xd2: {  	[tilespmem:s21+$0x0] =	vst v1  }
0xd3: {  	v1 =	vld [tilespmem:s23+$0x7010];
	_ =	sdelay $0x4  }
0xd4: {  	v2 =	vshll.u32 v1, $0x10  }
0xd5: {  	v1 =	vand.u32 $0xFFFF0000, v1;
	[tilespmem:s21+$0xFFFFFFD0] =	vst v2  }
0xd6: {  	[tilespmem:s21+$0x10] =	vst v1  }
0xd7: {  	v1 =	vld [tilespmem:s23+$0x7020];
	_ =	sdelay $0x4  }
0xd8: {  	v2 =	vand.u32 $0xFFFF0000, v1  }
0xd9: {  	v1 =	vshll.u32 v1, $0x10;
	[tilespmem:s21+$0x20] =	vst v2  }
0xda: {  	[tilespmem:s21+$0xFFFFFFE0] =	vst v1  }
0xdb: {  	v1 =	vld [tilespmem:s23+$0x7030];
	_ =	sdelay $0x4  }
0xdc: {  	v2 =	vshll.u32 v1, $0x10  }
0xdd: {  	v1 =	vand.u32 $0xFFFF0000, v1;
	[tilespmem:s21+$0xFFFFFFF0] =	vst v2  }
0xde: {  	s3 =	simm.s32 $0x40;
	[tilespmem:s21+$0x30] =	vst v1  }
0xdf: {  	v1 =	vld [tilespmem:s3+$0x7000]  }
0xe0: {  	s5 =	simm.s32 $0x200  }
.LBB2_9:
0xe1: {  	p1 =	sne.s32 s5, $0x3F00;
	_ =	sdelay $0x2  }
0xe2: {  	s21 =	sadd.s32 $0x80, s21;
	v2 =	vshll.u32 v1, $0x10  }
0xe3: {  	v1 =	vand.u32 $0xFFFF0000, v1;
	[tilespmem:s21+$0xFFFFFFC0] =	vst v2  }
0xe4: {  	[tilespmem:s21+$0x0] =	vst v1  }
0xe5: {  	v1 =	vld [tilespmem:s3+$0x7010];
	_ =	sdelay $0x4  }
0xe6: {  	v2 =	vshll.u32 v1, $0x10  }
0xe7: {  	v1 =	vand.u32 $0xFFFF0000, v1;
	[tilespmem:s21+$0xFFFFFFD0] =	vst v2  }
0xe8: {  	[tilespmem:s21+$0x10] =	vst v1  }
0xe9: {  	v1 =	vld [tilespmem:s3+$0x7020];
	_ =	sdelay $0x4  }
0xea: {  	v2 =	vshll.u32 v1, $0x10;
	v1 =	vand.u32 $0xFFFF0000, v1  }
0xeb: {  	[tilespmem:s21+$0x20] =	vst v1  }
0xec: {  	[tilespmem:s21+$0xFFFFFFE0] =	vst v2  }
0xed: {  	v1 =	vld [tilespmem:s3+$0x7030];
	_ =	sdelay $0x4  }
.Ltmp5:
0xee: {  	v2 =	vshll.u32 v1, $0x10;
	v1 =	vand.u32 $0xFFFF0000, v1;
	(pc) =	sbr.rel @p1 .LBB2_9-.Ltmp5, $4  }
0xef: {  	[tilespmem:s21+$0xFFFFFFF0] =	vst v2  }
0xf0: {  	s3 =	sshra.s32 s5, $0x2;
	[tilespmem:s21+$0x30] =	vst v1  }
0xf1: {  	v1 =	vld [tilespmem:s3+$0x7000]  }
0xf2: {  	s5 =	sadd.s32 $0x100, s5  }
0xf3: {  	_ =	sdelay $0x2  }
0xf4: {  	s5 =	sadd.s32 $0x80, s21;
	v2 =	vshll.u32 v1, $0x10  }
0xf5: {  	v1 =	vand.u32 $0xFFFF0000, v1;
	[tilespmem:s5+$0xFFFFFFC0] =	vst v2  }
0xf6: {  	[tilespmem:s5+$0x0] =	vst v1  }
0xf7: {  	v1 =	vld [tilespmem:s3+$0x7010];
	_ =	sdelay $0x4  }
0xf8: {  	v2 =	vshll.u32 v1, $0x10  }
0xf9: {  	v1 =	vand.u32 $0xFFFF0000, v1;
	[tilespmem:s5+$0xFFFFFFD0] =	vst v2  }
0xfa: {  	[tilespmem:s5+$0x10] =	vst v1  }
0xfb: {  	v1 =	vld [tilespmem:s3+$0x7020];
	_ =	sdelay $0x4  }
0xfc: {  	v2 =	vand.u32 $0xFFFF0000, v1  }
0xfd: {  	v1 =	vshll.u32 v1, $0x10;
	[tilespmem:s5+$0x20] =	vst v2  }
0xfe: {  	[tilespmem:s5+$0xFFFFFFE0] =	vst v1  }
0xff: {  	v1 =	vld [tilespmem:s3+$0x7030];
	_ =	sdelay $0x4  }
0x100: {  	v2 =	vshll.u32 v1, $0x10  }
0x101: {  	v1 =	vand.u32 $0xFFFF0000, v1;
	[tilespmem:s5+$0xFFFFFFF0] =	vst v2  }
0x102: {  	s21 =	sadd.s32 $0x2880, s0;
	[tilespmem:s5+$0x30] =	vst v1  }
0x103: {  	[spmem:s2] =	stream.indirect.scatter.add.f32 [tilespmem:s24], [sflag:$0x3], $0x80, s21, s28, $0xb8;
	[tilespmem:$0x1F000] =	vst v63  }
0x104: {  	_ =	swait.ge [sflag:s19], $0x2000  }
0x105: {  	[sflag:s19] =	ssyncset.done $0x0  }
0x106: {  	s23 =	simm.s32 $0x0;
	[sflag:s19] =	ssyncadd.s32 $0xFFFFE000  }
0x107: {  	v1 =	vld [tilespmem:s23+$0x8000];
	_ =	sdelay $0x4  }
0x108: {  	s21 =	simm.s32 $0x9040;
	v2 =	vshll.u32 v1, $0x10  }
0x109: {  	v1 =	vand.u32 $0xFFFF0000, v1;
	[tilespmem:s21+$0xFFFFFFC0] =	vst v2  }
0x10a: {  	[tilespmem:s21+$0x0] =	vst v1  }
0x10b: {  	v1 =	vld [tilespmem:s23+$0x8010];
	_ =	sdelay $0x4  }
0x10c: {  	v2 =	vshll.u32 v1, $0x10  }
0x10d: {  	v1 =	vand.u32 $0xFFFF0000, v1;
	[tilespmem:s21+$0xFFFFFFD0] =	vst v2  }
0x10e: {  	[tilespmem:s21+$0x10] =	vst v1  }
0x10f: {  	v1 =	vld [tilespmem:s23+$0x8020];
	_ =	sdelay $0x4  }
0x110: {  	v2 =	vand.u32 $0xFFFF0000, v1  }
0x111: {  	v1 =	vshll.u32 v1, $0x10;
	[tilespmem:s21+$0x20] =	vst v2  }
0x112: {  	[tilespmem:s21+$0xFFFFFFE0] =	vst v1  }
0x113: {  	v1 =	vld [tilespmem:s23+$0x8030];
	_ =	sdelay $0x4  }
0x114: {  	v2 =	vshll.u32 v1, $0x10  }
0x115: {  	v1 =	vand.u32 $0xFFFF0000, v1;
	[tilespmem:s21+$0xFFFFFFF0] =	vst v2  }
0x116: {  	s3 =	simm.s32 $0x40;
	[tilespmem:s21+$0x30] =	vst v1  }
0x117: {  	v1 =	vld [tilespmem:s3+$0x8000]  }
0x118: {  	s5 =	simm.s32 $0x200  }
.LBB2_11:
0x119: {  	p1 =	sne.s32 s5, $0x3F00;
	_ =	sdelay $0x2  }
0x11a: {  	s21 =	sadd.s32 $0x80, s21;
	v2 =	vshll.u32 v1, $0x10  }
0x11b: {  	v1 =	vand.u32 $0xFFFF0000, v1;
	[tilespmem:s21+$0xFFFFFFC0] =	vst v2  }
0x11c: {  	[tilespmem:s21+$0x0] =	vst v1  }
0x11d: {  	v1 =	vld [tilespmem:s3+$0x8010];
	_ =	sdelay $0x4  }
0x11e: {  	v2 =	vshll.u32 v1, $0x10  }
0x11f: {  	v1 =	vand.u32 $0xFFFF0000, v1;
	[tilespmem:s21+$0xFFFFFFD0] =	vst v2  }
0x120: {  	[tilespmem:s21+$0x10] =	vst v1  }
0x121: {  	v1 =	vld [tilespmem:s3+$0x8020];
	_ =	sdelay $0x4  }
0x122: {  	v2 =	vshll.u32 v1, $0x10;
	v1 =	vand.u32 $0xFFFF0000, v1  }
0x123: {  	[tilespmem:s21+$0x20] =	vst v1  }
0x124: {  	[tilespmem:s21+$0xFFFFFFE0] =	vst v2  }
0x125: {  	v1 =	vld [tilespmem:s3+$0x8030];
	_ =	sdelay $0x4  }
.Ltmp6:
0x126: {  	v2 =	vshll.u32 v1, $0x10;
	v1 =	vand.u32 $0xFFFF0000, v1;
	(pc) =	sbr.rel @p1 .LBB2_11-.Ltmp6, $4  }
0x127: {  	[tilespmem:s21+$0xFFFFFFF0] =	vst v2  }
0x128: {  	s3 =	sshra.s32 s5, $0x2;
	[tilespmem:s21+$0x30] =	vst v1  }
0x129: {  	v1 =	vld [tilespmem:s3+$0x8000]  }
0x12a: {  	s5 =	sadd.s32 $0x100, s5  }
0x12b: {  	_ =	sdelay $0x2  }
0x12c: {  	s5 =	sadd.s32 $0x80, s21;
	v2 =	vshll.u32 v1, $0x10  }
0x12d: {  	v1 =	vand.u32 $0xFFFF0000, v1;
	[tilespmem:s5+$0xFFFFFFC0] =	vst v2  }
0x12e: {  	[tilespmem:s5+$0x0] =	vst v1  }
0x12f: {  	v1 =	vld [tilespmem:s3+$0x8010];
	_ =	sdelay $0x4  }
0x130: {  	v2 =	vshll.u32 v1, $0x10  }
0x131: {  	v1 =	vand.u32 $0xFFFF0000, v1;
	[tilespmem:s5+$0xFFFFFFD0] =	vst v2  }
0x132: {  	[tilespmem:s5+$0x10] =	vst v1  }
0x133: {  	v1 =	vld [tilespmem:s3+$0x8020];
	_ =	sdelay $0x4  }
0x134: {  	v2 =	vand.u32 $0xFFFF0000, v1  }
0x135: {  	v1 =	vshll.u32 v1, $0x10;
	[tilespmem:s5+$0x20] =	vst v2  }
0x136: {  	[tilespmem:s5+$0xFFFFFFE0] =	vst v1  }
0x137: {  	v1 =	vld [tilespmem:s3+$0x8030];
	_ =	sdelay $0x4  }
0x138: {  	v2 =	vshll.u32 v1, $0x10  }
0x139: {  	v1 =	vand.u32 $0xFFFF0000, v1;
	[tilespmem:s5+$0xFFFFFFF0] =	vst v2  }
.Ltmp7:
0x13a: {  	s23 =	sadd.s32 $0x28C0, s0;
	[tilespmem:s5+$0x30] =	vst v1;
	(pc) =	sbr.rel @p0 .LBB2_14-.Ltmp7, $4  }
0x13b: {  	[spmem:s2] =	stream.indirect.scatter.add.f32 [tilespmem:s24], [sflag:$0x3], $0x80, s23, s28, $0xb8;
	[tilespmem:$0x1F000] =	vst v63  }
0x13c: {  	_ =	swait.ge [sflag:s19], $0x2000  }
0x13d: {  	[sflag:s19] =	ssyncset.done $0x0  }
0x13e: {  	[sflag:s19] =	ssyncadd.s32 $0xFFFFE000  }
.Ltmp8:
0x13f: {  	(pc) =	sbr.rel .LBB2_4-.Ltmp8, $3  }
0x140: {  	_ =	sdelay $0x1  }
0x141: {  	s0 =	sadd.s32 $0x180, s0;
	s31 =	sadd.s32 $0x1, s31  }
0x142: {  	[tilespmem:s22], [sflag:$0x2] =	stream.indirect.gather [hbm4b:s1+s20], $0x40, s0, s20, $0xb8;
	[tilespmem:$0x1F000] =	vst v63  }
.LBB2_15:
0x143: {  	_ =	sfence.sel $0x180000  }
0x144: {  	[bflag:$0x0] =	sbarrier.arrive $0xFFFF  }
0x145: {  	_ =	strace $0x90000047  }
0x146: {  	s0 =	stileid.u32;
	[bflag:$0x2] =	sbarrier.arrive $0xFFFF  }
0x147: {  	p0 =	sne.s32 s0, $0x0;
	s0 =	rddreg [dreg:$0x3]  }
0x148: {  	s0 =	sadd.s32 @!p0 $0x100000, s0  }
0x149: {  	[sflag:s0] =	ssyncadd.tile.s32 @!p0 $0x1;
	_ =	shalt  }
.Lfunc_end2:
_tile_overlayer_lowered:
.L_overlay_start_2:
0x14a: {  	(tag) =	ssettag $0x2  }
0x14b: {  	s0 =	rddreg [dreg:$0x0];
	s2 =	stileid.u32  }
0x14c: {  	s1 =	rddreg [dreg:$0x1];
	p0 =	sne.s32 s2, $0x0  }
0x14d: {  	s3 =	rddreg [dreg:$0x2];
	[bflag:$0x3] =	sbarrier.arrive $0xFFFF;
	s2 =	simm.s32 @!p0 $0x1C03  }
0x14e: {  	[timem:s3], [sflag:s2] =	dma.local @!p0 [hbm:s0], s1  }
0x14f: {  	s0 =	simm.s32 @!p0 $0x3  }
0x150: {  	_ =	swait.ge @!p0 [sflag:s0], s1  }
0x151: {  	s1 =	ssub.s32 @!p0 $0x0, s1;
	[sflag:s0] =	ssyncset.done @!p0 $0x0  }
0x152: {  	[sflag:s0] =	ssyncadd.s32 @!p0 s1  }
0x153: {  	[bflag:$0x3] =	sbarrier.arrive $0xFFFF  }
0x154: {  	_ =	shalt  }

</sc_bundles>
